<compile_context>
chip_gen: v7x
topology: tpu7x:2x2x1
jax: 0.10.2.dev20260603
libtpu: 0.0.44.dev20260713+nightly
codegen_flags: <defaults>
</compile_context>

<pallas_src>
import functools

import jax
import jax.numpy as jnp
from jax import lax
from jax.experimental import pallas as pl
from jax.experimental.pallas import tpu as pltpu
from jax.experimental.pallas import tpu_sc as plsc

NU = 10000
NI = 10000
E = 320000
R = 5
F = 128
H = 128
O = 64
NB = 16384
BAS = 2

NC = 2
NS = 16
L = 16

DEG_PAD = 10240
ROWS_PER_TILE = DEG_PAD // NS
ET = E // NS
CHUNK = 128
NCH = 157
ETP = NCH * CHUNK
PB = NB // NS
PCH = PB // CHUNK
HR = 5120
ACC_ROWS = HR + 128
ACH = ACC_ROWS // CHUNK


def _mesh():
  return plsc.VectorSubcoreMesh(core_axis_name="c", subcore_axis_name="s",
                                num_cores=NC, num_subcores=NS)


_SC_PARAMS = pltpu.CompilerParams(needs_layout_passes=False)


def _sca_body(edge_hbm, deg_hbm, hist, idxbuf, mbuf, shist2):
  c = lax.axis_index("c")
  s = lax.axis_index("s")
  zero16 = jnp.zeros((L,), jnp.float32)
  ones16 = jnp.full((L,), 1.0, jnp.float32)

  def zero_step(i, _):
    hist[pl.ds(i * L, L)] = zero16
    return 0
  lax.fori_loop(0, DEG_PAD // L, zero_step, 0)
  pltpu.sync_copy(edge_hbm.at[pl.ds(c * E + s * ET, ET)], idxbuf)

  def acc_step(i, _):
    idx = idxbuf[pl.ds(i * L, L)]
    plsc.addupdate_scatter(hist, [idx], ones16)
    return 0
  lax.fori_loop(0, ET // L, acc_step, 0)

  pltpu.sync_copy(hist, shist2.at[pl.ds(s * DEG_PAD, DEG_PAD)])
  plsc.subcore_barrier()
  for r in range(NS):
    pltpu.sync_copy(
        shist2.at[pl.ds(r * DEG_PAD + s * ROWS_PER_TILE, ROWS_PER_TILE)],
        mbuf.at[r])

  def red_step(v, _):
    acc = zero16
    for r in range(NS):
      acc = acc + mbuf[r, pl.ds(v * L, L)]
    hist[pl.ds(v * L, L)] = acc
    return 0
  lax.fori_loop(0, ROWS_PER_TILE // L, red_step, 0)
  pltpu.sync_copy(
      hist.at[pl.ds(0, ROWS_PER_TILE)],
      deg_hbm.at[pl.ds(c * DEG_PAD + s * ROWS_PER_TILE, ROWS_PER_TILE)])


def _run_sca(edge_flat):
  f = pl.kernel(
      _sca_body,
      out_type=jax.ShapeDtypeStruct((2 * DEG_PAD,), jnp.float32),
      mesh=_mesh(),
      compiler_params=_SC_PARAMS,
      scratch_types=[
          pltpu.VMEM((DEG_PAD,), jnp.float32),
          pltpu.VMEM((ET,), jnp.int32),
          pltpu.VMEM((NS, ROWS_PER_TILE), jnp.float32),
          pltpu.VMEM_SHARED((NS * DEG_PAD,), jnp.float32),
      ],
  )
  return f(edge_flat).reshape(2, DEG_PAD)


def _scb_body(tabs_hbm, gidx_hbm, sidx0_hbm, sidx1_hbm, out_hbm,
              gbuf, sbuf, rbuf, zbuf, accum, sem):
  c = lax.axis_index("c")
  s = lax.axis_index("s")
  zero16 = jnp.zeros((L,), jnp.float32)

  def zero_step(k, _):
    zbuf[k // (H // L), pl.ds((k % (H // L)) * L, L)] = zero16
    return 0
  lax.fori_loop(0, CHUNK * (H // L), zero_step, 0)

  def zero_accum():
    for k in range(3):
      m = s + NS * k
      @pl.when(m < ACH)
      def _():
        pltpu.sync_copy(zbuf, accum.at[pl.ds(m * CHUNK, CHUNK)])

  def copy_out(p):
    for k in range(3):
      m = s + NS * k
      @pl.when(m < ACH)
      def _():
        pltpu.sync_copy(accum.at[pl.ds(m * CHUNK, CHUNK)], rbuf)
        pltpu.sync_copy(rbuf, out_hbm.at[c, p, pl.ds(m * CHUNK, CHUNK)])

  def run_pass(sidx_hbm):
    pltpu.sync_copy(sidx_hbm.at[c, s], sbuf)

    def step(j, _):
      pltpu.async_copy(tabs_hbm.at[gbuf.at[j]], rbuf, sem).wait()
      pltpu.sync_copy(rbuf, accum.at[sbuf.at[j]], add=True)
      return 0
    lax.fori_loop(0, NCH, step, 0)

  zero_accum()
  pltpu.sync_copy(gidx_hbm.at[c, s], gbuf)
  plsc.subcore_barrier()
  run_pass(sidx0_hbm)
  plsc.subcore_barrier()
  copy_out(0)
  plsc.subcore_barrier()
  zero_accum()
  plsc.subcore_barrier()
  run_pass(sidx1_hbm)
  plsc.subcore_barrier()
  copy_out(1)


def _run_scb(tabs, gidx, sidx0, sidx1):
  f = pl.kernel(
      _scb_body,
      out_type=jax.ShapeDtypeStruct((2, 2, ACC_ROWS, H), jnp.float32),
      mesh=_mesh(),
      compiler_params=_SC_PARAMS,
      scratch_types=[
          pltpu.VMEM((NCH, CHUNK), jnp.int32),
          pltpu.VMEM((NCH, CHUNK), jnp.int32),
          pltpu.VMEM((CHUNK, H), jnp.float32),
          pltpu.VMEM((CHUNK, H), jnp.float32),
          pltpu.VMEM_SHARED((ACC_ROWS, H), jnp.float32),
          pltpu.SemaphoreType.DMA,
      ],
  )
  return f(tabs, gidx, sidx0, sidx1)


def _scc_body(tab_hbm, pidx_hbm, out_hbm, ibuf, rbuf, sem):
  c = lax.axis_index("c")
  s = lax.axis_index("s")
  pltpu.sync_copy(pidx_hbm.at[c, s], ibuf)
  for j in range(PCH):
    pltpu.async_copy(tab_hbm.at[ibuf.at[j]], rbuf, sem).wait()
    pltpu.sync_copy(rbuf, out_hbm.at[c, pl.ds(s * PB + j * CHUNK, CHUNK)])


def _run_scc(ptab, pidx):
  f = pl.kernel(
      _scc_body,
      out_type=jax.ShapeDtypeStruct((2, NB, H), jnp.float32),
      mesh=_mesh(),
      compiler_params=_SC_PARAMS,
      scratch_types=[
          pltpu.VMEM((PCH, CHUNK), jnp.int32),
          pltpu.VMEM((CHUNK, H), jnp.float32),
          pltpu.SemaphoreType.DMA,
      ],
  )
  return f(ptab, pidx)


def _tc1_body(feat_ref, deg_ref, w_ref, out_ref):
  scale = lax.rsqrt(jnp.maximum(deg_ref[0], 1.0))
  x = feat_ref[0] * scale
  out_ref[0, 0] = jnp.dot(x, w_ref[0], preferred_element_type=jnp.float32)


def _run_tc1(feats, degs3, W):
  return pl.pallas_call(
      _tc1_body,
      grid=(2, R),
      in_specs=[
          pl.BlockSpec((1, NU, F), lambda c, r: (c, 0, 0)),
          pl.BlockSpec((1, NU, 1), lambda c, r: (c, 0, 0)),
          pl.BlockSpec((1, F, H), lambda c, r: (r, 0, 0)),
      ],
      out_specs=pl.BlockSpec((1, 1, NU, H), lambda c, r: (c, r, 0, 0)),
      out_shape=jax.ShapeDtypeStruct((2, R, NU, H), jnp.float32),
  )(feats, degs3, W)


def _tc2_body(agg_ref, deg_ref, fcw_ref, fcb_ref, out_ref):
  scale = lax.rsqrt(jnp.maximum(deg_ref[0], 1.0))
  t = agg_ref[0, :NU, :] * scale
  a = jnp.maximum(t, 0.1 * t)
  out_ref[0] = jnp.dot(a, fcw_ref[0], preferred_element_type=jnp.float32) + fcb_ref[0]


def _run_tc2(agg, degs3, fcw, fcb):
  return pl.pallas_call(
      _tc2_body,
      grid=(2,),
      in_specs=[
          pl.BlockSpec((1, DEG_PAD, H), lambda c: (c, 0, 0)),
          pl.BlockSpec((1, NU, 1), lambda c: (1 - c, 0, 0)),
          pl.BlockSpec((1, H, O), lambda c: (c, 0, 0)),
          pl.BlockSpec((1, 1, O), lambda c: (c, 0, 0)),
      ],
      out_specs=pl.BlockSpec((1, NU, O), lambda c: (c, 0, 0)),
      out_shape=jax.ShapeDtypeStruct((2, NU, O), jnp.float32),
  )(agg, degs3, fcw, fcb)


def _tc3_body(u_ref, v_ref, ps_ref, comb_ref, out_ref):
  u = u_ref[...]
  v = v_ref[...]
  s0 = jnp.sum(jnp.dot(u, ps_ref[0], preferred_element_type=jnp.float32) * v,
               axis=1, keepdims=True)
  s1 = jnp.sum(jnp.dot(u, ps_ref[1], preferred_element_type=jnp.float32) * v,
               axis=1, keepdims=True)
  out_ref[...] = s0 * comb_ref[0:1, :] + s1 * comb_ref[1:2, :]


def _run_tc3(u, v, Ps, combine):
  return pl.pallas_call(
      _tc3_body,
      out_shape=jax.ShapeDtypeStruct((NB, R), jnp.float32),
  )(u, v, Ps, combine)


def _pad_idx(x, fill, nch=NCH):
  x = x.reshape(NS, ET)
  x = jnp.pad(x, ((0, 0), (0, nch * CHUNK - ET)), constant_values=fill)
  return x.reshape(NS, nch, CHUNK)


def kernel(ufeat, ifeat, W, ufc_W, ufc_b, ifc_W, ifc_b, Ps, combine,
           edge_index, etypes, head_id, tail_id):
  edge_index = edge_index.astype(jnp.int32)
  etypes = etypes.astype(jnp.int32)
  src = edge_index[0]
  dst = edge_index[1]

  deg = _run_sca(edge_index.reshape(-1))
  degs3 = deg[:, :NU, None]

  feats = jnp.stack([ufeat, ifeat])
  tabs = _run_tc1(feats, degs3, W).reshape(2 * R * NU, H)

  gu = etypes * NU + src
  gi = R * NU + etypes * NI + dst
  gidx = jnp.stack([_pad_idx(gu, 0), _pad_idx(gi, 0)])
  sraw = jnp.stack([_pad_idx(dst, NU), _pad_idx(src, NU)])
  sidx0 = jnp.where(sraw < HR, sraw, HR)
  sidx1 = jnp.where(sraw >= HR, sraw - HR, HR)

  outb = _run_scb(tabs, gidx, sidx0, sidx1)
  agg = jnp.concatenate([outb[:, 0, :HR], outb[:, 1, :HR]], axis=1)

  fcw = jnp.stack([ifc_W, ufc_W])
  fcb = jnp.stack([ifc_b, ufc_b]).reshape(2, 1, O)
  outs2 = _run_tc2(agg, degs3, fcw, fcb)

  ptab = jnp.concatenate([outs2[0], outs2[1]], axis=1)
  hidx = head_id.astype(jnp.int32).reshape(NS, PCH, CHUNK)
  tidx = tail_id.astype(jnp.int32).reshape(NS, PCH, CHUNK)
  pidx = jnp.stack([hidx, tidx])
  uv = _run_scc(ptab, pidx)

  return _run_tc3(uv[0, :, O:], uv[1, :, :O], Ps, combine)

# --- scband reference (transcript-rebuilt; emitter-appended) ---
"""Pipeline reference for scband-net-26757646254210 (READ-ONLY COPY).

The authoritative reference and input builder live on the scoring server;
editing this copy changes nothing except your own understanding.
"""

import jax, jax.numpy as jnp
import numpy as np

NU = 10000   # num users
NI = 10000   # num items
E = 320000   # num rated edges (user->item)
R = 5        # num rating values
F = 128      # src_in_units == dst_in_units
H = 128      # gcn_agg_units (accum='sum')
O = 64       # gcn_out_units
NB = 16384   # number of (head, tail) prediction pairs
BAS = 2      # gen_r_num_basis_func


def setup_inputs(seed: int = 0) -> dict:
    key = jax.random.key(seed)
    ks = jax.random.split(key, 12)
    ufeat = jax.random.normal(ks[0], (NU, F), dtype=jnp.float32)
    ifeat = jax.random.normal(ks[1], (NI, F), dtype=jnp.float32)
    edge_index = jax.random.randint(ks[2], (2, E), 0, NU, dtype=jnp.int64) if jax.config.read('jax_enable_x64') else jax.random.randint(ks[2], (2, E), 0, NU).astype(jnp.int32)
    etypes = jax.random.randint(ks[3], (E,), 0, R).astype(jnp.int32)
    head_id = jax.random.randint(ks[4], (NB,), 0, NU).astype(jnp.int32)
    tail_id = jax.random.randint(ks[5], (NB,), 0, NI).astype(jnp.int32)
    # learned params (share_user_item_param=True -> single per-rating weight W)
    W = jax.random.normal(ks[6], (R, F, H), dtype=jnp.float32) * 0.05
    ufc_W = jax.random.normal(ks[7], (H, O), dtype=jnp.float32) * 0.05
    ufc_b = jnp.zeros((O,), dtype=jnp.float32)
    ifc_W = jax.random.normal(ks[8], (H, O), dtype=jnp.float32) * 0.05
    ifc_b = jnp.zeros((O,), dtype=jnp.float32)
    Ps = jax.random.normal(ks[9], (BAS, O, O), dtype=jnp.float32) * 0.05
    combine = jax.random.normal(ks[10], (BAS, R), dtype=jnp.float32) * 0.05
    return {"ufeat": ufeat, "ifeat": ifeat, "W": W, "ufc_W": ufc_W, "ufc_b": ufc_b,
            "ifc_W": ifc_W, "ifc_b": ifc_b, "Ps": Ps, "combine": combine,
            "edge_index": edge_index, "etypes": etypes,
            "head_id": head_id, "tail_id": tail_id}


def reference(ufeat, ifeat, W, ufc_W, ufc_b, ifc_W, ifc_b, Ps, combine,
              edge_index, etypes, head_id, tail_id):
    src = edge_index[0]
    dst = edge_index[1]
    # symmetric degree normalization c_ij = 1/sqrt(deg_u * deg_i)
    deg_u = jnp.bincount(src, length=NU).astype(jnp.float32)
    deg_i = jnp.bincount(dst, length=NI).astype(jnp.float32)
    cu = 1.0 / jnp.sqrt(jnp.maximum(deg_u, 1.0))
    ci = 1.0 / jnp.sqrt(jnp.maximum(deg_i, 1.0))
    act = lambda t: jax.nn.leaky_relu(t, 0.1)
    # per-rating transformed features (shared user/item weight)
    xu = jnp.einsum('nf,rfh->rnh', ufeat * cu[:, None], W)  # [R, NU, H]
    xi = jnp.einsum('nf,rfh->rnh', ifeat * ci[:, None], W)  # [R, NI, H]
    # user -> item message passing, per-rating weight selected by edge type
    msg_u2i = xu[etypes, src] * ci[dst][:, None]            # [E, H] gather
    item_agg = jax.ops.segment_sum(msg_u2i, dst, num_segments=NI)
    # item -> user message passing (reverse edges)
    msg_i2u = xi[etypes, dst] * cu[src][:, None]
    user_agg = jax.ops.segment_sum(msg_i2u, src, num_segments=NU)
    # dense projection after aggregation activation (dropout=0.0)
    user_out = act(user_agg) @ ufc_W + ufc_b                # [NU, O]
    movie_out = act(item_agg) @ ifc_W + ifc_b               # [NI, O]
    # minibatch gather of prediction pairs
    u = user_out[head_id]                                   # [NB, O]
    v = movie_out[tail_id]                                  # [NB, O]
    # bilinear basis decoder
    scores = jnp.einsum('nd,bde,ne->nb', u, Ps, v)          # [NB, BAS]
    pred_ratings = scores @ combine                         # [NB, R]
    return pred_ratings

if __name__ == "__main__":
    import jax
    _d = setup_inputs()
    print(jax.jit(kernel)(*tuple(_d.values())))

</pallas_src>

<mosaic_0001>
#map = affine_map<(d0, d1) -> (0)>
module attributes {stable_mosaic.version = 14 : i64} {
  func.func @_sca_body(%arg0: i32, %arg1: i32, %arg2: memref<640000xi32, #tpu.memory_space<hbm>>, %arg3: memref<20480xf32, #tpu.memory_space<hbm>>, %arg4: memref<10240xf32, #tpu.memory_space<vmem>>, %arg5: memref<20000xi32, #tpu.memory_space<vmem>>, %arg6: memref<16x640xf32, #tpu.memory_space<vmem>>, %arg7: memref<163840xf32, #tpu.memory_space<vmem_shared>>) attributes {dimension_semantics = [#tpu.dimension_semantics<core_parallel>, #tpu.dimension_semantics<subcore_parallel>], iteration_bounds = array<i64: 2, 16>, scalar_prefetch = 0 : i64, scratch_operands = 4 : i64, tpu.core_type = #tpu.core_type<sc_vector_subcore>, window_params = [{transform_indices = #map}, {transform_indices = #map}]} {
    %broadcast_in_dim3A = arith.constant 0.000000e+00 : f32
    %broadcast_in_dim3A_0 = vector.broadcast %broadcast_in_dim3A : f32 to vector<16xf32>
    %broadcast_in_dim3A_1 = arith.constant 1.000000e+00 : f32
    %broadcast_in_dim3A_2 = vector.broadcast %broadcast_in_dim3A_1 : f32 to vector<16xf32>
    %scan3A = arith.constant 0 : i32
    %scan3A_3 = arith.constant 0 : i32
    %scan3A_4 = arith.constant 640 : i32
    %scan3A_5 = arith.addi %scan3A_3, %scan3A_4 : i32
    %scan3A_6 = arith.constant 1 : i32
    %scan3A_7 = scf.for %scan3A_112 = %scan3A_3 to %scan3A_5 step %scan3A_6 iter_args(%scan3A_113 = %scan3A) -> (i32)  : i32 {
      %mul3A_114 = arith.constant 16 : i32
      %mul3A_115 = arith.muli %scan3A_112, %mul3A_114 : i32
      %swap3A = arith.index_cast %mul3A_115 : i32 to index
      %swap3A_116 = tpu.vector_load %arg4[%swap3A] {strides = array<i32>} : memref<10240xf32, #tpu.memory_space<vmem>>, vector<16xf32>,
      tpu.vector_store %arg4[%swap3A], %broadcast_in_dim3A_0 {strides = array<i32>} : memref<10240xf32, #tpu.memory_space<vmem>>, vector<16xf32>,
      %scan3A_117 = arith.constant 0 : i32
      scf.yield %scan3A_117 : i32
    }
    %scan3A_8 = arith.constant 640 : i32
    %mul3A = arith.constant 320000 : i32
    %mul3A_9 = arith.muli %arg0, %mul3A : i32
    %mul3A_10 = arith.constant 20000 : i32
    %mul3A_11 = arith.muli %arg1, %mul3A_10 : i32
    %add3A = arith.addi %mul3A_9, %mul3A_11 : i32
    "tpu.region"() ({
      %run_scoped3A_112 = tpu.sem_alloc : memref<!tpu.dma_semaphore, #tpu.memory_space<semaphore_mem>>
      %dma_start3A = tpu.memref_slice %arg2[%add3A] : memref<640000xi32, #tpu.memory_space<hbm>> -> memref<20000xi32, #tpu.memory_space<hbm>>
      %dma_start3A_113 = tpu.memref_slice %arg2[%add3A] : memref<640000xi32, #tpu.memory_space<hbm>> -> memref<20000xi32, #tpu.memory_space<hbm>>
      tpu.enqueue_dma source(%dma_start3A_113 : memref<20000xi32, #tpu.memory_space<hbm>>) target(%arg5 : memref<20000xi32, #tpu.memory_space<vmem>>) target_semaphore(%run_scoped3A_112 : memref<!tpu.dma_semaphore, #tpu.memory_space<semaphore_mem>>)
      %dma_wait3A = tpu.memref_slice %arg2[%add3A] : memref<640000xi32, #tpu.memory_space<hbm>> -> memref<20000xi32, #tpu.memory_space<hbm>>
      %dma_wait3A_114 = tpu.memref_slice %arg2[%add3A] : memref<640000xi32, #tpu.memory_space<hbm>> -> memref<20000xi32, #tpu.memory_space<hbm>>
      tpu.wait_dma2 semaphore(%run_scoped3A_112 : memref<!tpu.dma_semaphore, #tpu.memory_space<semaphore_mem>>) src(%dma_wait3A_114 : memref<20000xi32, #tpu.memory_space<hbm>>) dst(%arg5 : memref<20000xi32, #tpu.memory_space<vmem>>)
      tpu.yield
    }) : () -> ()
    %scan3A_12 = arith.constant 0 : i32
    %scan3A_13 = arith.constant 0 : i32
    %scan3A_14 = arith.constant 1250 : i32
    %scan3A_15 = arith.addi %scan3A_13, %scan3A_14 : i32
    %scan3A_16 = arith.constant 1 : i32
    %scan3A_17 = scf.for %scan3A_112 = %scan3A_13 to %scan3A_15 step %scan3A_16 iter_args(%scan3A_113 = %scan3A_12) -> (i32)  : i32 {
      %mul3A_114 = arith.constant 16 : i32
      %mul3A_115 = arith.muli %scan3A_112, %mul3A_114 : i32
      %get3A = arith.index_cast %mul3A_115 : i32 to index
      %get3A_116 = tpu.vector_load %arg5[%get3A] {strides = array<i32>} : memref<20000xi32, #tpu.memory_space<vmem>>, vector<16xi32>,
      tpu.vector_store_idx %arg4[%get3A_116], %broadcast_in_dim3A_2 {add = true} : memref<10240xf32, #tpu.memory_space<vmem>>[vector<16xi32>], vector<16xf32>,
      %scan3A_117 = arith.constant 0 : i32
      scf.yield %scan3A_117 : i32
    }
    %scan3A_18 = arith.constant 1250 : i32
    %mul3A_19 = arith.constant 10240 : i32
    %mul3A_20 = arith.muli %arg1, %mul3A_19 : i32
    "tpu.region"() ({
      %run_scoped3A_112 = tpu.sem_alloc : memref<!tpu.dma_semaphore, #tpu.memory_space<semaphore_mem>>
      %dma_start3A = tpu.memref_slice %arg7[%mul3A_20] : memref<163840xf32, #tpu.memory_space<vmem_shared>> -> memref<10240xf32, #tpu.memory_space<vmem_shared>>
      %dma_start3A_113 = tpu.memref_slice %arg7[%mul3A_20] : memref<163840xf32, #tpu.memory_space<vmem_shared>> -> memref<10240xf32, #tpu.memory_space<vmem_shared>>
      tpu.enqueue_dma source(%arg4 : memref<10240xf32, #tpu.memory_space<vmem>>) target(%dma_start3A_113 : memref<10240xf32, #tpu.memory_space<vmem_shared>>) target_semaphore(%run_scoped3A_112 : memref<!tpu.dma_semaphore, #tpu.memory_space<semaphore_mem>>)
      %dma_wait3A = tpu.memref_slice %arg7[%mul3A_20] : memref<163840xf32, #tpu.memory_space<vmem_shared>> -> memref<10240xf32, #tpu.memory_space<vmem_shared>>
      %dma_wait3A_114 = tpu.memref_slice %arg7[%mul3A_20] : memref<163840xf32, #tpu.memory_space<vmem_shared>> -> memref<10240xf32, #tpu.memory_space<vmem_shared>>
      tpu.wait_dma2 semaphore(%run_scoped3A_112 : memref<!tpu.dma_semaphore, #tpu.memory_space<semaphore_mem>>) src(%arg4 : memref<10240xf32, #tpu.memory_space<vmem>>) dst(%dma_wait3A_114 : memref<10240xf32, #tpu.memory_space<vmem_shared>>)
      tpu.yield
    }) : () -> ()
    %barrier3A = arith.constant 0 : index
    tpu.barrier barrier_id(%barrier3A)
    %mul3A_21 = arith.constant 640 : i32
    %mul3A_22 = arith.muli %arg1, %mul3A_21 : i32
    %add3A_23 = arith.constant 0 : i32
    %add3A_24 = arith.addi %add3A_23, %mul3A_22 : i32
    %run_scoped3A = arith.constant 0 : i32
    "tpu.region"() ({
      %run_scoped3A_112 = tpu.sem_alloc : memref<!tpu.dma_semaphore, #tpu.memory_space<semaphore_mem>>
      %dma_start3A = arith.constant 0 : i32
      %dma_start3A_113 = tpu.memref_slice %arg6[%run_scoped3A, %dma_start3A] : memref<16x640xf32, #tpu.memory_space<vmem>> -> memref<1x640xf32, #tpu.memory_space<vmem>>
      %dma_start3A_114 = tpu.memref_squeeze %dma_start3A_113 : memref<1x640xf32, #tpu.memory_space<vmem>> -> memref<640xf32, #tpu.memory_space<vmem>>
      %dma_start3A_115 = tpu.memref_slice %arg7[%add3A_24] : memref<163840xf32, #tpu.memory_space<vmem_shared>> -> memref<640xf32, #tpu.memory_space<vmem_shared>>
      %dma_start3A_116 = arith.constant 0 : i32
      %dma_start3A_117 = tpu.memref_slice %arg6[%run_scoped3A, %dma_start3A_116] : memref<16x640xf32, #tpu.memory_space<vmem>> -> memref<1x640xf32, #tpu.memory_space<vmem>>
      %dma_start3A_118 = tpu.memref_squeeze %dma_start3A_117 : memref<1x640xf32, #tpu.memory_space<vmem>> -> memref<640xf32, #tpu.memory_space<vmem>>
      %dma_start3A_119 = tpu.memref_slice %arg7[%add3A_24] : memref<163840xf32, #tpu.memory_space<vmem_shared>> -> memref<640xf32, #tpu.memory_space<vmem_shared>>
      tpu.enqueue_dma source(%dma_start3A_119 : memref<640xf32, #tpu.memory_space<vmem_shared>>) target(%dma_start3A_118 : memref<640xf32, #tpu.memory_space<vmem>>) target_semaphore(%run_scoped3A_112 : memref<!tpu.dma_semaphore, #tpu.memory_space<semaphore_mem>>)
      %dma_wait3A = arith.constant 0 : i32
      %dma_wait3A_120 = tpu.memref_slice %arg6[%run_scoped3A, %dma_wait3A] : memref<16x640xf32, #tpu.memory_space<vmem>> -> memref<1x640xf32, #tpu.memory_space<vmem>>
      %dma_wait3A_121 = tpu.memref_squeeze %dma_wait3A_120 : memref<1x640xf32, #tpu.memory_space<vmem>> -> memref<640xf32, #tpu.memory_space<vmem>>
      %dma_wait3A_122 = tpu.memref_slice %arg7[%add3A_24] : memref<163840xf32, #tpu.memory_space<vmem_shared>> -> memref<640xf32, #tpu.memory_space<vmem_shared>>
      %dma_wait3A_123 = arith.constant 0 : i32
      %dma_wait3A_124 = tpu.memref_slice %arg6[%run_scoped3A, %dma_wait3A_123] : memref<16x640xf32, #tpu.memory_space<vmem>> -> memref<1x640xf32, #tpu.memory_space<vmem>>
      %dma_wait3A_125 = tpu.memref_squeeze %dma_wait3A_124 : memref<1x640xf32, #tpu.memory_space<vmem>> -> memref<640xf32, #tpu.memory_space<vmem>>
      %dma_wait3A_126 = tpu.memref_slice %arg7[%add3A_24] : memref<163840xf32, #tpu.memory_space<vmem_shared>> -> memref<640xf32, #tpu.memory_space<vmem_shared>>
      tpu.wait_dma2 semaphore(%run_scoped3A_112 : memref<!tpu.dma_semaphore, #tpu.memory_space<semaphore_mem>>) src(%dma_wait3A_126 : memref<640xf32, #tpu.memory_space<vmem_shared>>) dst(%dma_wait3A_125 : memref<640xf32, #tpu.memory_space<vmem>>)
      tpu.yield
    }) : () -> ()
    %mul3A_25 = arith.constant 640 : i32
    %mul3A_26 = arith.muli %arg1, %mul3A_25 : i32
    %add3A_27 = arith.constant 10240 : i32
    %add3A_28 = arith.addi %add3A_27, %mul3A_26 : i32
    %run_scoped3A_29 = arith.constant 1 : i32
    "tpu.region"() ({
      %run_scoped3A_112 = tpu.sem_alloc : memref<!tpu.dma_semaphore, #tpu.memory_space<semaphore_mem>>
      %dma_start3A = arith.constant 0 : i32
      %dma_start3A_113 = tpu.memref_slice %arg6[%run_scoped3A_29, %dma_start3A] : memref<16x640xf32, #tpu.memory_space<vmem>> -> memref<1x640xf32, #tpu.memory_space<vmem>>
      %dma_start3A_114 = tpu.memref_squeeze %dma_start3A_113 : memref<1x640xf32, #tpu.memory_space<vmem>> -> memref<640xf32, #tpu.memory_space<vmem>>
      %dma_start3A_115 = tpu.memref_slice %arg7[%add3A_28] : memref<163840xf32, #tpu.memory_space<vmem_shared>> -> memref<640xf32, #tpu.memory_space<vmem_shared>>
      %dma_start3A_116 = arith.constant 0 : i32
      %dma_start3A_117 = tpu.memref_slice %arg6[%run_scoped3A_29, %dma_start3A_116] : memref<16x640xf32, #tpu.memory_space<vmem>> -> memref<1x640xf32, #tpu.memory_space<vmem>>
      %dma_start3A_118 = tpu.memref_squeeze %dma_start3A_117 : memref<1x640xf32, #tpu.memory_space<vmem>> -> memref<640xf32, #tpu.memory_space<vmem>>
      %dma_start3A_119 = tpu.memref_slice %arg7[%add3A_28] : memref<163840xf32, #tpu.memory_space<vmem_shared>> -> memref<640xf32, #tpu.memory_space<vmem_shared>>
      tpu.enqueue_dma source(%dma_start3A_119 : memref<640xf32, #tpu.memory_space<vmem_shared>>) target(%dma_start3A_118 : memref<640xf32, #tpu.memory_space<vmem>>) target_semaphore(%run_scoped3A_112 : memref<!tpu.dma_semaphore, #tpu.memory_space<semaphore_mem>>)
      %dma_wait3A = arith.constant 0 : i32
      %dma_wait3A_120 = tpu.memref_slice %arg6[%run_scoped3A_29, %dma_wait3A] : memref<16x640xf32, #tpu.memory_space<vmem>> -> memref<1x640xf32, #tpu.memory_space<vmem>>
      %dma_wait3A_121 = tpu.memref_squeeze %dma_wait3A_120 : memref<1x640xf32, #tpu.memory_space<vmem>> -> memref<640xf32, #tpu.memory_space<vmem>>
      %dma_wait3A_122 = tpu.memref_slice %arg7[%add3A_28] : memref<163840xf32, #tpu.memory_space<vmem_shared>> -> memref<640xf32, #tpu.memory_space<vmem_shared>>
      %dma_wait3A_123 = arith.constant 0 : i32
      %dma_wait3A_124 = tpu.memref_slice %arg6[%run_scoped3A_29, %dma_wait3A_123] : memref<16x640xf32, #tpu.memory_space<vmem>> -> memref<1x640xf32, #tpu.memory_space<vmem>>
      %dma_wait3A_125 = tpu.memref_squeeze %dma_wait3A_124 : memref<1x640xf32, #tpu.memory_space<vmem>> -> memref<640xf32, #tpu.memory_space<vmem>>
      %dma_wait3A_126 = tpu.memref_slice %arg7[%add3A_28] : memref<163840xf32, #tpu.memory_space<vmem_shared>> -> memref<640xf32, #tpu.memory_space<vmem_shared>>
      tpu.wait_dma2 semaphore(%run_scoped3A_112 : memref<!tpu.dma_semaphore, #tpu.memory_space<semaphore_mem>>) src(%dma_wait3A_126 : memref<640xf32, #tpu.memory_space<vmem_shared>>) dst(%dma_wait3A_125 : memref<640xf32, #tpu.memory_space<vmem>>)
      tpu.yield
    }) : () -> ()
    %mul3A_30 = arith.constant 640 : i32
    %mul3A_31 = arith.muli %arg1, %mul3A_30 : i32
    %add3A_32 = arith.constant 20480 : i32
    %add3A_33 = arith.addi %add3A_32, %mul3A_31 : i32
    %run_scoped3A_34 = arith.constant 2 : i32
    "tpu.region"() ({
      %run_scoped3A_112 = tpu.sem_alloc : memref<!tpu.dma_semaphore, #tpu.memory_space<semaphore_mem>>
      %dma_start3A = arith.constant 0 : i32
      %dma_start3A_113 = tpu.memref_slice %arg6[%run_scoped3A_34, %dma_start3A] : memref<16x640xf32, #tpu.memory_space<vmem>> -> memref<1x640xf32, #tpu.memory_space<vmem>>
      %dma_start3A_114 = tpu.memref_squeeze %dma_start3A_113 : memref<1x640xf32, #tpu.memory_space<vmem>> -> memref<640xf32, #tpu.memory_space<vmem>>
      %dma_start3A_115 = tpu.memref_slice %arg7[%add3A_33] : memref<163840xf32, #tpu.memory_space<vmem_shared>> -> memref<640xf32, #tpu.memory_space<vmem_shared>>
      %dma_start3A_116 = arith.constant 0 : i32
      %dma_start3A_117 = tpu.memref_slice %arg6[%run_scoped3A_34, %dma_start3A_116] : memref<16x640xf32, #tpu.memory_space<vmem>> -> memref<1x640xf32, #tpu.memory_space<vmem>>
      %dma_start3A_118 = tpu.memref_squeeze %dma_start3A_117 : memref<1x640xf32, #tpu.memory_space<vmem>> -> memref<640xf32, #tpu.memory_space<vmem>>
      %dma_start3A_119 = tpu.memref_slice %arg7[%add3A_33] : memref<163840xf32, #tpu.memory_space<vmem_shared>> -> memref<640xf32, #tpu.memory_space<vmem_shared>>
      tpu.enqueue_dma source(%dma_start3A_119 : memref<640xf32, #tpu.memory_space<vmem_shared>>) target(%dma_start3A_118 : memref<640xf32, #tpu.memory_space<vmem>>) target_semaphore(%run_scoped3A_112 : memref<!tpu.dma_semaphore, #tpu.memory_space<semaphore_mem>>)
      %dma_wait3A = arith.constant 0 : i32
      %dma_wait3A_120 = tpu.memref_slice %arg6[%run_scoped3A_34, %dma_wait3A] : memref<16x640xf32, #tpu.memory_space<vmem>> -> memref<1x640xf32, #tpu.memory_space<vmem>>
      %dma_wait3A_121 = tpu.memref_squeeze %dma_wait3A_120 : memref<1x640xf32, #tpu.memory_space<vmem>> -> memref<640xf32, #tpu.memory_space<vmem>>
      %dma_wait3A_122 = tpu.memref_slice %arg7[%add3A_33] : memref<163840xf32, #tpu.memory_space<vmem_shared>> -> memref<640xf32, #tpu.memory_space<vmem_shared>>
      %dma_wait3A_123 = arith.constant 0 : i32
      %dma_wait3A_124 = tpu.memref_slice %arg6[%run_scoped3A_34, %dma_wait3A_123] : memref<16x640xf32, #tpu.memory_space<vmem>> -> memref<1x640xf32, #tpu.memory_space<vmem>>
      %dma_wait3A_125 = tpu.memref_squeeze %dma_wait3A_124 : memref<1x640xf32, #tpu.memory_space<vmem>> -> memref<640xf32, #tpu.memory_space<vmem>>
      %dma_wait3A_126 = tpu.memref_slice %arg7[%add3A_33] : memref<163840xf32, #tpu.memory_space<vmem_shared>> -> memref<640xf32, #tpu.memory_space<vmem_shared>>
      tpu.wait_dma2 semaphore(%run_scoped3A_112 : memref<!tpu.dma_semaphore, #tpu.memory_space<semaphore_mem>>) src(%dma_wait3A_126 : memref<640xf32, #tpu.memory_space<vmem_shared>>) dst(%dma_wait3A_125 : memref<640xf32, #tpu.memory_space<vmem>>)
      tpu.yield
    }) : () -> ()
    %mul3A_35 = arith.constant 640 : i32
    %mul3A_36 = arith.muli %arg1, %mul3A_35 : i32
    %add3A_37 = arith.constant 30720 : i32
    %add3A_38 = arith.addi %add3A_37, %mul3A_36 : i32
    %run_scoped3A_39 = arith.constant 3 : i32
    "tpu.region"() ({
      %run_scoped3A_112 = tpu.sem_alloc : memref<!tpu.dma_semaphore, #tpu.memory_space<semaphore_mem>>
      %dma_start3A = arith.constant 0 : i32
      %dma_start3A_113 = tpu.memref_slice %arg6[%run_scoped3A_39, %dma_start3A] : memref<16x640xf32, #tpu.memory_space<vmem>> -> memref<1x640xf32, #tpu.memory_space<vmem>>
      %dma_start3A_114 = tpu.memref_squeeze %dma_start3A_113 : memref<1x640xf32, #tpu.memory_space<vmem>> -> memref<640xf32, #tpu.memory_space<vmem>>
      %dma_start3A_115 = tpu.memref_slice %arg7[%add3A_38] : memref<163840xf32, #tpu.memory_space<vmem_shared>> -> memref<640xf32, #tpu.memory_space<vmem_shared>>
      %dma_start3A_116 = arith.constant 0 : i32
      %dma_start3A_117 = tpu.memref_slice %arg6[%run_scoped3A_39, %dma_start3A_116] : memref<16x640xf32, #tpu.memory_space<vmem>> -> memref<1x640xf32, #tpu.memory_space<vmem>>
      %dma_start3A_118 = tpu.memref_squeeze %dma_start3A_117 : memref<1x640xf32, #tpu.memory_space<vmem>> -> memref<640xf32, #tpu.memory_space<vmem>>
      %dma_start3A_119 = tpu.memref_slice %arg7[%add3A_38] : memref<163840xf32, #tpu.memory_space<vmem_shared>> -> memref<640xf32, #tpu.memory_space<vmem_shared>>
      tpu.enqueue_dma source(%dma_start3A_119 : memref<640xf32, #tpu.memory_space<vmem_shared>>) target(%dma_start3A_118 : memref<640xf32, #tpu.memory_space<vmem>>) target_semaphore(%run_scoped3A_112 : memref<!tpu.dma_semaphore, #tpu.memory_space<semaphore_mem>>)
      %dma_wait3A = arith.constant 0 : i32
      %dma_wait3A_120 = tpu.memref_slice %arg6[%run_scoped3A_39, %dma_wait3A] : memref<16x640xf32, #tpu.memory_space<vmem>> -> memref<1x640xf32, #tpu.memory_space<vmem>>
      %dma_wait3A_121 = tpu.memref_squeeze %dma_wait3A_120 : memref<1x640xf32, #tpu.memory_space<vmem>> -> memref<640xf32, #tpu.memory_space<vmem>>
      %dma_wait3A_122 = tpu.memref_slice %arg7[%add3A_38] : memref<163840xf32, #tpu.memory_space<vmem_shared>> -> memref<640xf32, #tpu.memory_space<vmem_shared>>
      %dma_wait3A_123 = arith.constant 0 : i32
      %dma_wait3A_124 = tpu.memref_slice %arg6[%run_scoped3A_39, %dma_wait3A_123] : memref<16x640xf32, #tpu.memory_space<vmem>> -> memref<1x640xf32, #tpu.memory_space<vmem>>
      %dma_wait3A_125 = tpu.memref_squeeze %dma_wait3A_124 : memref<1x640xf32, #tpu.memory_space<vmem>> -> memref<640xf32, #tpu.memory_space<vmem>>
      %dma_wait3A_126 = tpu.memref_slice %arg7[%add3A_38] : memref<163840xf32, #tpu.memory_space<vmem_shared>> -> memref<640xf32, #tpu.memory_space<vmem_shared>>
      tpu.wait_dma2 semaphore(%run_scoped3A_112 : memref<!tpu.dma_semaphore, #tpu.memory_space<semaphore_mem>>) src(%dma_wait3A_126 : memref<640xf32, #tpu.memory_space<vmem_shared>>) dst(%dma_wait3A_125 : memref<640xf32, #tpu.memory_space<vmem>>)
      tpu.yield
    }) : () -> ()
    %mul3A_40 = arith.constant 640 : i32
    %mul3A_41 = arith.muli %arg1, %mul3A_40 : i32
    %add3A_42 = arith.constant 40960 : i32
    %add3A_43 = arith.addi %add3A_42, %mul3A_41 : i32
    %run_scoped3A_44 = arith.constant 4 : i32
    "tpu.region"() ({
      %run_scoped3A_112 = tpu.sem_alloc : memref<!tpu.dma_semaphore, #tpu.memory_space<semaphore_mem>>
      %dma_start3A = arith.constant 0 : i32
      %dma_start3A_113 = tpu.memref_slice %arg6[%run_scoped3A_44, %dma_start3A] : memref<16x640xf32, #tpu.memory_space<vmem>> -> memref<1x640xf32, #tpu.memory_space<vmem>>
      %dma_start3A_114 = tpu.memref_squeeze %dma_start3A_113 : memref<1x640xf32, #tpu.memory_space<vmem>> -> memref<640xf32, #tpu.memory_space<vmem>>
      %dma_start3A_115 = tpu.memref_slice %arg7[%add3A_43] : memref<163840xf32, #tpu.memory_space<vmem_shared>> -> memref<640xf32, #tpu.memory_space<vmem_shared>>
      %dma_start3A_116 = arith.constant 0 : i32
      %dma_start3A_117 = tpu.memref_slice %arg6[%run_scoped3A_44, %dma_start3A_116] : memref<16x640xf32, #tpu.memory_space<vmem>> -> memref<1x640xf32, #tpu.memory_space<vmem>>
      %dma_start3A_118 = tpu.memref_squeeze %dma_start3A_117 : memref<1x640xf32, #tpu.memory_space<vmem>> -> memref<640xf32, #tpu.memory_space<vmem>>
      %dma_start3A_119 = tpu.memref_slice %arg7[%add3A_43] : memref<163840xf32, #tpu.memory_space<vmem_shared>> -> memref<640xf32, #tpu.memory_space<vmem_shared>>
      tpu.enqueue_dma source(%dma_start3A_119 : memref<640xf32, #tpu.memory_space<vmem_shared>>) target(%dma_start3A_118 : memref<640xf32, #tpu.memory_space<vmem>>) target_semaphore(%run_scoped3A_112 : memref<!tpu.dma_semaphore, #tpu.memory_space<semaphore_mem>>)
      %dma_wait3A = arith.constant 0 : i32
      %dma_wait3A_120 = tpu.memref_slice %arg6[%run_scoped3A_44, %dma_wait3A] : memref<16x640xf32, #tpu.memory_space<vmem>> -> memref<1x640xf32, #tpu.memory_space<vmem>>
      %dma_wait3A_121 = tpu.memref_squeeze %dma_wait3A_120 : memref<1x640xf32, #tpu.memory_space<vmem>> -> memref<640xf32, #tpu.memory_space<vmem>>
      %dma_wait3A_122 = tpu.memref_slice %arg7[%add3A_43] : memref<163840xf32, #tpu.memory_space<vmem_shared>> -> memref<640xf32, #tpu.memory_space<vmem_shared>>
      %dma_wait3A_123 = arith.constant 0 : i32
      %dma_wait3A_124 = tpu.memref_slice %arg6[%run_scoped3A_44, %dma_wait3A_123] : memref<16x640xf32, #tpu.memory_space<vmem>> -> memref<1x640xf32, #tpu.memory_space<vmem>>
      %dma_wait3A_125 = tpu.memref_squeeze %dma_wait3A_124 : memref<1x640xf32, #tpu.memory_space<vmem>> -> memref<640xf32, #tpu.memory_space<vmem>>
      %dma_wait3A_126 = tpu.memref_slice %arg7[%add3A_43] : memref<163840xf32, #tpu.memory_space<vmem_shared>> -> memref<640xf32, #tpu.memory_space<vmem_shared>>
      tpu.wait_dma2 semaphore(%run_scoped3A_112 : memref<!tpu.dma_semaphore, #tpu.memory_space<semaphore_mem>>) src(%dma_wait3A_126 : memref<640xf32, #tpu.memory_space<vmem_shared>>) dst(%dma_wait3A_125 : memref<640xf32, #tpu.memory_space<vmem>>)
      tpu.yield
    }) : () -> ()
    %mul3A_45 = arith.constant 640 : i32
    %mul3A_46 = arith.muli %arg1, %mul3A_45 : i32
    %add3A_47 = arith.constant 51200 : i32
    %add3A_48 = arith.addi %add3A_47, %mul3A_46 : i32
    %run_scoped3A_49 = arith.constant 5 : i32
    "tpu.region"() ({
      %run_scoped3A_112 = tpu.sem_alloc : memref<!tpu.dma_semaphore, #tpu.memory_space<semaphore_mem>>
      %dma_start3A = arith.constant 0 : i32
      %dma_start3A_113 = tpu.memref_slice %arg6[%run_scoped3A_49, %dma_start3A] : memref<16x640xf32, #tpu.memory_space<vmem>> -> memref<1x640xf32, #tpu.memory_space<vmem>>
      %dma_start3A_114 = tpu.memref_squeeze %dma_start3A_113 : memref<1x640xf32, #tpu.memory_space<vmem>> -> memref<640xf32, #tpu.memory_space<vmem>>
      %dma_start3A_115 = tpu.memref_slice %arg7[%add3A_48] : memref<163840xf32, #tpu.memory_space<vmem_shared>> -> memref<640xf32, #tpu.memory_space<vmem_shared>>
      %dma_start3A_116 = arith.constant 0 : i32
      %dma_start3A_117 = tpu.memref_slice %arg6[%run_scoped3A_49, %dma_start3A_116] : memref<16x640xf32, #tpu.memory_space<vmem>> -> memref<1x640xf32, #tpu.memory_space<vmem>>
      %dma_start3A_118 = tpu.memref_squeeze %dma_start3A_117 : memref<1x640xf32, #tpu.memory_space<vmem>> -> memref<640xf32, #tpu.memory_space<vmem>>
      %dma_start3A_119 = tpu.memref_slice %arg7[%add3A_48] : memref<163840xf32, #tpu.memory_space<vmem_shared>> -> memref<640xf32, #tpu.memory_space<vmem_shared>>
      tpu.enqueue_dma source(%dma_start3A_119 : memref<640xf32, #tpu.memory_space<vmem_shared>>) target(%dma_start3A_118 : memref<640xf32, #tpu.memory_space<vmem>>) target_semaphore(%run_scoped3A_112 : memref<!tpu.dma_semaphore, #tpu.memory_space<semaphore_mem>>)
      %dma_wait3A = arith.constant 0 : i32
      %dma_wait3A_120 = tpu.memref_slice %arg6[%run_scoped3A_49, %dma_wait3A] : memref<16x640xf32, #tpu.memory_space<vmem>> -> memref<1x640xf32, #tpu.memory_space<vmem>>
      %dma_wait3A_121 = tpu.memref_squeeze %dma_wait3A_120 : memref<1x640xf32, #tpu.memory_space<vmem>> -> memref<640xf32, #tpu.memory_space<vmem>>
      %dma_wait3A_122 = tpu.memref_slice %arg7[%add3A_48] : memref<163840xf32, #tpu.memory_space<vmem_shared>> -> memref<640xf32, #tpu.memory_space<vmem_shared>>
      %dma_wait3A_123 = arith.constant 0 : i32
      %dma_wait3A_124 = tpu.memref_slice %arg6[%run_scoped3A_49, %dma_wait3A_123] : memref<16x640xf32, #tpu.memory_space<vmem>> -> memref<1x640xf32, #tpu.memory_space<vmem>>
      %dma_wait3A_125 = tpu.memref_squeeze %dma_wait3A_124 : memref<1x640xf32, #tpu.memory_space<vmem>> -> memref<640xf32, #tpu.memory_space<vmem>>
      %dma_wait3A_126 = tpu.memref_slice %arg7[%add3A_48] : memref<163840xf32, #tpu.memory_space<vmem_shared>> -> memref<640xf32, #tpu.memory_space<vmem_shared>>
      tpu.wait_dma2 semaphore(%run_scoped3A_112 : memref<!tpu.dma_semaphore, #tpu.memory_space<semaphore_mem>>) src(%dma_wait3A_126 : memref<640xf32, #tpu.memory_space<vmem_shared>>) dst(%dma_wait3A_125 : memref<640xf32, #tpu.memory_space<vmem>>)
      tpu.yield
    }) : () -> ()
    %mul3A_50 = arith.constant 640 : i32
    %mul3A_51 = arith.muli %arg1, %mul3A_50 : i32
    %add3A_52 = arith.constant 61440 : i32
    %add3A_53 = arith.addi %add3A_52, %mul3A_51 : i32
    %run_scoped3A_54 = arith.constant 6 : i32
    "tpu.region"() ({
      %run_scoped3A_112 = tpu.sem_alloc : memref<!tpu.dma_semaphore, #tpu.memory_space<semaphore_mem>>
      %dma_start3A = arith.constant 0 : i32
      %dma_start3A_113 = tpu.memref_slice %arg6[%run_scoped3A_54, %dma_start3A] : memref<16x640xf32, #tpu.memory_space<vmem>> -> memref<1x640xf32, #tpu.memory_space<vmem>>
      %dma_start3A_114 = tpu.memref_squeeze %dma_start3A_113 : memref<1x640xf32, #tpu.memory_space<vmem>> -> memref<640xf32, #tpu.memory_space<vmem>>
      %dma_start3A_115 = tpu.memref_slice %arg7[%add3A_53] : memref<163840xf32, #tpu.memory_space<vmem_shared>> -> memref<640xf32, #tpu.memory_space<vmem_shared>>
      %dma_start3A_116 = arith.constant 0 : i32
      %dma_start3A_117 = tpu.memref_slice %arg6[%run_scoped3A_54, %dma_start3A_116] : memref<16x640xf32, #tpu.memory_space<vmem>> -> memref<1x640xf32, #tpu.memory_space<vmem>>
      %dma_start3A_118 = tpu.memref_squeeze %dma_start3A_117 : memref<1x640xf32, #tpu.memory_space<vmem>> -> memref<640xf32, #tpu.memory_space<vmem>>
      %dma_start3A_119 = tpu.memref_slice %arg7[%add3A_53] : memref<163840xf32, #tpu.memory_space<vmem_shared>> -> memref<640xf32, #tpu.memory_space<vmem_shared>>
      tpu.enqueue_dma source(%dma_start3A_119 : memref<640xf32, #tpu.memory_space<vmem_shared>>) target(%dma_start3A_118 : memref<640xf32, #tpu.memory_space<vmem>>) target_semaphore(%run_scoped3A_112 : memref<!tpu.dma_semaphore, #tpu.memory_space<semaphore_mem>>)
      %dma_wait3A = arith.constant 0 : i32
      %dma_wait3A_120 = tpu.memref_slice %arg6[%run_scoped3A_54, %dma_wait3A] : memref<16x640xf32, #tpu.memory_space<vmem>> -> memref<1x640xf32, #tpu.memory_space<vmem>>
      %dma_wait3A_121 = tpu.memref_squeeze %dma_wait3A_120 : memref<1x640xf32, #tpu.memory_space<vmem>> -> memref<640xf32, #tpu.memory_space<vmem>>
      %dma_wait3A_122 = tpu.memref_slice %arg7[%add3A_53] : memref<163840xf32, #tpu.memory_space<vmem_shared>> -> memref<640xf32, #tpu.memory_space<vmem_shared>>
      %dma_wait3A_123 = arith.constant 0 : i32
      %dma_wait3A_124 = tpu.memref_slice %arg6[%run_scoped3A_54, %dma_wait3A_123] : memref<16x640xf32, #tpu.memory_space<vmem>> -> memref<1x640xf32, #tpu.memory_space<vmem>>
      %dma_wait3A_125 = tpu.memref_squeeze %dma_wait3A_124 : memref<1x640xf32, #tpu.memory_space<vmem>> -> memref<640xf32, #tpu.memory_space<vmem>>
      %dma_wait3A_126 = tpu.memref_slice %arg7[%add3A_53] : memref<163840xf32, #tpu.memory_space<vmem_shared>> -> memref<640xf32, #tpu.memory_space<vmem_shared>>
      tpu.wait_dma2 semaphore(%run_scoped3A_112 : memref<!tpu.dma_semaphore, #tpu.memory_space<semaphore_mem>>) src(%dma_wait3A_126 : memref<640xf32, #tpu.memory_space<vmem_shared>>) dst(%dma_wait3A_125 : memref<640xf32, #tpu.memory_space<vmem>>)
      tpu.yield
    }) : () -> ()
    %mul3A_55 = arith.constant 640 : i32
    %mul3A_56 = arith.muli %arg1, %mul3A_55 : i32
    %add3A_57 = arith.constant 71680 : i32
    %add3A_58 = arith.addi %add3A_57, %mul3A_56 : i32
    %run_scoped3A_59 = arith.constant 7 : i32
    "tpu.region"() ({
      %run_scoped3A_112 = tpu.sem_alloc : memref<!tpu.dma_semaphore, #tpu.memory_space<semaphore_mem>>
      %dma_start3A = arith.constant 0 : i32
      %dma_start3A_113 = tpu.memref_slice %arg6[%run_scoped3A_59, %dma_start3A] : memref<16x640xf32, #tpu.memory_space<vmem>> -> memref<1x640xf32, #tpu.memory_space<vmem>>
      %dma_start3A_114 = tpu.memref_squeeze %dma_start3A_113 : memref<1x640xf32, #tpu.memory_space<vmem>> -> memref<640xf32, #tpu.memory_space<vmem>>
      %dma_start3A_115 = tpu.memref_slice %arg7[%add3A_58] : memref<163840xf32, #tpu.memory_space<vmem_shared>> -> memref<640xf32, #tpu.memory_space<vmem_shared>>
      %dma_start3A_116 = arith.constant 0 : i32
      %dma_start3A_117 = tpu.memref_slice %arg6[%run_scoped3A_59, %dma_start3A_116] : memref<16x640xf32, #tpu.memory_space<vmem>> -> memref<1x640xf32, #tpu.memory_space<vmem>>
      %dma_start3A_118 = tpu.memref_squeeze %dma_start3A_117 : memref<1x640xf32, #tpu.memory_space<vmem>> -> memref<640xf32, #tpu.memory_space<vmem>>
      %dma_start3A_119 = tpu.memref_slice %arg7[%add3A_58] : memref<163840xf32, #tpu.memory_space<vmem_shared>> -> memref<640xf32, #tpu.memory_space<vmem_shared>>
      tpu.enqueue_dma source(%dma_start3A_119 : memref<640xf32, #tpu.memory_space<vmem_shared>>) target(%dma_start3A_118 : memref<640xf32, #tpu.memory_space<vmem>>) target_semaphore(%run_scoped3A_112 : memref<!tpu.dma_semaphore, #tpu.memory_space<semaphore_mem>>)
      %dma_wait3A = arith.constant 0 : i32
      %dma_wait3A_120 = tpu.memref_slice %arg6[%run_scoped3A_59, %dma_wait3A] : memref<16x640xf32, #tpu.memory_space<vmem>> -> memref<1x640xf32, #tpu.memory_space<vmem>>
      %dma_wait3A_121 = tpu.memref_squeeze %dma_wait3A_120 : memref<1x640xf32, #tpu.memory_space<vmem>> -> memref<640xf32, #tpu.memory_space<vmem>>
      %dma_wait3A_122 = tpu.memref_slice %arg7[%add3A_58] : memref<163840xf32, #tpu.memory_space<vmem_shared>> -> memref<640xf32, #tpu.memory_space<vmem_shared>>
      %dma_wait3A_123 = arith.constant 0 : i32
      %dma_wait3A_124 = tpu.memref_slice %arg6[%run_scoped3A_59, %dma_wait3A_123] : memref<16x640xf32, #tpu.memory_space<vmem>> -> memref<1x640xf32, #tpu.memory_space<vmem>>
      %dma_wait3A_125 = tpu.memref_squeeze %dma_wait3A_124 : memref<1x640xf32, #tpu.memory_space<vmem>> -> memref<640xf32, #tpu.memory_space<vmem>>
      %dma_wait3A_126 = tpu.memref_slice %arg7[%add3A_58] : memref<163840xf32, #tpu.memory_space<vmem_shared>> -> memref<640xf32, #tpu.memory_space<vmem_shared>>
      tpu.wait_dma2 semaphore(%run_scoped3A_112 : memref<!tpu.dma_semaphore, #tpu.memory_space<semaphore_mem>>) src(%dma_wait3A_126 : memref<640xf32, #tpu.memory_space<vmem_shared>>) dst(%dma_wait3A_125 : memref<640xf32, #tpu.memory_space<vmem>>)
      tpu.yield
    }) : () -> ()
    %mul3A_60 = arith.constant 640 : i32
    %mul3A_61 = arith.muli %arg1, %mul3A_60 : i32
    %add3A_62 = arith.constant 81920 : i32
    %add3A_63 = arith.addi %add3A_62, %mul3A_61 : i32
    %run_scoped3A_64 = arith.constant 8 : i32
    "tpu.region"() ({
      %run_scoped3A_112 = tpu.sem_alloc : memref<!tpu.dma_semaphore, #tpu.memory_space<semaphore_mem>>
      %dma_start3A = arith.constant 0 : i32
      %dma_start3A_113 = tpu.memref_slice %arg6[%run_scoped3A_64, %dma_start3A] : memref<16x640xf32, #tpu.memory_space<vmem>> -> memref<1x640xf32, #tpu.memory_space<vmem>>
      %dma_start3A_114 = tpu.memref_squeeze %dma_start3A_113 : memref<1x640xf32, #tpu.memory_space<vmem>> -> memref<640xf32, #tpu.memory_space<vmem>>
      %dma_start3A_115 = tpu.memref_slice %arg7[%add3A_63] : memref<163840xf32, #tpu.memory_space<vmem_shared>> -> memref<640xf32, #tpu.memory_space<vmem_shared>>
      %dma_start3A_116 = arith.constant 0 : i32
      %dma_start3A_117 = tpu.memref_slice %arg6[%run_scoped3A_64, %dma_start3A_116] : memref<16x640xf32, #tpu.memory_space<vmem>> -> memref<1x640xf32, #tpu.memory_space<vmem>>
      %dma_start3A_118 = tpu.memref_squeeze %dma_start3A_117 : memref<1x640xf32, #tpu.memory_space<vmem>> -> memref<640xf32, #tpu.memory_space<vmem>>
      %dma_start3A_119 = tpu.memref_slice %arg7[%add3A_63] : memref<163840xf32, #tpu.memory_space<vmem_shared>> -> memref<640xf32, #tpu.memory_space<vmem_shared>>
      tpu.enqueue_dma source(%dma_start3A_119 : memref<640xf32, #tpu.memory_space<vmem_shared>>) target(%dma_start3A_118 : memref<640xf32, #tpu.memory_space<vmem>>) target_semaphore(%run_scoped3A_112 : memref<!tpu.dma_semaphore, #tpu.memory_space<semaphore_mem>>)
      %dma_wait3A = arith.constant 0 : i32
      %dma_wait3A_120 = tpu.memref_slice %arg6[%run_scoped3A_64, %dma_wait3A] : memref<16x640xf32, #tpu.memory_space<vmem>> -> memref<1x640xf32, #tpu.memory_space<vmem>>
      %dma_wait3A_121 = tpu.memref_squeeze %dma_wait3A_120 : memref<1x640xf32, #tpu.memory_space<vmem>> -> memref<640xf32, #tpu.memory_space<vmem>>
      %dma_wait3A_122 = tpu.memref_slice %arg7[%add3A_63] : memref<163840xf32, #tpu.memory_space<vmem_shared>> -> memref<640xf32, #tpu.memory_space<vmem_shared>>
      %dma_wait3A_123 = arith.constant 0 : i32
      %dma_wait3A_124 = tpu.memref_slice %arg6[%run_scoped3A_64, %dma_wait3A_123] : memref<16x640xf32, #tpu.memory_space<vmem>> -> memref<1x640xf32, #tpu.memory_space<vmem>>
      %dma_wait3A_125 = tpu.memref_squeeze %dma_wait3A_124 : memref<1x640xf32, #tpu.memory_space<vmem>> -> memref<640xf32, #tpu.memory_space<vmem>>
      %dma_wait3A_126 = tpu.memref_slice %arg7[%add3A_63] : memref<163840xf32, #tpu.memory_space<vmem_shared>> -> memref<640xf32, #tpu.memory_space<vmem_shared>>
      tpu.wait_dma2 semaphore(%run_scoped3A_112 : memref<!tpu.dma_semaphore, #tpu.memory_space<semaphore_mem>>) src(%dma_wait3A_126 : memref<640xf32, #tpu.memory_space<vmem_shared>>) dst(%dma_wait3A_125 : memref<640xf32, #tpu.memory_space<vmem>>)
      tpu.yield
    }) : () -> ()
    %mul3A_65 = arith.constant 640 : i32
    %mul3A_66 = arith.muli %arg1, %mul3A_65 : i32
    %add3A_67 = arith.constant 92160 : i32
    %add3A_68 = arith.addi %add3A_67, %mul3A_66 : i32
    %run_scoped3A_69 = arith.constant 9 : i32
    "tpu.region"() ({
      %run_scoped3A_112 = tpu.sem_alloc : memref<!tpu.dma_semaphore, #tpu.memory_space<semaphore_mem>>
      %dma_start3A = arith.constant 0 : i32
      %dma_start3A_113 = tpu.memref_slice %arg6[%run_scoped3A_69, %dma_start3A] : memref<16x640xf32, #tpu.memory_space<vmem>> -> memref<1x640xf32, #tpu.memory_space<vmem>>
      %dma_start3A_114 = tpu.memref_squeeze %dma_start3A_113 : memref<1x640xf32, #tpu.memory_space<vmem>> -> memref<640xf32, #tpu.memory_space<vmem>>
      %dma_start3A_115 = tpu.memref_slice %arg7[%add3A_68] : memref<163840xf32, #tpu.memory_space<vmem_shared>> -> memref<640xf32, #tpu.memory_space<vmem_shared>>
      %dma_start3A_116 = arith.constant 0 : i32
      %dma_start3A_117 = tpu.memref_slice %arg6[%run_scoped3A_69, %dma_start3A_116] : memref<16x640xf32, #tpu.memory_space<vmem>> -> memref<1x640xf32, #tpu.memory_space<vmem>>
      %dma_start3A_118 = tpu.memref_squeeze %dma_start3A_117 : memref<1x640xf32, #tpu.memory_space<vmem>> -> memref<640xf32, #tpu.memory_space<vmem>>
      %dma_start3A_119 = tpu.memref_slice %arg7[%add3A_68] : memref<163840xf32, #tpu.memory_space<vmem_shared>> -> memref<640xf32, #tpu.memory_space<vmem_shared>>
      tpu.enqueue_dma source(%dma_start3A_119 : memref<640xf32, #tpu.memory_space<vmem_shared>>) target(%dma_start3A_118 : memref<640xf32, #tpu.memory_space<vmem>>) target_semaphore(%run_scoped3A_112 : memref<!tpu.dma_semaphore, #tpu.memory_space<semaphore_mem>>)
      %dma_wait3A = arith.constant 0 : i32
      %dma_wait3A_120 = tpu.memref_slice %arg6[%run_scoped3A_69, %dma_wait3A] : memref<16x640xf32, #tpu.memory_space<vmem>> -> memref<1x640xf32, #tpu.memory_space<vmem>>
      %dma_wait3A_121 = tpu.memref_squeeze %dma_wait3A_120 : memref<1x640xf32, #tpu.memory_space<vmem>> -> memref<640xf32, #tpu.memory_space<vmem>>
      %dma_wait3A_122 = tpu.memref_slice %arg7[%add3A_68] : memref<163840xf32, #tpu.memory_space<vmem_shared>> -> memref<640xf32, #tpu.memory_space<vmem_shared>>
      %dma_wait3A_123 = arith.constant 0 : i32
      %dma_wait3A_124 = tpu.memref_slice %arg6[%run_scoped3A_69, %dma_wait3A_123] : memref<16x640xf32, #tpu.memory_space<vmem>> -> memref<1x640xf32, #tpu.memory_space<vmem>>
      %dma_wait3A_125 = tpu.memref_squeeze %dma_wait3A_124 : memref<1x640xf32, #tpu.memory_space<vmem>> -> memref<640xf32, #tpu.memory_space<vmem>>
      %dma_wait3A_126 = tpu.memref_slice %arg7[%add3A_68] : memref<163840xf32, #tpu.memory_space<vmem_shared>> -> memref<640xf32, #tpu.memory_space<vmem_shared>>
      tpu.wait_dma2 semaphore(%run_scoped3A_112 : memref<!tpu.dma_semaphore, #tpu.memory_space<semaphore_mem>>) src(%dma_wait3A_126 : memref<640xf32, #tpu.memory_space<vmem_shared>>) dst(%dma_wait3A_125 : memref<640xf32, #tpu.memory_space<vmem>>)
      tpu.yield
    }) : () -> ()
    %mul3A_70 = arith.constant 640 : i32
    %mul3A_71 = arith.muli %arg1, %mul3A_70 : i32
    %add3A_72 = arith.constant 102400 : i32
    %add3A_73 = arith.addi %add3A_72, %mul3A_71 : i32
    %run_scoped3A_74 = arith.constant 10 : i32
    "tpu.region"() ({
      %run_scoped3A_112 = tpu.sem_alloc : memref<!tpu.dma_semaphore, #tpu.memory_space<semaphore_mem>>
      %dma_start3A = arith.constant 0 : i32
      %dma_start3A_113 = tpu.memref_slice %arg6[%run_scoped3A_74, %dma_start3A] : memref<16x640xf32, #tpu.memory_space<vmem>> -> memref<1x640xf32, #tpu.memory_space<vmem>>
      %dma_start3A_114 = tpu.memref_squeeze %dma_start3A_113 : memref<1x640xf32, #tpu.memory_space<vmem>> -> memref<640xf32, #tpu.memory_space<vmem>>
      %dma_start3A_115 = tpu.memref_slice %arg7[%add3A_73] : memref<163840xf32, #tpu.memory_space<vmem_shared>> -> memref<640xf32, #tpu.memory_space<vmem_shared>>
      %dma_start3A_116 = arith.constant 0 : i32
      %dma_start3A_117 = tpu.memref_slice %arg6[%run_scoped3A_74, %dma_start3A_116] : memref<16x640xf32, #tpu.memory_space<vmem>> -> memref<1x640xf32, #tpu.memory_space<vmem>>
      %dma_start3A_118 = tpu.memref_squeeze %dma_start3A_117 : memref<1x640xf32, #tpu.memory_space<vmem>> -> memref<640xf32, #tpu.memory_space<vmem>>
      %dma_start3A_119 = tpu.memref_slice %arg7[%add3A_73] : memref<163840xf32, #tpu.memory_space<vmem_shared>> -> memref<640xf32, #tpu.memory_space<vmem_shared>>
      tpu.enqueue_dma source(%dma_start3A_119 : memref<640xf32, #tpu.memory_space<vmem_shared>>) target(%dma_start3A_118 : memref<640xf32, #tpu.memory_space<vmem>>) target_semaphore(%run_scoped3A_112 : memref<!tpu.dma_semaphore, #tpu.memory_space<semaphore_mem>>)
      %dma_wait3A = arith.constant 0 : i32
      %dma_wait3A_120 = tpu.memref_slice %arg6[%run_scoped3A_74, %dma_wait3A] : memref<16x640xf32, #tpu.memory_space<vmem>> -> memref<1x640xf32, #tpu.memory_space<vmem>>
      %dma_wait3A_121 = tpu.memref_squeeze %dma_wait3A_120 : memref<1x640xf32, #tpu.memory_space<vmem>> -> memref<640xf32, #tpu.memory_space<vmem>>
      %dma_wait3A_122 = tpu.memref_slice %arg7[%add3A_73] : memref<163840xf32, #tpu.memory_space<vmem_shared>> -> memref<640xf32, #tpu.memory_space<vmem_shared>>
      %dma_wait3A_123 = arith.constant 0 : i32
      %dma_wait3A_124 = tpu.memref_slice %arg6[%run_scoped3A_74, %dma_wait3A_123] : memref<16x640xf32, #tpu.memory_space<vmem>> -> memref<1x640xf32, #tpu.memory_space<vmem>>
      %dma_wait3A_125 = tpu.memref_squeeze %dma_wait3A_124 : memref<1x640xf32, #tpu.memory_space<vmem>> -> memref<640xf32, #tpu.memory_space<vmem>>
      %dma_wait3A_126 = tpu.memref_slice %arg7[%add3A_73] : memref<163840xf32, #tpu.memory_space<vmem_shared>> -> memref<640xf32, #tpu.memory_space<vmem_shared>>
      tpu.wait_dma2 semaphore(%run_scoped3A_112 : memref<!tpu.dma_semaphore, #tpu.memory_space<semaphore_mem>>) src(%dma_wait3A_126 : memref<640xf32, #tpu.memory_space<vmem_shared>>) dst(%dma_wait3A_125 : memref<640xf32, #tpu.memory_space<vmem>>)
      tpu.yield
    }) : () -> ()
    %mul3A_75 = arith.constant 640 : i32
    %mul3A_76 = arith.muli %arg1, %mul3A_75 : i32
    %add3A_77 = arith.constant 112640 : i32
    %add3A_78 = arith.addi %add3A_77, %mul3A_76 : i32
    %run_scoped3A_79 = arith.constant 11 : i32
    "tpu.region"() ({
      %run_scoped3A_112 = tpu.sem_alloc : memref<!tpu.dma_semaphore, #tpu.memory_space<semaphore_mem>>
      %dma_start3A = arith.constant 0 : i32
      %dma_start3A_113 = tpu.memref_slice %arg6[%run_scoped3A_79, %dma_start3A] : memref<16x640xf32, #tpu.memory_space<vmem>> -> memref<1x640xf32, #tpu.memory_space<vmem>>
      %dma_start3A_114 = tpu.memref_squeeze %dma_start3A_113 : memref<1x640xf32, #tpu.memory_space<vmem>> -> memref<640xf32, #tpu.memory_space<vmem>>
      %dma_start3A_115 = tpu.memref_slice %arg7[%add3A_78] : memref<163840xf32, #tpu.memory_space<vmem_shared>> -> memref<640xf32, #tpu.memory_space<vmem_shared>>
      %dma_start3A_116 = arith.constant 0 : i32
      %dma_start3A_117 = tpu.memref_slice %arg6[%run_scoped3A_79, %dma_start3A_116] : memref<16x640xf32, #tpu.memory_space<vmem>> -> memref<1x640xf32, #tpu.memory_space<vmem>>
      %dma_start3A_118 = tpu.memref_squeeze %dma_start3A_117 : memref<1x640xf32, #tpu.memory_space<vmem>> -> memref<640xf32, #tpu.memory_space<vmem>>
      %dma_start3A_119 = tpu.memref_slice %arg7[%add3A_78] : memref<163840xf32, #tpu.memory_space<vmem_shared>> -> memref<640xf32, #tpu.memory_space<vmem_shared>>
      tpu.enqueue_dma source(%dma_start3A_119 : memref<640xf32, #tpu.memory_space<vmem_shared>>) target(%dma_start3A_118 : memref<640xf32, #tpu.memory_space<vmem>>) target_semaphore(%run_scoped3A_112 : memref<!tpu.dma_semaphore, #tpu.memory_space<semaphore_mem>>)
      %dma_wait3A = arith.constant 0 : i32
      %dma_wait3A_120 = tpu.memref_slice %arg6[%run_scoped3A_79, %dma_wait3A] : memref<16x640xf32, #tpu.memory_space<vmem>> -> memref<1x640xf32, #tpu.memory_space<vmem>>
      %dma_wait3A_121 = tpu.memref_squeeze %dma_wait3A_120 : memref<1x640xf32, #tpu.memory_space<vmem>> -> memref<640xf32, #tpu.memory_space<vmem>>
      %dma_wait3A_122 = tpu.memref_slice %arg7[%add3A_78] : memref<163840xf32, #tpu.memory_space<vmem_shared>> -> memref<640xf32, #tpu.memory_space<vmem_shared>>
      %dma_wait3A_123 = arith.constant 0 : i32
      %dma_wait3A_124 = tpu.memref_slice %arg6[%run_scoped3A_79, %dma_wait3A_123] : memref<16x640xf32, #tpu.memory_space<vmem>> -> memref<1x640xf32, #tpu.memory_space<vmem>>
      %dma_wait3A_125 = tpu.memref_squeeze %dma_wait3A_124 : memref<1x640xf32, #tpu.memory_space<vmem>> -> memref<640xf32, #tpu.memory_space<vmem>>
      %dma_wait3A_126 = tpu.memref_slice %arg7[%add3A_78] : memref<163840xf32, #tpu.memory_space<vmem_shared>> -> memref<640xf32, #tpu.memory_space<vmem_shared>>
      tpu.wait_dma2 semaphore(%run_scoped3A_112 : memref<!tpu.dma_semaphore, #tpu.memory_space<semaphore_mem>>) src(%dma_wait3A_126 : memref<640xf32, #tpu.memory_space<vmem_shared>>) dst(%dma_wait3A_125 : memref<640xf32, #tpu.memory_space<vmem>>)
      tpu.yield
    }) : () -> ()
    %mul3A_80 = arith.constant 640 : i32
    %mul3A_81 = arith.muli %arg1, %mul3A_80 : i32
    %add3A_82 = arith.constant 122880 : i32
    %add3A_83 = arith.addi %add3A_82, %mul3A_81 : i32
    %run_scoped3A_84 = arith.constant 12 : i32
    "tpu.region"() ({
      %run_scoped3A_112 = tpu.sem_alloc : memref<!tpu.dma_semaphore, #tpu.memory_space<semaphore_mem>>
      %dma_start3A = arith.constant 0 : i32
      %dma_start3A_113 = tpu.memref_slice %arg6[%run_scoped3A_84, %dma_start3A] : memref<16x640xf32, #tpu.memory_space<vmem>> -> memref<1x640xf32, #tpu.memory_space<vmem>>
      %dma_start3A_114 = tpu.memref_squeeze %dma_start3A_113 : memref<1x640xf32, #tpu.memory_space<vmem>> -> memref<640xf32, #tpu.memory_space<vmem>>
      %dma_start3A_115 = tpu.memref_slice %arg7[%add3A_83] : memref<163840xf32, #tpu.memory_space<vmem_shared>> -> memref<640xf32, #tpu.memory_space<vmem_shared>>
      %dma_start3A_116 = arith.constant 0 : i32
      %dma_start3A_117 = tpu.memref_slice %arg6[%run_scoped3A_84, %dma_start3A_116] : memref<16x640xf32, #tpu.memory_space<vmem>> -> memref<1x640xf32, #tpu.memory_space<vmem>>
      %dma_start3A_118 = tpu.memref_squeeze %dma_start3A_117 : memref<1x640xf32, #tpu.memory_space<vmem>> -> memref<640xf32, #tpu.memory_space<vmem>>
      %dma_start3A_119 = tpu.memref_slice %arg7[%add3A_83] : memref<163840xf32, #tpu.memory_space<vmem_shared>> -> memref<640xf32, #tpu.memory_space<vmem_shared>>
      tpu.enqueue_dma source(%dma_start3A_119 : memref<640xf32, #tpu.memory_space<vmem_shared>>) target(%dma_start3A_118 : memref<640xf32, #tpu.memory_space<vmem>>) target_semaphore(%run_scoped3A_112 : memref<!tpu.dma_semaphore, #tpu.memory_space<semaphore_mem>>)
      %dma_wait3A = arith.constant 0 : i32
      %dma_wait3A_120 = tpu.memref_slice %arg6[%run_scoped3A_84, %dma_wait3A] : memref<16x640xf32, #tpu.memory_space<vmem>> -> memref<1x640xf32, #tpu.memory_space<vmem>>
      %dma_wait3A_121 = tpu.memref_squeeze %dma_wait3A_120 : memref<1x640xf32, #tpu.memory_space<vmem>> -> memref<640xf32, #tpu.memory_space<vmem>>
      %dma_wait3A_122 = tpu.memref_slice %arg7[%add3A_83] : memref<163840xf32, #tpu.memory_space<vmem_shared>> -> memref<640xf32, #tpu.memory_space<vmem_shared>>
      %dma_wait3A_123 = arith.constant 0 : i32
      %dma_wait3A_124 = tpu.memref_slice %arg6[%run_scoped3A_84, %dma_wait3A_123] : memref<16x640xf32, #tpu.memory_space<vmem>> -> memref<1x640xf32, #tpu.memory_space<vmem>>
      %dma_wait3A_125 = tpu.memref_squeeze %dma_wait3A_124 : memref<1x640xf32, #tpu.memory_space<vmem>> -> memref<640xf32, #tpu.memory_space<vmem>>
      %dma_wait3A_126 = tpu.memref_slice %arg7[%add3A_83] : memref<163840xf32, #tpu.memory_space<vmem_shared>> -> memref<640xf32, #tpu.memory_space<vmem_shared>>
      tpu.wait_dma2 semaphore(%run_scoped3A_112 : memref<!tpu.dma_semaphore, #tpu.memory_space<semaphore_mem>>) src(%dma_wait3A_126 : memref<640xf32, #tpu.memory_space<vmem_shared>>) dst(%dma_wait3A_125 : memref<640xf32, #tpu.memory_space<vmem>>)
      tpu.yield
    }) : () -> ()
    %mul3A_85 = arith.constant 640 : i32
    %mul3A_86 = arith.muli %arg1, %mul3A_85 : i32
    %add3A_87 = arith.constant 133120 : i32
    %add3A_88 = arith.addi %add3A_87, %mul3A_86 : i32
    %run_scoped3A_89 = arith.constant 13 : i32
    "tpu.region"() ({
      %run_scoped3A_112 = tpu.sem_alloc : memref<!tpu.dma_semaphore, #tpu.memory_space<semaphore_mem>>
      %dma_start3A = arith.constant 0 : i32
      %dma_start3A_113 = tpu.memref_slice %arg6[%run_scoped3A_89, %dma_start3A] : memref<16x640xf32, #tpu.memory_space<vmem>> -> memref<1x640xf32, #tpu.memory_space<vmem>>
      %dma_start3A_114 = tpu.memref_squeeze %dma_start3A_113 : memref<1x640xf32, #tpu.memory_space<vmem>> -> memref<640xf32, #tpu.memory_space<vmem>>
      %dma_start3A_115 = tpu.memref_slice %arg7[%add3A_88] : memref<163840xf32, #tpu.memory_space<vmem_shared>> -> memref<640xf32, #tpu.memory_space<vmem_shared>>
      %dma_start3A_116 = arith.constant 0 : i32
      %dma_start3A_117 = tpu.memref_slice %arg6[%run_scoped3A_89, %dma_start3A_116] : memref<16x640xf32, #tpu.memory_space<vmem>> -> memref<1x640xf32, #tpu.memory_space<vmem>>
      %dma_start3A_118 = tpu.memref_squeeze %dma_start3A_117 : memref<1x640xf32, #tpu.memory_space<vmem>> -> memref<640xf32, #tpu.memory_space<vmem>>
      %dma_start3A_119 = tpu.memref_slice %arg7[%add3A_88] : memref<163840xf32, #tpu.memory_space<vmem_shared>> -> memref<640xf32, #tpu.memory_space<vmem_shared>>
      tpu.enqueue_dma source(%dma_start3A_119 : memref<640xf32, #tpu.memory_space<vmem_shared>>) target(%dma_start3A_118 : memref<640xf32, #tpu.memory_space<vmem>>) target_semaphore(%run_scoped3A_112 : memref<!tpu.dma_semaphore, #tpu.memory_space<semaphore_mem>>)
      %dma_wait3A = arith.constant 0 : i32
      %dma_wait3A_120 = tpu.memref_slice %arg6[%run_scoped3A_89, %dma_wait3A] : memref<16x640xf32, #tpu.memory_space<vmem>> -> memref<1x640xf32, #tpu.memory_space<vmem>>
      %dma_wait3A_121 = tpu.memref_squeeze %dma_wait3A_120 : memref<1x640xf32, #tpu.memory_space<vmem>> -> memref<640xf32, #tpu.memory_space<vmem>>
      %dma_wait3A_122 = tpu.memref_slice %arg7[%add3A_88] : memref<163840xf32, #tpu.memory_space<vmem_shared>> -> memref<640xf32, #tpu.memory_space<vmem_shared>>
      %dma_wait3A_123 = arith.constant 0 : i32
      %dma_wait3A_124 = tpu.memref_slice %arg6[%run_scoped3A_89, %dma_wait3A_123] : memref<16x640xf32, #tpu.memory_space<vmem>> -> memref<1x640xf32, #tpu.memory_space<vmem>>
      %dma_wait3A_125 = tpu.memref_squeeze %dma_wait3A_124 : memref<1x640xf32, #tpu.memory_space<vmem>> -> memref<640xf32, #tpu.memory_space<vmem>>
      %dma_wait3A_126 = tpu.memref_slice %arg7[%add3A_88] : memref<163840xf32, #tpu.memory_space<vmem_shared>> -> memref<640xf32, #tpu.memory_space<vmem_shared>>
      tpu.wait_dma2 semaphore(%run_scoped3A_112 : memref<!tpu.dma_semaphore, #tpu.memory_space<semaphore_mem>>) src(%dma_wait3A_126 : memref<640xf32, #tpu.memory_space<vmem_shared>>) dst(%dma_wait3A_125 : memref<640xf32, #tpu.memory_space<vmem>>)
      tpu.yield
    }) : () -> ()
    %mul3A_90 = arith.constant 640 : i32
    %mul3A_91 = arith.muli %arg1, %mul3A_90 : i32
    %add3A_92 = arith.constant 143360 : i32
    %add3A_93 = arith.addi %add3A_92, %mul3A_91 : i32
    %run_scoped3A_94 = arith.constant 14 : i32
    "tpu.region"() ({
      %run_scoped3A_112 = tpu.sem_alloc : memref<!tpu.dma_semaphore, #tpu.memory_space<semaphore_mem>>
      %dma_start3A = arith.constant 0 : i32
      %dma_start3A_113 = tpu.memref_slice %arg6[%run_scoped3A_94, %dma_start3A] : memref<16x640xf32, #tpu.memory_space<vmem>> -> memref<1x640xf32, #tpu.memory_space<vmem>>
      %dma_start3A_114 = tpu.memref_squeeze %dma_start3A_113 : memref<1x640xf32, #tpu.memory_space<vmem>> -> memref<640xf32, #tpu.memory_space<vmem>>
      %dma_start3A_115 = tpu.memref_slice %arg7[%add3A_93] : memref<163840xf32, #tpu.memory_space<vmem_shared>> -> memref<640xf32, #tpu.memory_space<vmem_shared>>
      %dma_start3A_116 = arith.constant 0 : i32
      %dma_start3A_117 = tpu.memref_slice %arg6[%run_scoped3A_94, %dma_start3A_116] : memref<16x640xf32, #tpu.memory_space<vmem>> -> memref<1x640xf32, #tpu.memory_space<vmem>>
      %dma_start3A_118 = tpu.memref_squeeze %dma_start3A_117 : memref<1x640xf32, #tpu.memory_space<vmem>> -> memref<640xf32, #tpu.memory_space<vmem>>
      %dma_start3A_119 = tpu.memref_slice %arg7[%add3A_93] : memref<163840xf32, #tpu.memory_space<vmem_shared>> -> memref<640xf32, #tpu.memory_space<vmem_shared>>
      tpu.enqueue_dma source(%dma_start3A_119 : memref<640xf32, #tpu.memory_space<vmem_shared>>) target(%dma_start3A_118 : memref<640xf32, #tpu.memory_space<vmem>>) target_semaphore(%run_scoped3A_112 : memref<!tpu.dma_semaphore, #tpu.memory_space<semaphore_mem>>)
      %dma_wait3A = arith.constant 0 : i32
      %dma_wait3A_120 = tpu.memref_slice %arg6[%run_scoped3A_94, %dma_wait3A] : memref<16x640xf32, #tpu.memory_space<vmem>> -> memref<1x640xf32, #tpu.memory_space<vmem>>
      %dma_wait3A_121 = tpu.memref_squeeze %dma_wait3A_120 : memref<1x640xf32, #tpu.memory_space<vmem>> -> memref<640xf32, #tpu.memory_space<vmem>>
      %dma_wait3A_122 = tpu.memref_slice %arg7[%add3A_93] : memref<163840xf32, #tpu.memory_space<vmem_shared>> -> memref<640xf32, #tpu.memory_space<vmem_shared>>
      %dma_wait3A_123 = arith.constant 0 : i32
      %dma_wait3A_124 = tpu.memref_slice %arg6[%run_scoped3A_94, %dma_wait3A_123] : memref<16x640xf32, #tpu.memory_space<vmem>> -> memref<1x640xf32, #tpu.memory_space<vmem>>
      %dma_wait3A_125 = tpu.memref_squeeze %dma_wait3A_124 : memref<1x640xf32, #tpu.memory_space<vmem>> -> memref<640xf32, #tpu.memory_space<vmem>>
      %dma_wait3A_126 = tpu.memref_slice %arg7[%add3A_93] : memref<163840xf32, #tpu.memory_space<vmem_shared>> -> memref<640xf32, #tpu.memory_space<vmem_shared>>
      tpu.wait_dma2 semaphore(%run_scoped3A_112 : memref<!tpu.dma_semaphore, #tpu.memory_space<semaphore_mem>>) src(%dma_wait3A_126 : memref<640xf32, #tpu.memory_space<vmem_shared>>) dst(%dma_wait3A_125 : memref<640xf32, #tpu.memory_space<vmem>>)
      tpu.yield
    }) : () -> ()
    %mul3A_95 = arith.constant 640 : i32
    %mul3A_96 = arith.muli %arg1, %mul3A_95 : i32
    %add3A_97 = arith.constant 153600 : i32
    %add3A_98 = arith.addi %add3A_97, %mul3A_96 : i32
    %run_scoped3A_99 = arith.constant 15 : i32
    "tpu.region"() ({
      %run_scoped3A_112 = tpu.sem_alloc : memref<!tpu.dma_semaphore, #tpu.memory_space<semaphore_mem>>
      %dma_start3A = arith.constant 0 : i32
      %dma_start3A_113 = tpu.memref_slice %arg6[%run_scoped3A_99, %dma_start3A] : memref<16x640xf32, #tpu.memory_space<vmem>> -> memref<1x640xf32, #tpu.memory_space<vmem>>
      %dma_start3A_114 = tpu.memref_squeeze %dma_start3A_113 : memref<1x640xf32, #tpu.memory_space<vmem>> -> memref<640xf32, #tpu.memory_space<vmem>>
      %dma_start3A_115 = tpu.memref_slice %arg7[%add3A_98] : memref<163840xf32, #tpu.memory_space<vmem_shared>> -> memref<640xf32, #tpu.memory_space<vmem_shared>>
      %dma_start3A_116 = arith.constant 0 : i32
      %dma_start3A_117 = tpu.memref_slice %arg6[%run_scoped3A_99, %dma_start3A_116] : memref<16x640xf32, #tpu.memory_space<vmem>> -> memref<1x640xf32, #tpu.memory_space<vmem>>
      %dma_start3A_118 = tpu.memref_squeeze %dma_start3A_117 : memref<1x640xf32, #tpu.memory_space<vmem>> -> memref<640xf32, #tpu.memory_space<vmem>>
      %dma_start3A_119 = tpu.memref_slice %arg7[%add3A_98] : memref<163840xf32, #tpu.memory_space<vmem_shared>> -> memref<640xf32, #tpu.memory_space<vmem_shared>>
      tpu.enqueue_dma source(%dma_start3A_119 : memref<640xf32, #tpu.memory_space<vmem_shared>>) target(%dma_start3A_118 : memref<640xf32, #tpu.memory_space<vmem>>) target_semaphore(%run_scoped3A_112 : memref<!tpu.dma_semaphore, #tpu.memory_space<semaphore_mem>>)
      %dma_wait3A = arith.constant 0 : i32
      %dma_wait3A_120 = tpu.memref_slice %arg6[%run_scoped3A_99, %dma_wait3A] : memref<16x640xf32, #tpu.memory_space<vmem>> -> memref<1x640xf32, #tpu.memory_space<vmem>>
      %dma_wait3A_121 = tpu.memref_squeeze %dma_wait3A_120 : memref<1x640xf32, #tpu.memory_space<vmem>> -> memref<640xf32, #tpu.memory_space<vmem>>
      %dma_wait3A_122 = tpu.memref_slice %arg7[%add3A_98] : memref<163840xf32, #tpu.memory_space<vmem_shared>> -> memref<640xf32, #tpu.memory_space<vmem_shared>>
      %dma_wait3A_123 = arith.constant 0 : i32
      %dma_wait3A_124 = tpu.memref_slice %arg6[%run_scoped3A_99, %dma_wait3A_123] : memref<16x640xf32, #tpu.memory_space<vmem>> -> memref<1x640xf32, #tpu.memory_space<vmem>>
      %dma_wait3A_125 = tpu.memref_squeeze %dma_wait3A_124 : memref<1x640xf32, #tpu.memory_space<vmem>> -> memref<640xf32, #tpu.memory_space<vmem>>
      %dma_wait3A_126 = tpu.memref_slice %arg7[%add3A_98] : memref<163840xf32, #tpu.memory_space<vmem_shared>> -> memref<640xf32, #tpu.memory_space<vmem_shared>>
      tpu.wait_dma2 semaphore(%run_scoped3A_112 : memref<!tpu.dma_semaphore, #tpu.memory_space<semaphore_mem>>) src(%dma_wait3A_126 : memref<640xf32, #tpu.memory_space<vmem_shared>>) dst(%dma_wait3A_125 : memref<640xf32, #tpu.memory_space<vmem>>)
      tpu.yield
    }) : () -> ()
    %scan3A_100 = arith.constant 0 : i32
    %scan3A_101 = arith.constant 0 : i32
    %scan3A_102 = arith.constant 40 : i32
    %scan3A_103 = arith.addi %scan3A_101, %scan3A_102 : i32
    %scan3A_104 = arith.constant 1 : i32
    %scan3A_105 = scf.for %scan3A_112 = %scan3A_101 to %scan3A_103 step %scan3A_104 iter_args(%scan3A_113 = %scan3A_100) -> (i32)  : i32 {
      %mul3A_114 = arith.constant 16 : i32
      %mul3A_115 = arith.muli %scan3A_112, %mul3A_114 : i32
      %get3A = arith.constant 0 : i32
      %get3A_116 = arith.index_cast %get3A : i32 to index
      %get3A_117 = arith.index_cast %mul3A_115 : i32 to index
      %get3A_118 = tpu.vector_load %arg6[%get3A_116, %get3A_117] {strides = array<i32>} : memref<16x640xf32, #tpu.memory_space<vmem>>, vector<16xf32>,
      %add3A_119 = arith.addf %broadcast_in_dim3A_0, %get3A_118 : vector<16xf32>
      %mul3A_120 = arith.constant 16 : i32
      %mul3A_121 = arith.muli %scan3A_112, %mul3A_120 : i32
      %get3A_122 = arith.constant 1 : i32
      %get3A_123 = arith.index_cast %get3A_122 : i32 to index
      %get3A_124 = arith.index_cast %mul3A_121 : i32 to index
      %get3A_125 = tpu.vector_load %arg6[%get3A_123, %get3A_124] {strides = array<i32>} : memref<16x640xf32, #tpu.memory_space<vmem>>, vector<16xf32>,
      %add3A_126 = arith.addf %add3A_119, %get3A_125 : vector<16xf32>
      %mul3A_127 = arith.constant 16 : i32
      %mul3A_128 = arith.muli %scan3A_112, %mul3A_127 : i32
      %get3A_129 = arith.constant 2 : i32
      %get3A_130 = arith.index_cast %get3A_129 : i32 to index
      %get3A_131 = arith.index_cast %mul3A_128 : i32 to index
      %get3A_132 = tpu.vector_load %arg6[%get3A_130, %get3A_131] {strides = array<i32>} : memref<16x640xf32, #tpu.memory_space<vmem>>, vector<16xf32>,
      %add3A_133 = arith.addf %add3A_126, %get3A_132 : vector<16xf32>
      %mul3A_134 = arith.constant 16 : i32
      %mul3A_135 = arith.muli %scan3A_112, %mul3A_134 : i32
      %get3A_136 = arith.constant 3 : i32
      %get3A_137 = arith.index_cast %get3A_136 : i32 to index
      %get3A_138 = arith.index_cast %mul3A_135 : i32 to index
      %get3A_139 = tpu.vector_load %arg6[%get3A_137, %get3A_138] {strides = array<i32>} : memref<16x640xf32, #tpu.memory_space<vmem>>, vector<16xf32>,
      %add3A_140 = arith.addf %add3A_133, %get3A_139 : vector<16xf32>
      %mul3A_141 = arith.constant 16 : i32
      %mul3A_142 = arith.muli %scan3A_112, %mul3A_141 : i32
      %get3A_143 = arith.constant 4 : i32
      %get3A_144 = arith.index_cast %get3A_143 : i32 to index
      %get3A_145 = arith.index_cast %mul3A_142 : i32 to index
      %get3A_146 = tpu.vector_load %arg6[%get3A_144, %get3A_145] {strides = array<i32>} : memref<16x640xf32, #tpu.memory_space<vmem>>, vector<16xf32>,
      %add3A_147 = arith.addf %add3A_140, %get3A_146 : vector<16xf32>
      %mul3A_148 = arith.constant 16 : i32
      %mul3A_149 = arith.muli %scan3A_112, %mul3A_148 : i32
      %get3A_150 = arith.constant 5 : i32
      %get3A_151 = arith.index_cast %get3A_150 : i32 to index
      %get3A_152 = arith.index_cast %mul3A_149 : i32 to index
      %get3A_153 = tpu.vector_load %arg6[%get3A_151, %get3A_152] {strides = array<i32>} : memref<16x640xf32, #tpu.memory_space<vmem>>, vector<16xf32>,
      %add3A_154 = arith.addf %add3A_147, %get3A_153 : vector<16xf32>
      %mul3A_155 = arith.constant 16 : i32
      %mul3A_156 = arith.muli %scan3A_112, %mul3A_155 : i32
      %get3A_157 = arith.constant 6 : i32
      %get3A_158 = arith.index_cast %get3A_157 : i32 to index
      %get3A_159 = arith.index_cast %mul3A_156 : i32 to index
      %get3A_160 = tpu.vector_load %arg6[%get3A_158, %get3A_159] {strides = array<i32>} : memref<16x640xf32, #tpu.memory_space<vmem>>, vector<16xf32>,
      %add3A_161 = arith.addf %add3A_154, %get3A_160 : vector<16xf32>
      %mul3A_162 = arith.constant 16 : i32
      %mul3A_163 = arith.muli %scan3A_112, %mul3A_162 : i32
      %get3A_164 = arith.constant 7 : i32
      %get3A_165 = arith.index_cast %get3A_164 : i32 to index
      %get3A_166 = arith.index_cast %mul3A_163 : i32 to index
      %get3A_167 = tpu.vector_load %arg6[%get3A_165, %get3A_166] {strides = array<i32>} : memref<16x640xf32, #tpu.memory_space<vmem>>, vector<16xf32>,
      %add3A_168 = arith.addf %add3A_161, %get3A_167 : vector<16xf32>
      %mul3A_169 = arith.constant 16 : i32
      %mul3A_170 = arith.muli %scan3A_112, %mul3A_169 : i32
      %get3A_171 = arith.constant 8 : i32
      %get3A_172 = arith.index_cast %get3A_171 : i32 to index
      %get3A_173 = arith.index_cast %mul3A_170 : i32 to index
      %get3A_174 = tpu.vector_load %arg6[%get3A_172, %get3A_173] {strides = array<i32>} : memref<16x640xf32, #tpu.memory_space<vmem>>, vector<16xf32>,
      %add3A_175 = arith.addf %add3A_168, %get3A_174 : vector<16xf32>
      %mul3A_176 = arith.constant 16 : i32
      %mul3A_177 = arith.muli %scan3A_112, %mul3A_176 : i32
      %get3A_178 = arith.constant 9 : i32
      %get3A_179 = arith.index_cast %get3A_178 : i32 to index
      %get3A_180 = arith.index_cast %mul3A_177 : i32 to index
      %get3A_181 = tpu.vector_load %arg6[%get3A_179, %get3A_180] {strides = array<i32>} : memref<16x640xf32, #tpu.memory_space<vmem>>, vector<16xf32>,
      %add3A_182 = arith.addf %add3A_175, %get3A_181 : vector<16xf32>
      %mul3A_183 = arith.constant 16 : i32
      %mul3A_184 = arith.muli %scan3A_112, %mul3A_183 : i32
      %get3A_185 = arith.constant 10 : i32
      %get3A_186 = arith.index_cast %get3A_185 : i32 to index
      %get3A_187 = arith.index_cast %mul3A_184 : i32 to index
      %get3A_188 = tpu.vector_load %arg6[%get3A_186, %get3A_187] {strides = array<i32>} : memref<16x640xf32, #tpu.memory_space<vmem>>, vector<16xf32>,
      %add3A_189 = arith.addf %add3A_182, %get3A_188 : vector<16xf32>
      %mul3A_190 = arith.constant 16 : i32
      %mul3A_191 = arith.muli %scan3A_112, %mul3A_190 : i32
      %get3A_192 = arith.constant 11 : i32
      %get3A_193 = arith.index_cast %get3A_192 : i32 to index
      %get3A_194 = arith.index_cast %mul3A_191 : i32 to index
      %get3A_195 = tpu.vector_load %arg6[%get3A_193, %get3A_194] {strides = array<i32>} : memref<16x640xf32, #tpu.memory_space<vmem>>, vector<16xf32>,
      %add3A_196 = arith.addf %add3A_189, %get3A_195 : vector<16xf32>
      %mul3A_197 = arith.constant 16 : i32
      %mul3A_198 = arith.muli %scan3A_112, %mul3A_197 : i32
      %get3A_199 = arith.constant 12 : i32
      %get3A_200 = arith.index_cast %get3A_199 : i32 to index
      %get3A_201 = arith.index_cast %mul3A_198 : i32 to index
      %get3A_202 = tpu.vector_load %arg6[%get3A_200, %get3A_201] {strides = array<i32>} : memref<16x640xf32, #tpu.memory_space<vmem>>, vector<16xf32>,
      %add3A_203 = arith.addf %add3A_196, %get3A_202 : vector<16xf32>
      %mul3A_204 = arith.constant 16 : i32
      %mul3A_205 = arith.muli %scan3A_112, %mul3A_204 : i32
      %get3A_206 = arith.constant 13 : i32
      %get3A_207 = arith.index_cast %get3A_206 : i32 to index
      %get3A_208 = arith.index_cast %mul3A_205 : i32 to index
      %get3A_209 = tpu.vector_load %arg6[%get3A_207, %get3A_208] {strides = array<i32>} : memref<16x640xf32, #tpu.memory_space<vmem>>, vector<16xf32>,
      %add3A_210 = arith.addf %add3A_203, %get3A_209 : vector<16xf32>
      %mul3A_211 = arith.constant 16 : i32
      %mul3A_212 = arith.muli %scan3A_112, %mul3A_211 : i32
      %get3A_213 = arith.constant 14 : i32
      %get3A_214 = arith.index_cast %get3A_213 : i32 to index
      %get3A_215 = arith.index_cast %mul3A_212 : i32 to index
      %get3A_216 = tpu.vector_load %arg6[%get3A_214, %get3A_215] {strides = array<i32>} : memref<16x640xf32, #tpu.memory_space<vmem>>, vector<16xf32>,
      %add3A_217 = arith.addf %add3A_210, %get3A_216 : vector<16xf32>
      %mul3A_218 = arith.constant 16 : i32
      %mul3A_219 = arith.muli %scan3A_112, %mul3A_218 : i32
      %get3A_220 = arith.constant 15 : i32
      %get3A_221 = arith.index_cast %get3A_220 : i32 to index
      %get3A_222 = arith.index_cast %mul3A_219 : i32 to index
      %get3A_223 = tpu.vector_load %arg6[%get3A_221, %get3A_222] {strides = array<i32>} : memref<16x640xf32, #tpu.memory_space<vmem>>, vector<16xf32>,
      %add3A_224 = arith.addf %add3A_217, %get3A_223 : vector<16xf32>
      %mul3A_225 = arith.constant 16 : i32
      %mul3A_226 = arith.muli %scan3A_112, %mul3A_225 : i32
      %swap3A = arith.index_cast %mul3A_226 : i32 to index
      %swap3A_227 = tpu.vector_load %arg4[%swap3A] {strides = array<i32>} : memref<10240xf32, #tpu.memory_space<vmem>>, vector<16xf32>,
      tpu.vector_store %arg4[%swap3A], %add3A_224 {strides = array<i32>} : memref<10240xf32, #tpu.memory_space<vmem>>, vector<16xf32>,
      %scan3A_228 = arith.constant 0 : i32
      scf.yield %scan3A_228 : i32
    }
    %scan3A_106 = arith.constant 40 : i32
    %mul3A_107 = arith.constant 10240 : i32
    %mul3A_108 = arith.muli %arg0, %mul3A_107 : i32
    %mul3A_109 = arith.constant 640 : i32
    %mul3A_110 = arith.muli %arg1, %mul3A_109 : i32
    %add3A_111 = arith.addi %mul3A_108, %mul3A_110 : i32
    "tpu.region"() ({
      %run_scoped3A_112 = tpu.sem_alloc : memref<!tpu.dma_semaphore, #tpu.memory_space<semaphore_mem>>
      %dma_start3A = arith.constant 0 : i32
      %dma_start3A_113 = tpu.memref_slice %arg4[%dma_start3A] : memref<10240xf32, #tpu.memory_space<vmem>> -> memref<640xf32, #tpu.memory_space<vmem>>
      %dma_start3A_114 = tpu.memref_slice %arg3[%add3A_111] : memref<20480xf32, #tpu.memory_space<hbm>> -> memref<640xf32, #tpu.memory_space<hbm>>
      %dma_start3A_115 = tpu.memref_slice %arg3[%add3A_111] : memref<20480xf32, #tpu.memory_space<hbm>> -> memref<640xf32, #tpu.memory_space<hbm>>
      %dma_start3A_116 = arith.constant 0 : i32
      %dma_start3A_117 = tpu.memref_slice %arg4[%dma_start3A_116] : memref<10240xf32, #tpu.memory_space<vmem>> -> memref<640xf32, #tpu.memory_space<vmem>>
      tpu.enqueue_dma source(%dma_start3A_117 : memref<640xf32, #tpu.memory_space<vmem>>) target(%dma_start3A_115 : memref<640xf32, #tpu.memory_space<hbm>>) target_semaphore(%run_scoped3A_112 : memref<!tpu.dma_semaphore, #tpu.memory_space<semaphore_mem>>)
      %dma_wait3A = arith.constant 0 : i32
      %dma_wait3A_118 = tpu.memref_slice %arg4[%dma_wait3A] : memref<10240xf32, #tpu.memory_space<vmem>> -> memref<640xf32, #tpu.memory_space<vmem>>
      %dma_wait3A_119 = tpu.memref_slice %arg3[%add3A_111] : memref<20480xf32, #tpu.memory_space<hbm>> -> memref<640xf32, #tpu.memory_space<hbm>>
      %dma_wait3A_120 = tpu.memref_slice %arg3[%add3A_111] : memref<20480xf32, #tpu.memory_space<hbm>> -> memref<640xf32, #tpu.memory_space<hbm>>
      %dma_wait3A_121 = arith.constant 0 : i32
      %dma_wait3A_122 = tpu.memref_slice %arg4[%dma_wait3A_121] : memref<10240xf32, #tpu.memory_space<vmem>> -> memref<640xf32, #tpu.memory_space<vmem>>
      tpu.wait_dma2 semaphore(%run_scoped3A_112 : memref<!tpu.dma_semaphore, #tpu.memory_space<semaphore_mem>>) src(%dma_wait3A_122 : memref<640xf32, #tpu.memory_space<vmem>>) dst(%dma_wait3A_120 : memref<640xf32, #tpu.memory_space<hbm>>)
      tpu.yield
    }) : () -> ()
    return
  }
}

#map = affine_map<(d0, d1) -> (0, 0)>
#map1 = affine_map<(d0, d1) -> (0, 0, 0, 0)>
#map2 = affine_map<(d0, d1) -> (0, 0, 0)>
module attributes {stable_mosaic.version = 14 : i64} {
  func.func @_scc_body(%arg0: i32, %arg1: i32, %arg2: memref<10000x128xf32, #tpu.memory_space<hbm>>, %arg3: memref<2x16x8x128xi32, #tpu.memory_space<hbm>>, %arg4: memref<2x16384x128xf32, #tpu.memory_space<hbm>>, %arg5: memref<8x128xi32, #tpu.memory_space<vmem>>, %arg6: memref<128x128xf32, #tpu.memory_space<vmem>>, %arg7: memref<!tpu.dma_semaphore, #tpu.memory_space<semaphore_mem>>) attributes {dimension_semantics = [#tpu.dimension_semantics<core_parallel>, #tpu.dimension_semantics<subcore_parallel>], iteration_bounds = array<i64: 2, 16>, scalar_prefetch = 0 : i64, scratch_operands = 3 : i64, tpu.core_type = #tpu.core_type<sc_vector_subcore>, window_params = [{transform_indices = #map}, {transform_indices = #map1}, {transform_indices = #map2}]} {
    "tpu.region"() ({
      %run_scoped3A = tpu.sem_alloc : memref<!tpu.dma_semaphore, #tpu.memory_space<semaphore_mem>>
      %dma_start3A_140 = arith.constant 0 : i32
      %dma_start3A_141 = arith.constant 0 : i32
      %dma_start3A_142 = tpu.memref_slice %arg3[%arg0, %arg1, %dma_start3A_140, %dma_start3A_141] : memref<2x16x8x128xi32, #tpu.memory_space<hbm>> -> memref<1x1x8x128xi32, #tpu.memory_space<hbm>>
      %dma_start3A_143 = tpu.memref_squeeze %dma_start3A_142 : memref<1x1x8x128xi32, #tpu.memory_space<hbm>> -> memref<8x128xi32, #tpu.memory_space<hbm>>
      %dma_start3A_144 = arith.constant 0 : i32
      %dma_start3A_145 = arith.constant 0 : i32
      %dma_start3A_146 = tpu.memref_slice %arg3[%arg0, %arg1, %dma_start3A_144, %dma_start3A_145] : memref<2x16x8x128xi32, #tpu.memory_space<hbm>> -> memref<1x1x8x128xi32, #tpu.memory_space<hbm>>
      %dma_start3A_147 = tpu.memref_squeeze %dma_start3A_146 : memref<1x1x8x128xi32, #tpu.memory_space<hbm>> -> memref<8x128xi32, #tpu.memory_space<hbm>>
      tpu.enqueue_dma source(%dma_start3A_147 : memref<8x128xi32, #tpu.memory_space<hbm>>) target(%arg5 : memref<8x128xi32, #tpu.memory_space<vmem>>) target_semaphore(%run_scoped3A : memref<!tpu.dma_semaphore, #tpu.memory_space<semaphore_mem>>)
      %dma_wait3A_148 = arith.constant 0 : i32
      %dma_wait3A_149 = arith.constant 0 : i32
      %dma_wait3A_150 = tpu.memref_slice %arg3[%arg0, %arg1, %dma_wait3A_148, %dma_wait3A_149] : memref<2x16x8x128xi32, #tpu.memory_space<hbm>> -> memref<1x1x8x128xi32, #tpu.memory_space<hbm>>
      %dma_wait3A_151 = tpu.memref_squeeze %dma_wait3A_150 : memref<1x1x8x128xi32, #tpu.memory_space<hbm>> -> memref<8x128xi32, #tpu.memory_space<hbm>>
      %dma_wait3A_152 = arith.constant 0 : i32
      %dma_wait3A_153 = arith.constant 0 : i32
      %dma_wait3A_154 = tpu.memref_slice %arg3[%arg0, %arg1, %dma_wait3A_152, %dma_wait3A_153] : memref<2x16x8x128xi32, #tpu.memory_space<hbm>> -> memref<1x1x8x128xi32, #tpu.memory_space<hbm>>
      %dma_wait3A_155 = tpu.memref_squeeze %dma_wait3A_154 : memref<1x1x8x128xi32, #tpu.memory_space<hbm>> -> memref<8x128xi32, #tpu.memory_space<hbm>>
      tpu.wait_dma2 semaphore(%run_scoped3A : memref<!tpu.dma_semaphore, #tpu.memory_space<semaphore_mem>>) src(%dma_wait3A_155 : memref<8x128xi32, #tpu.memory_space<hbm>>) dst(%arg5 : memref<8x128xi32, #tpu.memory_space<vmem>>)
      tpu.yield
    }) : () -> ()
    %dma_start3A = arith.constant 0 : i32
    %dma_start3A_0 = arith.constant 0 : i32
    %dma_start3A_1 = tpu.memref_slice %arg5[%dma_start3A, %dma_start3A_0] : memref<8x128xi32, #tpu.memory_space<vmem>> -> memref<1x128xi32, #tpu.memory_space<vmem>>
    %dma_start3A_2 = tpu.memref_squeeze %dma_start3A_1 : memref<1x128xi32, #tpu.memory_space<vmem>> -> memref<128xi32, #tpu.memory_space<vmem>>
    %dma_start3A_3 = arith.constant 0 : i32
    %dma_start3A_4 = arith.constant 0 : i32
    %dma_start3A_5 = tpu.memref_slice %arg2[%dma_start3A_3, %dma_start3A_4] : memref<10000x128xf32, #tpu.memory_space<hbm>> -> memref<10000x128xf32, #tpu.memory_space<hbm>>
    tpu.enqueue_indirect_dma source(%dma_start3A_5 : memref<10000x128xf32, #tpu.memory_space<hbm>>) target(%arg6 : memref<128x128xf32, #tpu.memory_space<vmem>>) offsets(%dma_start3A_2 : memref<128xi32, #tpu.memory_space<vmem>>) semaphore(%arg7 : memref<!tpu.dma_semaphore, #tpu.memory_space<semaphore_mem>>)
    %dma_wait3A = arith.constant 0 : i32
    %dma_wait3A_6 = arith.constant 0 : i32
    %dma_wait3A_7 = tpu.memref_slice %arg5[%dma_wait3A, %dma_wait3A_6] : memref<8x128xi32, #tpu.memory_space<vmem>> -> memref<1x128xi32, #tpu.memory_space<vmem>>
    %dma_wait3A_8 = tpu.memref_squeeze %dma_wait3A_7 : memref<1x128xi32, #tpu.memory_space<vmem>> -> memref<128xi32, #tpu.memory_space<vmem>>
    %dma_wait3A_9 = arith.constant 0 : i32
    %dma_wait3A_10 = arith.constant 0 : i32
    %dma_wait3A_11 = tpu.memref_slice %arg2[%dma_wait3A_9, %dma_wait3A_10] : memref<10000x128xf32, #tpu.memory_space<hbm>> -> memref<10000x128xf32, #tpu.memory_space<hbm>>
    tpu.wait_indirect_dma semaphore(%arg7 : memref<!tpu.dma_semaphore, #tpu.memory_space<semaphore_mem>>) src(%dma_wait3A_11 : memref<10000x128xf32, #tpu.memory_space<hbm>>) dst(%arg6 : memref<128x128xf32, #tpu.memory_space<vmem>>)
    %mul3A = arith.constant 1024 : i32
    %mul3A_12 = arith.muli %arg1, %mul3A : i32
    %add3A = arith.constant 0 : i32
    %add3A_13 = arith.addi %mul3A_12, %add3A : i32
    "tpu.region"() ({
      %run_scoped3A = tpu.sem_alloc : memref<!tpu.dma_semaphore, #tpu.memory_space<semaphore_mem>>
      %dma_start3A_140 = arith.constant 0 : i32
      %dma_start3A_141 = tpu.memref_slice %arg4[%arg0, %add3A_13, %dma_start3A_140] : memref<2x16384x128xf32, #tpu.memory_space<hbm>> -> memref<1x128x128xf32, #tpu.memory_space<hbm>>
      %dma_start3A_142 = tpu.memref_squeeze %dma_start3A_141 : memref<1x128x128xf32, #tpu.memory_space<hbm>> -> memref<128x128xf32, #tpu.memory_space<hbm>>
      %dma_start3A_143 = arith.constant 0 : i32
      %dma_start3A_144 = tpu.memref_slice %arg4[%arg0, %add3A_13, %dma_start3A_143] : memref<2x16384x128xf32, #tpu.memory_space<hbm>> -> memref<1x128x128xf32, #tpu.memory_space<hbm>>
      %dma_start3A_145 = tpu.memref_squeeze %dma_start3A_144 : memref<1x128x128xf32, #tpu.memory_space<hbm>> -> memref<128x128xf32, #tpu.memory_space<hbm>>
      tpu.enqueue_dma source(%arg6 : memref<128x128xf32, #tpu.memory_space<vmem>>) target(%dma_start3A_145 : memref<128x128xf32, #tpu.memory_space<hbm>>) target_semaphore(%run_scoped3A : memref<!tpu.dma_semaphore, #tpu.memory_space<semaphore_mem>>)
      %dma_wait3A_146 = arith.constant 0 : i32
      %dma_wait3A_147 = tpu.memref_slice %arg4[%arg0, %add3A_13, %dma_wait3A_146] : memref<2x16384x128xf32, #tpu.memory_space<hbm>> -> memref<1x128x128xf32, #tpu.memory_space<hbm>>
      %dma_wait3A_148 = tpu.memref_squeeze %dma_wait3A_147 : memref<1x128x128xf32, #tpu.memory_space<hbm>> -> memref<128x128xf32, #tpu.memory_space<hbm>>
      %dma_wait3A_149 = arith.constant 0 : i32
      %dma_wait3A_150 = tpu.memref_slice %arg4[%arg0, %add3A_13, %dma_wait3A_149] : memref<2x16384x128xf32, #tpu.memory_space<hbm>> -> memref<1x128x128xf32, #tpu.memory_space<hbm>>
      %dma_wait3A_151 = tpu.memref_squeeze %dma_wait3A_150 : memref<1x128x128xf32, #tpu.memory_space<hbm>> -> memref<128x128xf32, #tpu.memory_space<hbm>>
      tpu.wait_dma2 semaphore(%run_scoped3A : memref<!tpu.dma_semaphore, #tpu.memory_space<semaphore_mem>>) src(%arg6 : memref<128x128xf32, #tpu.memory_space<vmem>>) dst(%dma_wait3A_151 : memref<128x128xf32, #tpu.memory_space<hbm>>)
      tpu.yield
    }) : () -> ()
    %dma_start3A_14 = arith.constant 1 : i32
    %dma_start3A_15 = arith.constant 0 : i32
    %dma_start3A_16 = tpu.memref_slice %arg5[%dma_start3A_14, %dma_start3A_15] : memref<8x128xi32, #tpu.memory_space<vmem>> -> memref<1x128xi32, #tpu.memory_space<vmem>>
    %dma_start3A_17 = tpu.memref_squeeze %dma_start3A_16 : memref<1x128xi32, #tpu.memory_space<vmem>> -> memref<128xi32, #tpu.memory_space<vmem>>
    %dma_start3A_18 = arith.constant 0 : i32
    %dma_start3A_19 = arith.constant 0 : i32
    %dma_start3A_20 = tpu.memref_slice %arg2[%dma_start3A_18, %dma_start3A_19] : memref<10000x128xf32, #tpu.memory_space<hbm>> -> memref<10000x128xf32, #tpu.memory_space<hbm>>
    tpu.enqueue_indirect_dma source(%dma_start3A_20 : memref<10000x128xf32, #tpu.memory_space<hbm>>) target(%arg6 : memref<128x128xf32, #tpu.memory_space<vmem>>) offsets(%dma_start3A_17 : memref<128xi32, #tpu.memory_space<vmem>>) semaphore(%arg7 : memref<!tpu.dma_semaphore, #tpu.memory_space<semaphore_mem>>)
    %dma_wait3A_21 = arith.constant 1 : i32
    %dma_wait3A_22 = arith.constant 0 : i32
    %dma_wait3A_23 = tpu.memref_slice %arg5[%dma_wait3A_21, %dma_wait3A_22] : memref<8x128xi32, #tpu.memory_space<vmem>> -> memref<1x128xi32, #tpu.memory_space<vmem>>
    %dma_wait3A_24 = tpu.memref_squeeze %dma_wait3A_23 : memref<1x128xi32, #tpu.memory_space<vmem>> -> memref<128xi32, #tpu.memory_space<vmem>>
    %dma_wait3A_25 = arith.constant 0 : i32
    %dma_wait3A_26 = arith.constant 0 : i32
    %dma_wait3A_27 = tpu.memref_slice %arg2[%dma_wait3A_25, %dma_wait3A_26] : memref<10000x128xf32, #tpu.memory_space<hbm>> -> memref<10000x128xf32, #tpu.memory_space<hbm>>
    tpu.wait_indirect_dma semaphore(%arg7 : memref<!tpu.dma_semaphore, #tpu.memory_space<semaphore_mem>>) src(%dma_wait3A_27 : memref<10000x128xf32, #tpu.memory_space<hbm>>) dst(%arg6 : memref<128x128xf32, #tpu.memory_space<vmem>>)
    %mul3A_28 = arith.constant 1024 : i32
    %mul3A_29 = arith.muli %arg1, %mul3A_28 : i32
    %add3A_30 = arith.constant 128 : i32
    %add3A_31 = arith.addi %mul3A_29, %add3A_30 : i32
    "tpu.region"() ({
      %run_scoped3A = tpu.sem_alloc : memref<!tpu.dma_semaphore, #tpu.memory_space<semaphore_mem>>
      %dma_start3A_140 = arith.constant 0 : i32
      %dma_start3A_141 = tpu.memref_slice %arg4[%arg0, %add3A_31, %dma_start3A_140] : memref<2x16384x128xf32, #tpu.memory_space<hbm>> -> memref<1x128x128xf32, #tpu.memory_space<hbm>>
      %dma_start3A_142 = tpu.memref_squeeze %dma_start3A_141 : memref<1x128x128xf32, #tpu.memory_space<hbm>> -> memref<128x128xf32, #tpu.memory_space<hbm>>
      %dma_start3A_143 = arith.constant 0 : i32
      %dma_start3A_144 = tpu.memref_slice %arg4[%arg0, %add3A_31, %dma_start3A_143] : memref<2x16384x128xf32, #tpu.memory_space<hbm>> -> memref<1x128x128xf32, #tpu.memory_space<hbm>>
      %dma_start3A_145 = tpu.memref_squeeze %dma_start3A_144 : memref<1x128x128xf32, #tpu.memory_space<hbm>> -> memref<128x128xf32, #tpu.memory_space<hbm>>
      tpu.enqueue_dma source(%arg6 : memref<128x128xf32, #tpu.memory_space<vmem>>) target(%dma_start3A_145 : memref<128x128xf32, #tpu.memory_space<hbm>>) target_semaphore(%run_scoped3A : memref<!tpu.dma_semaphore, #tpu.memory_space<semaphore_mem>>)
      %dma_wait3A_146 = arith.constant 0 : i32
      %dma_wait3A_147 = tpu.memref_slice %arg4[%arg0, %add3A_31, %dma_wait3A_146] : memref<2x16384x128xf32, #tpu.memory_space<hbm>> -> memref<1x128x128xf32, #tpu.memory_space<hbm>>
      %dma_wait3A_148 = tpu.memref_squeeze %dma_wait3A_147 : memref<1x128x128xf32, #tpu.memory_space<hbm>> -> memref<128x128xf32, #tpu.memory_space<hbm>>
      %dma_wait3A_149 = arith.constant 0 : i32
      %dma_wait3A_150 = tpu.memref_slice %arg4[%arg0, %add3A_31, %dma_wait3A_149] : memref<2x16384x128xf32, #tpu.memory_space<hbm>> -> memref<1x128x128xf32, #tpu.memory_space<hbm>>
      %dma_wait3A_151 = tpu.memref_squeeze %dma_wait3A_150 : memref<1x128x128xf32, #tpu.memory_space<hbm>> -> memref<128x128xf32, #tpu.memory_space<hbm>>
      tpu.wait_dma2 semaphore(%run_scoped3A : memref<!tpu.dma_semaphore, #tpu.memory_space<semaphore_mem>>) src(%arg6 : memref<128x128xf32, #tpu.memory_space<vmem>>) dst(%dma_wait3A_151 : memref<128x128xf32, #tpu.memory_space<hbm>>)
      tpu.yield
    }) : () -> ()
    %dma_start3A_32 = arith.constant 2 : i32
    %dma_start3A_33 = arith.constant 0 : i32
    %dma_start3A_34 = tpu.memref_slice %arg5[%dma_start3A_32, %dma_start3A_33] : memref<8x128xi32, #tpu.memory_space<vmem>> -> memref<1x128xi32, #tpu.memory_space<vmem>>
    %dma_start3A_35 = tpu.memref_squeeze %dma_start3A_34 : memref<1x128xi32, #tpu.memory_space<vmem>> -> memref<128xi32, #tpu.memory_space<vmem>>
    %dma_start3A_36 = arith.constant 0 : i32
    %dma_start3A_37 = arith.constant 0 : i32
    %dma_start3A_38 = tpu.memref_slice %arg2[%dma_start3A_36, %dma_start3A_37] : memref<10000x128xf32, #tpu.memory_space<hbm>> -> memref<10000x128xf32, #tpu.memory_space<hbm>>
    tpu.enqueue_indirect_dma source(%dma_start3A_38 : memref<10000x128xf32, #tpu.memory_space<hbm>>) target(%arg6 : memref<128x128xf32, #tpu.memory_space<vmem>>) offsets(%dma_start3A_35 : memref<128xi32, #tpu.memory_space<vmem>>) semaphore(%arg7 : memref<!tpu.dma_semaphore, #tpu.memory_space<semaphore_mem>>)
    %dma_wait3A_39 = arith.constant 2 : i32
    %dma_wait3A_40 = arith.constant 0 : i32
    %dma_wait3A_41 = tpu.memref_slice %arg5[%dma_wait3A_39, %dma_wait3A_40] : memref<8x128xi32, #tpu.memory_space<vmem>> -> memref<1x128xi32, #tpu.memory_space<vmem>>
    %dma_wait3A_42 = tpu.memref_squeeze %dma_wait3A_41 : memref<1x128xi32, #tpu.memory_space<vmem>> -> memref<128xi32, #tpu.memory_space<vmem>>
    %dma_wait3A_43 = arith.constant 0 : i32
    %dma_wait3A_44 = arith.constant 0 : i32
    %dma_wait3A_45 = tpu.memref_slice %arg2[%dma_wait3A_43, %dma_wait3A_44] : memref<10000x128xf32, #tpu.memory_space<hbm>> -> memref<10000x128xf32, #tpu.memory_space<hbm>>
    tpu.wait_indirect_dma semaphore(%arg7 : memref<!tpu.dma_semaphore, #tpu.memory_space<semaphore_mem>>) src(%dma_wait3A_45 : memref<10000x128xf32, #tpu.memory_space<hbm>>) dst(%arg6 : memref<128x128xf32, #tpu.memory_space<vmem>>)
    %mul3A_46 = arith.constant 1024 : i32
    %mul3A_47 = arith.muli %arg1, %mul3A_46 : i32
    %add3A_48 = arith.constant 256 : i32
    %add3A_49 = arith.addi %mul3A_47, %add3A_48 : i32
    "tpu.region"() ({
      %run_scoped3A = tpu.sem_alloc : memref<!tpu.dma_semaphore, #tpu.memory_space<semaphore_mem>>
      %dma_start3A_140 = arith.constant 0 : i32
      %dma_start3A_141 = tpu.memref_slice %arg4[%arg0, %add3A_49, %dma_start3A_140] : memref<2x16384x128xf32, #tpu.memory_space<hbm>> -> memref<1x128x128xf32, #tpu.memory_space<hbm>>
      %dma_start3A_142 = tpu.memref_squeeze %dma_start3A_141 : memref<1x128x128xf32, #tpu.memory_space<hbm>> -> memref<128x128xf32, #tpu.memory_space<hbm>>
      %dma_start3A_143 = arith.constant 0 : i32
      %dma_start3A_144 = tpu.memref_slice %arg4[%arg0, %add3A_49, %dma_start3A_143] : memref<2x16384x128xf32, #tpu.memory_space<hbm>> -> memref<1x128x128xf32, #tpu.memory_space<hbm>>
      %dma_start3A_145 = tpu.memref_squeeze %dma_start3A_144 : memref<1x128x128xf32, #tpu.memory_space<hbm>> -> memref<128x128xf32, #tpu.memory_space<hbm>>
      tpu.enqueue_dma source(%arg6 : memref<128x128xf32, #tpu.memory_space<vmem>>) target(%dma_start3A_145 : memref<128x128xf32, #tpu.memory_space<hbm>>) target_semaphore(%run_scoped3A : memref<!tpu.dma_semaphore, #tpu.memory_space<semaphore_mem>>)
      %dma_wait3A_146 = arith.constant 0 : i32
      %dma_wait3A_147 = tpu.memref_slice %arg4[%arg0, %add3A_49, %dma_wait3A_146] : memref<2x16384x128xf32, #tpu.memory_space<hbm>> -> memref<1x128x128xf32, #tpu.memory_space<hbm>>
      %dma_wait3A_148 = tpu.memref_squeeze %dma_wait3A_147 : memref<1x128x128xf32, #tpu.memory_space<hbm>> -> memref<128x128xf32, #tpu.memory_space<hbm>>
      %dma_wait3A_149 = arith.constant 0 : i32
      %dma_wait3A_150 = tpu.memref_slice %arg4[%arg0, %add3A_49, %dma_wait3A_149] : memref<2x16384x128xf32, #tpu.memory_space<hbm>> -> memref<1x128x128xf32, #tpu.memory_space<hbm>>
      %dma_wait3A_151 = tpu.memref_squeeze %dma_wait3A_150 : memref<1x128x128xf32, #tpu.memory_space<hbm>> -> memref<128x128xf32, #tpu.memory_space<hbm>>
      tpu.wait_dma2 semaphore(%run_scoped3A : memref<!tpu.dma_semaphore, #tpu.memory_space<semaphore_mem>>) src(%arg6 : memref<128x128xf32, #tpu.memory_space<vmem>>) dst(%dma_wait3A_151 : memref<128x128xf32, #tpu.memory_space<hbm>>)
      tpu.yield
    }) : () -> ()
    %dma_start3A_50 = arith.constant 3 : i32
    %dma_start3A_51 = arith.constant 0 : i32
    %dma_start3A_52 = tpu.memref_slice %arg5[%dma_start3A_50, %dma_start3A_51] : memref<8x128xi32, #tpu.memory_space<vmem>> -> memref<1x128xi32, #tpu.memory_space<vmem>>
    %dma_start3A_53 = tpu.memref_squeeze %dma_start3A_52 : memref<1x128xi32, #tpu.memory_space<vmem>> -> memref<128xi32, #tpu.memory_space<vmem>>
    %dma_start3A_54 = arith.constant 0 : i32
    %dma_start3A_55 = arith.constant 0 : i32
    %dma_start3A_56 = tpu.memref_slice %arg2[%dma_start3A_54, %dma_start3A_55] : memref<10000x128xf32, #tpu.memory_space<hbm>> -> memref<10000x128xf32, #tpu.memory_space<hbm>>
    tpu.enqueue_indirect_dma source(%dma_start3A_56 : memref<10000x128xf32, #tpu.memory_space<hbm>>) target(%arg6 : memref<128x128xf32, #tpu.memory_space<vmem>>) offsets(%dma_start3A_53 : memref<128xi32, #tpu.memory_space<vmem>>) semaphore(%arg7 : memref<!tpu.dma_semaphore, #tpu.memory_space<semaphore_mem>>)
    %dma_wait3A_57 = arith.constant 3 : i32
    %dma_wait3A_58 = arith.constant 0 : i32
    %dma_wait3A_59 = tpu.memref_slice %arg5[%dma_wait3A_57, %dma_wait3A_58] : memref<8x128xi32, #tpu.memory_space<vmem>> -> memref<1x128xi32, #tpu.memory_space<vmem>>
    %dma_wait3A_60 = tpu.memref_squeeze %dma_wait3A_59 : memref<1x128xi32, #tpu.memory_space<vmem>> -> memref<128xi32, #tpu.memory_space<vmem>>
    %dma_wait3A_61 = arith.constant 0 : i32
    %dma_wait3A_62 = arith.constant 0 : i32
    %dma_wait3A_63 = tpu.memref_slice %arg2[%dma_wait3A_61, %dma_wait3A_62] : memref<10000x128xf32, #tpu.memory_space<hbm>> -> memref<10000x128xf32, #tpu.memory_space<hbm>>
    tpu.wait_indirect_dma semaphore(%arg7 : memref<!tpu.dma_semaphore, #tpu.memory_space<semaphore_mem>>) src(%dma_wait3A_63 : memref<10000x128xf32, #tpu.memory_space<hbm>>) dst(%arg6 : memref<128x128xf32, #tpu.memory_space<vmem>>)
    %mul3A_64 = arith.constant 1024 : i32
    %mul3A_65 = arith.muli %arg1, %mul3A_64 : i32
    %add3A_66 = arith.constant 384 : i32
    %add3A_67 = arith.addi %mul3A_65, %add3A_66 : i32
    "tpu.region"() ({
      %run_scoped3A = tpu.sem_alloc : memref<!tpu.dma_semaphore, #tpu.memory_space<semaphore_mem>>
      %dma_start3A_140 = arith.constant 0 : i32
      %dma_start3A_141 = tpu.memref_slice %arg4[%arg0, %add3A_67, %dma_start3A_140] : memref<2x16384x128xf32, #tpu.memory_space<hbm>> -> memref<1x128x128xf32, #tpu.memory_space<hbm>>
      %dma_start3A_142 = tpu.memref_squeeze %dma_start3A_141 : memref<1x128x128xf32, #tpu.memory_space<hbm>> -> memref<128x128xf32, #tpu.memory_space<hbm>>
      %dma_start3A_143 = arith.constant 0 : i32
      %dma_start3A_144 = tpu.memref_slice %arg4[%arg0, %add3A_67, %dma_start3A_143] : memref<2x16384x128xf32, #tpu.memory_space<hbm>> -> memref<1x128x128xf32, #tpu.memory_space<hbm>>
      %dma_start3A_145 = tpu.memref_squeeze %dma_start3A_144 : memref<1x128x128xf32, #tpu.memory_space<hbm>> -> memref<128x128xf32, #tpu.memory_space<hbm>>
      tpu.enqueue_dma source(%arg6 : memref<128x128xf32, #tpu.memory_space<vmem>>) target(%dma_start3A_145 : memref<128x128xf32, #tpu.memory_space<hbm>>) target_semaphore(%run_scoped3A : memref<!tpu.dma_semaphore, #tpu.memory_space<semaphore_mem>>)
      %dma_wait3A_146 = arith.constant 0 : i32
      %dma_wait3A_147 = tpu.memref_slice %arg4[%arg0, %add3A_67, %dma_wait3A_146] : memref<2x16384x128xf32, #tpu.memory_space<hbm>> -> memref<1x128x128xf32, #tpu.memory_space<hbm>>
      %dma_wait3A_148 = tpu.memref_squeeze %dma_wait3A_147 : memref<1x128x128xf32, #tpu.memory_space<hbm>> -> memref<128x128xf32, #tpu.memory_space<hbm>>
      %dma_wait3A_149 = arith.constant 0 : i32
      %dma_wait3A_150 = tpu.memref_slice %arg4[%arg0, %add3A_67, %dma_wait3A_149] : memref<2x16384x128xf32, #tpu.memory_space<hbm>> -> memref<1x128x128xf32, #tpu.memory_space<hbm>>
      %dma_wait3A_151 = tpu.memref_squeeze %dma_wait3A_150 : memref<1x128x128xf32, #tpu.memory_space<hbm>> -> memref<128x128xf32, #tpu.memory_space<hbm>>
      tpu.wait_dma2 semaphore(%run_scoped3A : memref<!tpu.dma_semaphore, #tpu.memory_space<semaphore_mem>>) src(%arg6 : memref<128x128xf32, #tpu.memory_space<vmem>>) dst(%dma_wait3A_151 : memref<128x128xf32, #tpu.memory_space<hbm>>)
      tpu.yield
    }) : () -> ()
    %dma_start3A_68 = arith.constant 4 : i32
    %dma_start3A_69 = arith.constant 0 : i32
    %dma_start3A_70 = tpu.memref_slice %arg5[%dma_start3A_68, %dma_start3A_69] : memref<8x128xi32, #tpu.memory_space<vmem>> -> memref<1x128xi32, #tpu.memory_space<vmem>>
    %dma_start3A_71 = tpu.memref_squeeze %dma_start3A_70 : memref<1x128xi32, #tpu.memory_space<vmem>> -> memref<128xi32, #tpu.memory_space<vmem>>
    %dma_start3A_72 = arith.constant 0 : i32
    %dma_start3A_73 = arith.constant 0 : i32
    %dma_start3A_74 = tpu.memref_slice %arg2[%dma_start3A_72, %dma_start3A_73] : memref<10000x128xf32, #tpu.memory_space<hbm>> -> memref<10000x128xf32, #tpu.memory_space<hbm>>
    tpu.enqueue_indirect_dma source(%dma_start3A_74 : memref<10000x128xf32, #tpu.memory_space<hbm>>) target(%arg6 : memref<128x128xf32, #tpu.memory_space<vmem>>) offsets(%dma_start3A_71 : memref<128xi32, #tpu.memory_space<vmem>>) semaphore(%arg7 : memref<!tpu.dma_semaphore, #tpu.memory_space<semaphore_mem>>)
    %dma_wait3A_75 = arith.constant 4 : i32
    %dma_wait3A_76 = arith.constant 0 : i32
    %dma_wait3A_77 = tpu.memref_slice %arg5[%dma_wait3A_75, %dma_wait3A_76] : memref<8x128xi32, #tpu.memory_space<vmem>> -> memref<1x128xi32, #tpu.memory_space<vmem>>
    %dma_wait3A_78 = tpu.memref_squeeze %dma_wait3A_77 : memref<1x128xi32, #tpu.memory_space<vmem>> -> memref<128xi32, #tpu.memory_space<vmem>>
    %dma_wait3A_79 = arith.constant 0 : i32
    %dma_wait3A_80 = arith.constant 0 : i32
    %dma_wait3A_81 = tpu.memref_slice %arg2[%dma_wait3A_79, %dma_wait3A_80] : memref<10000x128xf32, #tpu.memory_space<hbm>> -> memref<10000x128xf32, #tpu.memory_space<hbm>>
    tpu.wait_indirect_dma semaphore(%arg7 : memref<!tpu.dma_semaphore, #tpu.memory_space<semaphore_mem>>) src(%dma_wait3A_81 : memref<10000x128xf32, #tpu.memory_space<hbm>>) dst(%arg6 : memref<128x128xf32, #tpu.memory_space<vmem>>)
    %mul3A_82 = arith.constant 1024 : i32
    %mul3A_83 = arith.muli %arg1, %mul3A_82 : i32
    %add3A_84 = arith.constant 512 : i32
    %add3A_85 = arith.addi %mul3A_83, %add3A_84 : i32
    "tpu.region"() ({
      %run_scoped3A = tpu.sem_alloc : memref<!tpu.dma_semaphore, #tpu.memory_space<semaphore_mem>>
      %dma_start3A_140 = arith.constant 0 : i32
      %dma_start3A_141 = tpu.memref_slice %arg4[%arg0, %add3A_85, %dma_start3A_140] : memref<2x16384x128xf32, #tpu.memory_space<hbm>> -> memref<1x128x128xf32, #tpu.memory_space<hbm>>
      %dma_start3A_142 = tpu.memref_squeeze %dma_start3A_141 : memref<1x128x128xf32, #tpu.memory_space<hbm>> -> memref<128x128xf32, #tpu.memory_space<hbm>>
      %dma_start3A_143 = arith.constant 0 : i32
      %dma_start3A_144 = tpu.memref_slice %arg4[%arg0, %add3A_85, %dma_start3A_143] : memref<2x16384x128xf32, #tpu.memory_space<hbm>> -> memref<1x128x128xf32, #tpu.memory_space<hbm>>
      %dma_start3A_145 = tpu.memref_squeeze %dma_start3A_144 : memref<1x128x128xf32, #tpu.memory_space<hbm>> -> memref<128x128xf32, #tpu.memory_space<hbm>>
      tpu.enqueue_dma source(%arg6 : memref<128x128xf32, #tpu.memory_space<vmem>>) target(%dma_start3A_145 : memref<128x128xf32, #tpu.memory_space<hbm>>) target_semaphore(%run_scoped3A : memref<!tpu.dma_semaphore, #tpu.memory_space<semaphore_mem>>)
      %dma_wait3A_146 = arith.constant 0 : i32
      %dma_wait3A_147 = tpu.memref_slice %arg4[%arg0, %add3A_85, %dma_wait3A_146] : memref<2x16384x128xf32, #tpu.memory_space<hbm>> -> memref<1x128x128xf32, #tpu.memory_space<hbm>>
      %dma_wait3A_148 = tpu.memref_squeeze %dma_wait3A_147 : memref<1x128x128xf32, #tpu.memory_space<hbm>> -> memref<128x128xf32, #tpu.memory_space<hbm>>
      %dma_wait3A_149 = arith.constant 0 : i32
      %dma_wait3A_150 = tpu.memref_slice %arg4[%arg0, %add3A_85, %dma_wait3A_149] : memref<2x16384x128xf32, #tpu.memory_space<hbm>> -> memref<1x128x128xf32, #tpu.memory_space<hbm>>
      %dma_wait3A_151 = tpu.memref_squeeze %dma_wait3A_150 : memref<1x128x128xf32, #tpu.memory_space<hbm>> -> memref<128x128xf32, #tpu.memory_space<hbm>>
      tpu.wait_dma2 semaphore(%run_scoped3A : memref<!tpu.dma_semaphore, #tpu.memory_space<semaphore_mem>>) src(%arg6 : memref<128x128xf32, #tpu.memory_space<vmem>>) dst(%dma_wait3A_151 : memref<128x128xf32, #tpu.memory_space<hbm>>)
      tpu.yield
    }) : () -> ()
    %dma_start3A_86 = arith.constant 5 : i32
    %dma_start3A_87 = arith.constant 0 : i32
    %dma_start3A_88 = tpu.memref_slice %arg5[%dma_start3A_86, %dma_start3A_87] : memref<8x128xi32, #tpu.memory_space<vmem>> -> memref<1x128xi32, #tpu.memory_space<vmem>>
    %dma_start3A_89 = tpu.memref_squeeze %dma_start3A_88 : memref<1x128xi32, #tpu.memory_space<vmem>> -> memref<128xi32, #tpu.memory_space<vmem>>
    %dma_start3A_90 = arith.constant 0 : i32
    %dma_start3A_91 = arith.constant 0 : i32
    %dma_start3A_92 = tpu.memref_slice %arg2[%dma_start3A_90, %dma_start3A_91] : memref<10000x128xf32, #tpu.memory_space<hbm>> -> memref<10000x128xf32, #tpu.memory_space<hbm>>
    tpu.enqueue_indirect_dma source(%dma_start3A_92 : memref<10000x128xf32, #tpu.memory_space<hbm>>) target(%arg6 : memref<128x128xf32, #tpu.memory_space<vmem>>) offsets(%dma_start3A_89 : memref<128xi32, #tpu.memory_space<vmem>>) semaphore(%arg7 : memref<!tpu.dma_semaphore, #tpu.memory_space<semaphore_mem>>)
    %dma_wait3A_93 = arith.constant 5 : i32
    %dma_wait3A_94 = arith.constant 0 : i32
    %dma_wait3A_95 = tpu.memref_slice %arg5[%dma_wait3A_93, %dma_wait3A_94] : memref<8x128xi32, #tpu.memory_space<vmem>> -> memref<1x128xi32, #tpu.memory_space<vmem>>
    %dma_wait3A_96 = tpu.memref_squeeze %dma_wait3A_95 : memref<1x128xi32, #tpu.memory_space<vmem>> -> memref<128xi32, #tpu.memory_space<vmem>>
    %dma_wait3A_97 = arith.constant 0 : i32
    %dma_wait3A_98 = arith.constant 0 : i32
    %dma_wait3A_99 = tpu.memref_slice %arg2[%dma_wait3A_97, %dma_wait3A_98] : memref<10000x128xf32, #tpu.memory_space<hbm>> -> memref<10000x128xf32, #tpu.memory_space<hbm>>
    tpu.wait_indirect_dma semaphore(%arg7 : memref<!tpu.dma_semaphore, #tpu.memory_space<semaphore_mem>>) src(%dma_wait3A_99 : memref<10000x128xf32, #tpu.memory_space<hbm>>) dst(%arg6 : memref<128x128xf32, #tpu.memory_space<vmem>>)
    %mul3A_100 = arith.constant 1024 : i32
    %mul3A_101 = arith.muli %arg1, %mul3A_100 : i32
    %add3A_102 = arith.constant 640 : i32
    %add3A_103 = arith.addi %mul3A_101, %add3A_102 : i32
    "tpu.region"() ({
      %run_scoped3A = tpu.sem_alloc : memref<!tpu.dma_semaphore, #tpu.memory_space<semaphore_mem>>
      %dma_start3A_140 = arith.constant 0 : i32
      %dma_start3A_141 = tpu.memref_slice %arg4[%arg0, %add3A_103, %dma_start3A_140] : memref<2x16384x128xf32, #tpu.memory_space<hbm>> -> memref<1x128x128xf32, #tpu.memory_space<hbm>>
      %dma_start3A_142 = tpu.memref_squeeze %dma_start3A_141 : memref<1x128x128xf32, #tpu.memory_space<hbm>> -> memref<128x128xf32, #tpu.memory_space<hbm>>
      %dma_start3A_143 = arith.constant 0 : i32
      %dma_start3A_144 = tpu.memref_slice %arg4[%arg0, %add3A_103, %dma_start3A_143] : memref<2x16384x128xf32, #tpu.memory_space<hbm>> -> memref<1x128x128xf32, #tpu.memory_space<hbm>>
      %dma_start3A_145 = tpu.memref_squeeze %dma_start3A_144 : memref<1x128x128xf32, #tpu.memory_space<hbm>> -> memref<128x128xf32, #tpu.memory_space<hbm>>
      tpu.enqueue_dma source(%arg6 : memref<128x128xf32, #tpu.memory_space<vmem>>) target(%dma_start3A_145 : memref<128x128xf32, #tpu.memory_space<hbm>>) target_semaphore(%run_scoped3A : memref<!tpu.dma_semaphore, #tpu.memory_space<semaphore_mem>>)
      %dma_wait3A_146 = arith.constant 0 : i32
      %dma_wait3A_147 = tpu.memref_slice %arg4[%arg0, %add3A_103, %dma_wait3A_146] : memref<2x16384x128xf32, #tpu.memory_space<hbm>> -> memref<1x128x128xf32, #tpu.memory_space<hbm>>
      %dma_wait3A_148 = tpu.memref_squeeze %dma_wait3A_147 : memref<1x128x128xf32, #tpu.memory_space<hbm>> -> memref<128x128xf32, #tpu.memory_space<hbm>>
      %dma_wait3A_149 = arith.constant 0 : i32
      %dma_wait3A_150 = tpu.memref_slice %arg4[%arg0, %add3A_103, %dma_wait3A_149] : memref<2x16384x128xf32, #tpu.memory_space<hbm>> -> memref<1x128x128xf32, #tpu.memory_space<hbm>>
      %dma_wait3A_151 = tpu.memref_squeeze %dma_wait3A_150 : memref<1x128x128xf32, #tpu.memory_space<hbm>> -> memref<128x128xf32, #tpu.memory_space<hbm>>
      tpu.wait_dma2 semaphore(%run_scoped3A : memref<!tpu.dma_semaphore, #tpu.memory_space<semaphore_mem>>) src(%arg6 : memref<128x128xf32, #tpu.memory_space<vmem>>) dst(%dma_wait3A_151 : memref<128x128xf32, #tpu.memory_space<hbm>>)
      tpu.yield
    }) : () -> ()
    %dma_start3A_104 = arith.constant 6 : i32
    %dma_start3A_105 = arith.constant 0 : i32
    %dma_start3A_106 = tpu.memref_slice %arg5[%dma_start3A_104, %dma_start3A_105] : memref<8x128xi32, #tpu.memory_space<vmem>> -> memref<1x128xi32, #tpu.memory_space<vmem>>
    %dma_start3A_107 = tpu.memref_squeeze %dma_start3A_106 : memref<1x128xi32, #tpu.memory_space<vmem>> -> memref<128xi32, #tpu.memory_space<vmem>>
    %dma_start3A_108 = arith.constant 0 : i32
    %dma_start3A_109 = arith.constant 0 : i32
    %dma_start3A_110 = tpu.memref_slice %arg2[%dma_start3A_108, %dma_start3A_109] : memref<10000x128xf32, #tpu.memory_space<hbm>> -> memref<10000x128xf32, #tpu.memory_space<hbm>>
    tpu.enqueue_indirect_dma source(%dma_start3A_110 : memref<10000x128xf32, #tpu.memory_space<hbm>>) target(%arg6 : memref<128x128xf32, #tpu.memory_space<vmem>>) offsets(%dma_start3A_107 : memref<128xi32, #tpu.memory_space<vmem>>) semaphore(%arg7 : memref<!tpu.dma_semaphore, #tpu.memory_space<semaphore_mem>>)
    %dma_wait3A_111 = arith.constant 6 : i32
    %dma_wait3A_112 = arith.constant 0 : i32
    %dma_wait3A_113 = tpu.memref_slice %arg5[%dma_wait3A_111, %dma_wait3A_112] : memref<8x128xi32, #tpu.memory_space<vmem>> -> memref<1x128xi32, #tpu.memory_space<vmem>>
    %dma_wait3A_114 = tpu.memref_squeeze %dma_wait3A_113 : memref<1x128xi32, #tpu.memory_space<vmem>> -> memref<128xi32, #tpu.memory_space<vmem>>
    %dma_wait3A_115 = arith.constant 0 : i32
    %dma_wait3A_116 = arith.constant 0 : i32
    %dma_wait3A_117 = tpu.memref_slice %arg2[%dma_wait3A_115, %dma_wait3A_116] : memref<10000x128xf32, #tpu.memory_space<hbm>> -> memref<10000x128xf32, #tpu.memory_space<hbm>>
    tpu.wait_indirect_dma semaphore(%arg7 : memref<!tpu.dma_semaphore, #tpu.memory_space<semaphore_mem>>) src(%dma_wait3A_117 : memref<10000x128xf32, #tpu.memory_space<hbm>>) dst(%arg6 : memref<128x128xf32, #tpu.memory_space<vmem>>)
    %mul3A_118 = arith.constant 1024 : i32
    %mul3A_119 = arith.muli %arg1, %mul3A_118 : i32
    %add3A_120 = arith.constant 768 : i32
    %add3A_121 = arith.addi %mul3A_119, %add3A_120 : i32
    "tpu.region"() ({
      %run_scoped3A = tpu.sem_alloc : memref<!tpu.dma_semaphore, #tpu.memory_space<semaphore_mem>>
      %dma_start3A_140 = arith.constant 0 : i32
      %dma_start3A_141 = tpu.memref_slice %arg4[%arg0, %add3A_121, %dma_start3A_140] : memref<2x16384x128xf32, #tpu.memory_space<hbm>> -> memref<1x128x128xf32, #tpu.memory_space<hbm>>
      %dma_start3A_142 = tpu.memref_squeeze %dma_start3A_141 : memref<1x128x128xf32, #tpu.memory_space<hbm>> -> memref<128x128xf32, #tpu.memory_space<hbm>>
      %dma_start3A_143 = arith.constant 0 : i32
      %dma_start3A_144 = tpu.memref_slice %arg4[%arg0, %add3A_121, %dma_start3A_143] : memref<2x16384x128xf32, #tpu.memory_space<hbm>> -> memref<1x128x128xf32, #tpu.memory_space<hbm>>
      %dma_start3A_145 = tpu.memref_squeeze %dma_start3A_144 : memref<1x128x128xf32, #tpu.memory_space<hbm>> -> memref<128x128xf32, #tpu.memory_space<hbm>>
      tpu.enqueue_dma source(%arg6 : memref<128x128xf32, #tpu.memory_space<vmem>>) target(%dma_start3A_145 : memref<128x128xf32, #tpu.memory_space<hbm>>) target_semaphore(%run_scoped3A : memref<!tpu.dma_semaphore, #tpu.memory_space<semaphore_mem>>)
      %dma_wait3A_146 = arith.constant 0 : i32
      %dma_wait3A_147 = tpu.memref_slice %arg4[%arg0, %add3A_121, %dma_wait3A_146] : memref<2x16384x128xf32, #tpu.memory_space<hbm>> -> memref<1x128x128xf32, #tpu.memory_space<hbm>>
      %dma_wait3A_148 = tpu.memref_squeeze %dma_wait3A_147 : memref<1x128x128xf32, #tpu.memory_space<hbm>> -> memref<128x128xf32, #tpu.memory_space<hbm>>
      %dma_wait3A_149 = arith.constant 0 : i32
      %dma_wait3A_150 = tpu.memref_slice %arg4[%arg0, %add3A_121, %dma_wait3A_149] : memref<2x16384x128xf32, #tpu.memory_space<hbm>> -> memref<1x128x128xf32, #tpu.memory_space<hbm>>
      %dma_wait3A_151 = tpu.memref_squeeze %dma_wait3A_150 : memref<1x128x128xf32, #tpu.memory_space<hbm>> -> memref<128x128xf32, #tpu.memory_space<hbm>>
      tpu.wait_dma2 semaphore(%run_scoped3A : memref<!tpu.dma_semaphore, #tpu.memory_space<semaphore_mem>>) src(%arg6 : memref<128x128xf32, #tpu.memory_space<vmem>>) dst(%dma_wait3A_151 : memref<128x128xf32, #tpu.memory_space<hbm>>)
      tpu.yield
    }) : () -> ()
    %dma_start3A_122 = arith.constant 7 : i32
    %dma_start3A_123 = arith.constant 0 : i32
    %dma_start3A_124 = tpu.memref_slice %arg5[%dma_start3A_122, %dma_start3A_123] : memref<8x128xi32, #tpu.memory_space<vmem>> -> memref<1x128xi32, #tpu.memory_space<vmem>>
    %dma_start3A_125 = tpu.memref_squeeze %dma_start3A_124 : memref<1x128xi32, #tpu.memory_space<vmem>> -> memref<128xi32, #tpu.memory_space<vmem>>
    %dma_start3A_126 = arith.constant 0 : i32
    %dma_start3A_127 = arith.constant 0 : i32
    %dma_start3A_128 = tpu.memref_slice %arg2[%dma_start3A_126, %dma_start3A_127] : memref<10000x128xf32, #tpu.memory_space<hbm>> -> memref<10000x128xf32, #tpu.memory_space<hbm>>
    tpu.enqueue_indirect_dma source(%dma_start3A_128 : memref<10000x128xf32, #tpu.memory_space<hbm>>) target(%arg6 : memref<128x128xf32, #tpu.memory_space<vmem>>) offsets(%dma_start3A_125 : memref<128xi32, #tpu.memory_space<vmem>>) semaphore(%arg7 : memref<!tpu.dma_semaphore, #tpu.memory_space<semaphore_mem>>)
    %dma_wait3A_129 = arith.constant 7 : i32
    %dma_wait3A_130 = arith.constant 0 : i32
    %dma_wait3A_131 = tpu.memref_slice %arg5[%dma_wait3A_129, %dma_wait3A_130] : memref<8x128xi32, #tpu.memory_space<vmem>> -> memref<1x128xi32, #tpu.memory_space<vmem>>
    %dma_wait3A_132 = tpu.memref_squeeze %dma_wait3A_131 : memref<1x128xi32, #tpu.memory_space<vmem>> -> memref<128xi32, #tpu.memory_space<vmem>>
    %dma_wait3A_133 = arith.constant 0 : i32
    %dma_wait3A_134 = arith.constant 0 : i32
    %dma_wait3A_135 = tpu.memref_slice %arg2[%dma_wait3A_133, %dma_wait3A_134] : memref<10000x128xf32, #tpu.memory_space<hbm>> -> memref<10000x128xf32, #tpu.memory_space<hbm>>
    tpu.wait_indirect_dma semaphore(%arg7 : memref<!tpu.dma_semaphore, #tpu.memory_space<semaphore_mem>>) src(%dma_wait3A_135 : memref<10000x128xf32, #tpu.memory_space<hbm>>) dst(%arg6 : memref<128x128xf32, #tpu.memory_space<vmem>>)
    %mul3A_136 = arith.constant 1024 : i32
    %mul3A_137 = arith.muli %arg1, %mul3A_136 : i32
    %add3A_138 = arith.constant 896 : i32
    %add3A_139 = arith.addi %mul3A_137, %add3A_138 : i32
    "tpu.region"() ({
      %run_scoped3A = tpu.sem_alloc : memref<!tpu.dma_semaphore, #tpu.memory_space<semaphore_mem>>
      %dma_start3A_140 = arith.constant 0 : i32
      %dma_start3A_141 = tpu.memref_slice %arg4[%arg0, %add3A_139, %dma_start3A_140] : memref<2x16384x128xf32, #tpu.memory_space<hbm>> -> memref<1x128x128xf32, #tpu.memory_space<hbm>>
      %dma_start3A_142 = tpu.memref_squeeze %dma_start3A_141 : memref<1x128x128xf32, #tpu.memory_space<hbm>> -> memref<128x128xf32, #tpu.memory_space<hbm>>
      %dma_start3A_143 = arith.constant 0 : i32
      %dma_start3A_144 = tpu.memref_slice %arg4[%arg0, %add3A_139, %dma_start3A_143] : memref<2x16384x128xf32, #tpu.memory_space<hbm>> -> memref<1x128x128xf32, #tpu.memory_space<hbm>>
      %dma_start3A_145 = tpu.memref_squeeze %dma_start3A_144 : memref<1x128x128xf32, #tpu.memory_space<hbm>> -> memref<128x128xf32, #tpu.memory_space<hbm>>
      tpu.enqueue_dma source(%arg6 : memref<128x128xf32, #tpu.memory_space<vmem>>) target(%dma_start3A_145 : memref<128x128xf32, #tpu.memory_space<hbm>>) target_semaphore(%run_scoped3A : memref<!tpu.dma_semaphore, #tpu.memory_space<semaphore_mem>>)
      %dma_wait3A_146 = arith.constant 0 : i32
      %dma_wait3A_147 = tpu.memref_slice %arg4[%arg0, %add3A_139, %dma_wait3A_146] : memref<2x16384x128xf32, #tpu.memory_space<hbm>> -> memref<1x128x128xf32, #tpu.memory_space<hbm>>
      %dma_wait3A_148 = tpu.memref_squeeze %dma_wait3A_147 : memref<1x128x128xf32, #tpu.memory_space<hbm>> -> memref<128x128xf32, #tpu.memory_space<hbm>>
      %dma_wait3A_149 = arith.constant 0 : i32
      %dma_wait3A_150 = tpu.memref_slice %arg4[%arg0, %add3A_139, %dma_wait3A_149] : memref<2x16384x128xf32, #tpu.memory_space<hbm>> -> memref<1x128x128xf32, #tpu.memory_space<hbm>>
      %dma_wait3A_151 = tpu.memref_squeeze %dma_wait3A_150 : memref<1x128x128xf32, #tpu.memory_space<hbm>> -> memref<128x128xf32, #tpu.memory_space<hbm>>
      tpu.wait_dma2 semaphore(%run_scoped3A : memref<!tpu.dma_semaphore, #tpu.memory_space<semaphore_mem>>) src(%arg6 : memref<128x128xf32, #tpu.memory_space<vmem>>) dst(%dma_wait3A_151 : memref<128x128xf32, #tpu.memory_space<hbm>>)
      tpu.yield
    }) : () -> ()
    return
  }
}

#map = affine_map<(d0, d1) -> (0, 0)>
#map1 = affine_map<(d0, d1) -> (0, 0, 0, 0)>
module attributes {stable_mosaic.version = 14 : i64} {
  func.func @_scb_body(%arg0: i32, %arg1: i32, %arg2: memref<100000x128xf32, #tpu.memory_space<hbm>>, %arg3: memref<2x16x157x128xi32, #tpu.memory_space<hbm>>, %arg4: memref<2x16x157x128xi32, #tpu.memory_space<hbm>>, %arg5: memref<2x16x157x128xi32, #tpu.memory_space<hbm>>, %arg6: memref<2x2x5248x128xf32, #tpu.memory_space<hbm>>, %arg7: memref<157x128xi32, #tpu.memory_space<vmem>>, %arg8: memref<157x128xi32, #tpu.memory_space<vmem>>, %arg9: memref<128x128xf32, #tpu.memory_space<vmem>>, %arg10: memref<128x128xf32, #tpu.memory_space<vmem>>, %arg11: memref<5248x128xf32, #tpu.memory_space<vmem_shared>>, %arg12: memref<!tpu.dma_semaphore, #tpu.memory_space<semaphore_mem>>) attributes {dimension_semantics = [#tpu.dimension_semantics<core_parallel>, #tpu.dimension_semantics<subcore_parallel>], iteration_bounds = array<i64: 2, 16>, scalar_prefetch = 0 : i64, scratch_operands = 6 : i64, tpu.core_type = #tpu.core_type<sc_vector_subcore>, window_params = [{transform_indices = #map}, {transform_indices = #map1}, {transform_indices = #map1}, {transform_indices = #map1}, {transform_indices = #map1}]} {
    %broadcast_in_dim3A = arith.constant 0.000000e+00 : f32
    %broadcast_in_dim3A_0 = vector.broadcast %broadcast_in_dim3A : f32 to vector<16xf32>
    %scan3A = arith.constant 0 : i32
    %scan3A_1 = arith.constant 0 : i32
    %scan3A_2 = arith.constant 1024 : i32
    %scan3A_3 = arith.addi %scan3A_1, %scan3A_2 : i32
    %scan3A_4 = arith.constant 1 : i32
    %scan3A_5 = scf.for %scan3A_105 = %scan3A_1 to %scan3A_3 step %scan3A_4 iter_args(%scan3A_106 = %scan3A) -> (i32)  : i32 {
      %jit3A = arith.constant 8 : i32
      %div3A = arith.divsi %scan3A_105, %jit3A : i32
      %sign3A = arith.constant 0 : i32
      %sign3A_107 = arith.cmpi sgt, %scan3A_105, %sign3A : i32
      %sign3A_108 = arith.extui %sign3A_107 : i1 to i32
      %sign3A_109 = arith.constant 0 : i32
      %sign3A_110 = arith.cmpi slt, %scan3A_105, %sign3A_109 : i32
      %sign3A_111 = arith.extui %sign3A_110 : i1 to i32
      %sign3A_112 = arith.subi %sign3A_108, %sign3A_111 : i32
      %sign3A_113 = arith.constant 0 : i32
      %sign3A_114 = arith.cmpi sgt, %jit3A, %sign3A_113 : i32
      %sign3A_115 = arith.extui %sign3A_114 : i1 to i32
      %sign3A_116 = arith.constant 0 : i32
      %sign3A_117 = arith.cmpi slt, %jit3A, %sign3A_116 : i32
      %sign3A_118 = arith.extui %sign3A_117 : i1 to i32
      %sign3A_119 = arith.subi %sign3A_115, %sign3A_118 : i32
      %ne3A = arith.cmpi ne, %sign3A_112, %sign3A_119 : i32
      %rem3A = arith.remsi %scan3A_105, %jit3A : i32
      %ne3A_120 = arith.constant 0 : i32
      %ne3A_121 = arith.cmpi ne, %rem3A, %ne3A_120 : i32
      %and3A = arith.andi %ne3A, %ne3A_121 : i1
      %sub3A = arith.constant 1 : i32
      %sub3A_122 = arith.subi %div3A, %sub3A : i32
      %select_n3A = arith.select %and3A, %sub3A_122, %div3A : i32
      %jit3A_123 = arith.constant 8 : i32
      %eq3A = arith.constant 0 : i32
      %eq3A_124 = arith.cmpi eq, %jit3A_123, %eq3A : i32
      %jit3A_125 = arith.constant 1 : i32
      %select_n3A_126 = arith.select %eq3A_124, %jit3A_125, %jit3A_123 : i32
      %rem3A_127 = arith.remsi %scan3A_105, %select_n3A_126 : i32
      %ne3A_128 = arith.constant 0 : i32
      %ne3A_129 = arith.cmpi ne, %rem3A_127, %ne3A_128 : i32
      %lt3A_130 = arith.constant 0 : i32
      %lt3A_131 = arith.cmpi slt, %rem3A_127, %lt3A_130 : i32
      %lt3A_132 = arith.constant 0 : i32
      %lt3A_133 = arith.cmpi slt, %select_n3A_126, %lt3A_132 : i32
      %ne3A_134 = arith.xori %lt3A_131, %lt3A_133 : i1
      %and3A_135 = arith.andi %ne3A_134, %ne3A_129 : i1
      %add3A_136 = arith.addi %rem3A_127, %select_n3A_126 : i32
      %select_n3A_137 = arith.select %and3A_135, %add3A_136, %rem3A_127 : i32
      %mul3A = arith.constant 16 : i32
      %mul3A_138 = arith.muli %select_n3A_137, %mul3A : i32
      %swap3A = arith.index_cast %select_n3A : i32 to index
      %swap3A_139 = arith.index_cast %mul3A_138 : i32 to index
      %swap3A_140 = tpu.vector_load %arg10[%swap3A, %swap3A_139] {strides = array<i32>} : memref<128x128xf32, #tpu.memory_space<vmem>>, vector<16xf32>,
      tpu.vector_store %arg10[%swap3A, %swap3A_139], %broadcast_in_dim3A_0 {strides = array<i32>} : memref<128x128xf32, #tpu.memory_space<vmem>>, vector<16xf32>,
      %scan3A_141 = arith.constant 0 : i32
      scf.yield %scan3A_141 : i32
    }
    %scan3A_6 = arith.constant 1024 : i32
    %add3A = arith.constant 0 : i32
    %add3A_7 = arith.addi %arg1, %add3A : i32
    %lt3A = arith.constant 41 : i32
    %lt3A_8 = arith.cmpi slt, %add3A_7, %lt3A : i32
    %convert_element_type3A = arith.extui %lt3A_8 : i1 to i32
    %cond3A = arith.constant 0 : i32
    %cond3A_9 = arith.cmpi ne, %convert_element_type3A, %cond3A : i32
    scf.if %cond3A_9 {
      %mul3A = arith.constant 128 : i32
      %mul3A_105 = arith.muli %add3A_7, %mul3A : i32
      "tpu.region"() ({
        %run_scoped3A = tpu.sem_alloc : memref<!tpu.dma_semaphore, #tpu.memory_space<semaphore_mem>>
        %dma_start3A = arith.constant 0 : i32
        %dma_start3A_106 = tpu.memref_slice %arg11[%mul3A_105, %dma_start3A] : memref<5248x128xf32, #tpu.memory_space<vmem_shared>> -> memref<128x128xf32, #tpu.memory_space<vmem_shared>>
        %dma_start3A_107 = arith.constant 0 : i32
        %dma_start3A_108 = tpu.memref_slice %arg11[%mul3A_105, %dma_start3A_107] : memref<5248x128xf32, #tpu.memory_space<vmem_shared>> -> memref<128x128xf32, #tpu.memory_space<vmem_shared>>
        tpu.enqueue_dma source(%arg10 : memref<128x128xf32, #tpu.memory_space<vmem>>) target(%dma_start3A_108 : memref<128x128xf32, #tpu.memory_space<vmem_shared>>) target_semaphore(%run_scoped3A : memref<!tpu.dma_semaphore, #tpu.memory_space<semaphore_mem>>)
        %dma_wait3A = arith.constant 0 : i32
        %dma_wait3A_109 = tpu.memref_slice %arg11[%mul3A_105, %dma_wait3A] : memref<5248x128xf32, #tpu.memory_space<vmem_shared>> -> memref<128x128xf32, #tpu.memory_space<vmem_shared>>
        %dma_wait3A_110 = arith.constant 0 : i32
        %dma_wait3A_111 = tpu.memref_slice %arg11[%mul3A_105, %dma_wait3A_110] : memref<5248x128xf32, #tpu.memory_space<vmem_shared>> -> memref<128x128xf32, #tpu.memory_space<vmem_shared>>
        tpu.wait_dma2 semaphore(%run_scoped3A : memref<!tpu.dma_semaphore, #tpu.memory_space<semaphore_mem>>) src(%arg10 : memref<128x128xf32, #tpu.memory_space<vmem>>) dst(%dma_wait3A_111 : memref<128x128xf32, #tpu.memory_space<vmem_shared>>)
        tpu.yield
      }) : () -> ()
    } else {
    }
    %add3A_10 = arith.constant 16 : i32
    %add3A_11 = arith.addi %arg1, %add3A_10 : i32
    %lt3A_12 = arith.constant 41 : i32
    %lt3A_13 = arith.cmpi slt, %add3A_11, %lt3A_12 : i32
    %convert_element_type3A_14 = arith.extui %lt3A_13 : i1 to i32
    %cond3A_15 = arith.constant 0 : i32
    %cond3A_16 = arith.cmpi ne, %convert_element_type3A_14, %cond3A_15 : i32
    scf.if %cond3A_16 {
      %mul3A = arith.constant 128 : i32
      %mul3A_105 = arith.muli %add3A_11, %mul3A : i32
      "tpu.region"() ({
        %run_scoped3A = tpu.sem_alloc : memref<!tpu.dma_semaphore, #tpu.memory_space<semaphore_mem>>
        %dma_start3A = arith.constant 0 : i32
        %dma_start3A_106 = tpu.memref_slice %arg11[%mul3A_105, %dma_start3A] : memref<5248x128xf32, #tpu.memory_space<vmem_shared>> -> memref<128x128xf32, #tpu.memory_space<vmem_shared>>
        %dma_start3A_107 = arith.constant 0 : i32
        %dma_start3A_108 = tpu.memref_slice %arg11[%mul3A_105, %dma_start3A_107] : memref<5248x128xf32, #tpu.memory_space<vmem_shared>> -> memref<128x128xf32, #tpu.memory_space<vmem_shared>>
        tpu.enqueue_dma source(%arg10 : memref<128x128xf32, #tpu.memory_space<vmem>>) target(%dma_start3A_108 : memref<128x128xf32, #tpu.memory_space<vmem_shared>>) target_semaphore(%run_scoped3A : memref<!tpu.dma_semaphore, #tpu.memory_space<semaphore_mem>>)
        %dma_wait3A = arith.constant 0 : i32
        %dma_wait3A_109 = tpu.memref_slice %arg11[%mul3A_105, %dma_wait3A] : memref<5248x128xf32, #tpu.memory_space<vmem_shared>> -> memref<128x128xf32, #tpu.memory_space<vmem_shared>>
        %dma_wait3A_110 = arith.constant 0 : i32
        %dma_wait3A_111 = tpu.memref_slice %arg11[%mul3A_105, %dma_wait3A_110] : memref<5248x128xf32, #tpu.memory_space<vmem_shared>> -> memref<128x128xf32, #tpu.memory_space<vmem_shared>>
        tpu.wait_dma2 semaphore(%run_scoped3A : memref<!tpu.dma_semaphore, #tpu.memory_space<semaphore_mem>>) src(%arg10 : memref<128x128xf32, #tpu.memory_space<vmem>>) dst(%dma_wait3A_111 : memref<128x128xf32, #tpu.memory_space<vmem_shared>>)
        tpu.yield
      }) : () -> ()
    } else {
    }
    %add3A_17 = arith.constant 32 : i32
    %add3A_18 = arith.addi %arg1, %add3A_17 : i32
    %lt3A_19 = arith.constant 41 : i32
    %lt3A_20 = arith.cmpi slt, %add3A_18, %lt3A_19 : i32
    %convert_element_type3A_21 = arith.extui %lt3A_20 : i1 to i32
    %cond3A_22 = arith.constant 0 : i32
    %cond3A_23 = arith.cmpi ne, %convert_element_type3A_21, %cond3A_22 : i32
    scf.if %cond3A_23 {
      %mul3A = arith.constant 128 : i32
      %mul3A_105 = arith.muli %add3A_18, %mul3A : i32
      "tpu.region"() ({
        %run_scoped3A = tpu.sem_alloc : memref<!tpu.dma_semaphore, #tpu.memory_space<semaphore_mem>>
        %dma_start3A = arith.constant 0 : i32
        %dma_start3A_106 = tpu.memref_slice %arg11[%mul3A_105, %dma_start3A] : memref<5248x128xf32, #tpu.memory_space<vmem_shared>> -> memref<128x128xf32, #tpu.memory_space<vmem_shared>>
        %dma_start3A_107 = arith.constant 0 : i32
        %dma_start3A_108 = tpu.memref_slice %arg11[%mul3A_105, %dma_start3A_107] : memref<5248x128xf32, #tpu.memory_space<vmem_shared>> -> memref<128x128xf32, #tpu.memory_space<vmem_shared>>
        tpu.enqueue_dma source(%arg10 : memref<128x128xf32, #tpu.memory_space<vmem>>) target(%dma_start3A_108 : memref<128x128xf32, #tpu.memory_space<vmem_shared>>) target_semaphore(%run_scoped3A : memref<!tpu.dma_semaphore, #tpu.memory_space<semaphore_mem>>)
        %dma_wait3A = arith.constant 0 : i32
        %dma_wait3A_109 = tpu.memref_slice %arg11[%mul3A_105, %dma_wait3A] : memref<5248x128xf32, #tpu.memory_space<vmem_shared>> -> memref<128x128xf32, #tpu.memory_space<vmem_shared>>
        %dma_wait3A_110 = arith.constant 0 : i32
        %dma_wait3A_111 = tpu.memref_slice %arg11[%mul3A_105, %dma_wait3A_110] : memref<5248x128xf32, #tpu.memory_space<vmem_shared>> -> memref<128x128xf32, #tpu.memory_space<vmem_shared>>
        tpu.wait_dma2 semaphore(%run_scoped3A : memref<!tpu.dma_semaphore, #tpu.memory_space<semaphore_mem>>) src(%arg10 : memref<128x128xf32, #tpu.memory_space<vmem>>) dst(%dma_wait3A_111 : memref<128x128xf32, #tpu.memory_space<vmem_shared>>)
        tpu.yield
      }) : () -> ()
    } else {
    }
    "tpu.region"() ({
      %run_scoped3A = tpu.sem_alloc : memref<!tpu.dma_semaphore, #tpu.memory_space<semaphore_mem>>
      %dma_start3A = arith.constant 0 : i32
      %dma_start3A_105 = arith.constant 0 : i32
      %dma_start3A_106 = tpu.memref_slice %arg3[%arg0, %arg1, %dma_start3A, %dma_start3A_105] : memref<2x16x157x128xi32, #tpu.memory_space<hbm>> -> memref<1x1x157x128xi32, #tpu.memory_space<hbm>>
      %dma_start3A_107 = tpu.memref_squeeze %dma_start3A_106 : memref<1x1x157x128xi32, #tpu.memory_space<hbm>> -> memref<157x128xi32, #tpu.memory_space<hbm>>
      %dma_start3A_108 = arith.constant 0 : i32
      %dma_start3A_109 = arith.constant 0 : i32
      %dma_start3A_110 = tpu.memref_slice %arg3[%arg0, %arg1, %dma_start3A_108, %dma_start3A_109] : memref<2x16x157x128xi32, #tpu.memory_space<hbm>> -> memref<1x1x157x128xi32, #tpu.memory_space<hbm>>
      %dma_start3A_111 = tpu.memref_squeeze %dma_start3A_110 : memref<1x1x157x128xi32, #tpu.memory_space<hbm>> -> memref<157x128xi32, #tpu.memory_space<hbm>>
      tpu.enqueue_dma source(%dma_start3A_111 : memref<157x128xi32, #tpu.memory_space<hbm>>) target(%arg7 : memref<157x128xi32, #tpu.memory_space<vmem>>) target_semaphore(%run_scoped3A : memref<!tpu.dma_semaphore, #tpu.memory_space<semaphore_mem>>)
      %dma_wait3A = arith.constant 0 : i32
      %dma_wait3A_112 = arith.constant 0 : i32
      %dma_wait3A_113 = tpu.memref_slice %arg3[%arg0, %arg1, %dma_wait3A, %dma_wait3A_112] : memref<2x16x157x128xi32, #tpu.memory_space<hbm>> -> memref<1x1x157x128xi32, #tpu.memory_space<hbm>>
      %dma_wait3A_114 = tpu.memref_squeeze %dma_wait3A_113 : memref<1x1x157x128xi32, #tpu.memory_space<hbm>> -> memref<157x128xi32, #tpu.memory_space<hbm>>
      %dma_wait3A_115 = arith.constant 0 : i32
      %dma_wait3A_116 = arith.constant 0 : i32
      %dma_wait3A_117 = tpu.memref_slice %arg3[%arg0, %arg1, %dma_wait3A_115, %dma_wait3A_116] : memref<2x16x157x128xi32, #tpu.memory_space<hbm>> -> memref<1x1x157x128xi32, #tpu.memory_space<hbm>>
      %dma_wait3A_118 = tpu.memref_squeeze %dma_wait3A_117 : memref<1x1x157x128xi32, #tpu.memory_space<hbm>> -> memref<157x128xi32, #tpu.memory_space<hbm>>
      tpu.wait_dma2 semaphore(%run_scoped3A : memref<!tpu.dma_semaphore, #tpu.memory_space<semaphore_mem>>) src(%dma_wait3A_118 : memref<157x128xi32, #tpu.memory_space<hbm>>) dst(%arg7 : memref<157x128xi32, #tpu.memory_space<vmem>>)
      tpu.yield
    }) : () -> ()
    %barrier3A = arith.constant 0 : index
    tpu.barrier barrier_id(%barrier3A)
    "tpu.region"() ({
      %run_scoped3A = tpu.sem_alloc : memref<!tpu.dma_semaphore, #tpu.memory_space<semaphore_mem>>
      %dma_start3A = arith.constant 0 : i32
      %dma_start3A_105 = arith.constant 0 : i32
      %dma_start3A_106 = tpu.memref_slice %arg4[%arg0, %arg1, %dma_start3A, %dma_start3A_105] : memref<2x16x157x128xi32, #tpu.memory_space<hbm>> -> memref<1x1x157x128xi32, #tpu.memory_space<hbm>>
      %dma_start3A_107 = tpu.memref_squeeze %dma_start3A_106 : memref<1x1x157x128xi32, #tpu.memory_space<hbm>> -> memref<157x128xi32, #tpu.memory_space<hbm>>
      %dma_start3A_108 = arith.constant 0 : i32
      %dma_start3A_109 = arith.constant 0 : i32
      %dma_start3A_110 = tpu.memref_slice %arg4[%arg0, %arg1, %dma_start3A_108, %dma_start3A_109] : memref<2x16x157x128xi32, #tpu.memory_space<hbm>> -> memref<1x1x157x128xi32, #tpu.memory_space<hbm>>
      %dma_start3A_111 = tpu.memref_squeeze %dma_start3A_110 : memref<1x1x157x128xi32, #tpu.memory_space<hbm>> -> memref<157x128xi32, #tpu.memory_space<hbm>>
      tpu.enqueue_dma source(%dma_start3A_111 : memref<157x128xi32, #tpu.memory_space<hbm>>) target(%arg8 : memref<157x128xi32, #tpu.memory_space<vmem>>) target_semaphore(%run_scoped3A : memref<!tpu.dma_semaphore, #tpu.memory_space<semaphore_mem>>)
      %dma_wait3A = arith.constant 0 : i32
      %dma_wait3A_112 = arith.constant 0 : i32
      %dma_wait3A_113 = tpu.memref_slice %arg4[%arg0, %arg1, %dma_wait3A, %dma_wait3A_112] : memref<2x16x157x128xi32, #tpu.memory_space<hbm>> -> memref<1x1x157x128xi32, #tpu.memory_space<hbm>>
      %dma_wait3A_114 = tpu.memref_squeeze %dma_wait3A_113 : memref<1x1x157x128xi32, #tpu.memory_space<hbm>> -> memref<157x128xi32, #tpu.memory_space<hbm>>
      %dma_wait3A_115 = arith.constant 0 : i32
      %dma_wait3A_116 = arith.constant 0 : i32
      %dma_wait3A_117 = tpu.memref_slice %arg4[%arg0, %arg1, %dma_wait3A_115, %dma_wait3A_116] : memref<2x16x157x128xi32, #tpu.memory_space<hbm>> -> memref<1x1x157x128xi32, #tpu.memory_space<hbm>>
      %dma_wait3A_118 = tpu.memref_squeeze %dma_wait3A_117 : memref<1x1x157x128xi32, #tpu.memory_space<hbm>> -> memref<157x128xi32, #tpu.memory_space<hbm>>
      tpu.wait_dma2 semaphore(%run_scoped3A : memref<!tpu.dma_semaphore, #tpu.memory_space<semaphore_mem>>) src(%dma_wait3A_118 : memref<157x128xi32, #tpu.memory_space<hbm>>) dst(%arg8 : memref<157x128xi32, #tpu.memory_space<vmem>>)
      tpu.yield
    }) : () -> ()
    %scan3A_24 = arith.constant 0 : i32
    %scan3A_25 = arith.constant 0 : i32
    %scan3A_26 = arith.constant 157 : i32
    %scan3A_27 = arith.addi %scan3A_25, %scan3A_26 : i32
    %scan3A_28 = arith.constant 1 : i32
    %scan3A_29 = scf.for %scan3A_105 = %scan3A_25 to %scan3A_27 step %scan3A_28 iter_args(%scan3A_106 = %scan3A_24) -> (i32)  : i32 {
      %dma_start3A = arith.constant 0 : i32
      %dma_start3A_107 = tpu.memref_slice %arg7[%scan3A_105, %dma_start3A] : memref<157x128xi32, #tpu.memory_space<vmem>> -> memref<1x128xi32, #tpu.memory_space<vmem>>
      %dma_start3A_108 = tpu.memref_squeeze %dma_start3A_107 : memref<1x128xi32, #tpu.memory_space<vmem>> -> memref<128xi32, #tpu.memory_space<vmem>>
      %dma_start3A_109 = arith.constant 0 : i32
      %dma_start3A_110 = arith.constant 0 : i32
      %dma_start3A_111 = tpu.memref_slice %arg2[%dma_start3A_109, %dma_start3A_110] : memref<100000x128xf32, #tpu.memory_space<hbm>> -> memref<100000x128xf32, #tpu.memory_space<hbm>>
      tpu.enqueue_indirect_dma source(%dma_start3A_111 : memref<100000x128xf32, #tpu.memory_space<hbm>>) target(%arg9 : memref<128x128xf32, #tpu.memory_space<vmem>>) offsets(%dma_start3A_108 : memref<128xi32, #tpu.memory_space<vmem>>) semaphore(%arg12 : memref<!tpu.dma_semaphore, #tpu.memory_space<semaphore_mem>>)
      %dma_wait3A = arith.constant 0 : i32
      %dma_wait3A_112 = tpu.memref_slice %arg7[%scan3A_105, %dma_wait3A] : memref<157x128xi32, #tpu.memory_space<vmem>> -> memref<1x128xi32, #tpu.memory_space<vmem>>
      %dma_wait3A_113 = tpu.memref_squeeze %dma_wait3A_112 : memref<1x128xi32, #tpu.memory_space<vmem>> -> memref<128xi32, #tpu.memory_space<vmem>>
      %dma_wait3A_114 = arith.constant 0 : i32
      %dma_wait3A_115 = arith.constant 0 : i32
      %dma_wait3A_116 = tpu.memref_slice %arg2[%dma_wait3A_114, %dma_wait3A_115] : memref<100000x128xf32, #tpu.memory_space<hbm>> -> memref<100000x128xf32, #tpu.memory_space<hbm>>
      tpu.wait_indirect_dma semaphore(%arg12 : memref<!tpu.dma_semaphore, #tpu.memory_space<semaphore_mem>>) src(%dma_wait3A_116 : memref<100000x128xf32, #tpu.memory_space<hbm>>) dst(%arg9 : memref<128x128xf32, #tpu.memory_space<vmem>>)
      "tpu.region"() ({
        %run_scoped3A = tpu.sem_alloc : memref<!tpu.dma_semaphore, #tpu.memory_space<semaphore_mem>>
        %dma_start3A_118 = arith.constant 0 : i32
        %dma_start3A_119 = tpu.memref_slice %arg8[%scan3A_105, %dma_start3A_118] : memref<157x128xi32, #tpu.memory_space<vmem>> -> memref<1x128xi32, #tpu.memory_space<vmem>>
        %dma_start3A_120 = tpu.memref_squeeze %dma_start3A_119 : memref<1x128xi32, #tpu.memory_space<vmem>> -> memref<128xi32, #tpu.memory_space<vmem>>
        %dma_start3A_121 = arith.constant 0 : i32
        %dma_start3A_122 = arith.constant 0 : i32
        %dma_start3A_123 = tpu.memref_slice %arg11[%dma_start3A_121, %dma_start3A_122] : memref<5248x128xf32, #tpu.memory_space<vmem_shared>> -> memref<5248x128xf32, #tpu.memory_space<vmem_shared>>
        tpu.enqueue_indirect_dma source(%arg9 : memref<128x128xf32, #tpu.memory_space<vmem>>) target(%dma_start3A_123 : memref<5248x128xf32, #tpu.memory_space<vmem_shared>>) offsets(%dma_start3A_120 : memref<128xi32, #tpu.memory_space<vmem>>) semaphore(%run_scoped3A : memref<!tpu.dma_semaphore, #tpu.memory_space<semaphore_mem>>) {add = true}
        %dma_wait3A_124 = arith.constant 0 : i32
        %dma_wait3A_125 = tpu.memref_slice %arg8[%scan3A_105, %dma_wait3A_124] : memref<157x128xi32, #tpu.memory_space<vmem>> -> memref<1x128xi32, #tpu.memory_space<vmem>>
        %dma_wait3A_126 = tpu.memref_squeeze %dma_wait3A_125 : memref<1x128xi32, #tpu.memory_space<vmem>> -> memref<128xi32, #tpu.memory_space<vmem>>
        %dma_wait3A_127 = arith.constant 0 : i32
        %dma_wait3A_128 = arith.constant 0 : i32
        %dma_wait3A_129 = tpu.memref_slice %arg11[%dma_wait3A_127, %dma_wait3A_128] : memref<5248x128xf32, #tpu.memory_space<vmem_shared>> -> memref<5248x128xf32, #tpu.memory_space<vmem_shared>>
        tpu.wait_indirect_dma semaphore(%run_scoped3A : memref<!tpu.dma_semaphore, #tpu.memory_space<semaphore_mem>>) src(%arg9 : memref<128x128xf32, #tpu.memory_space<vmem>>) dst(%dma_wait3A_129 : memref<5248x128xf32, #tpu.memory_space<vmem_shared>>)
        tpu.yield
      }) : () -> ()
      %scan3A_117 = arith.constant 0 : i32
      scf.yield %scan3A_117 : i32
    }
    %scan3A_30 = arith.constant 157 : i32
    %barrier3A_31 = arith.constant 0 : index
    tpu.barrier barrier_id(%barrier3A_31)
    %add3A_32 = arith.constant 0 : i32
    %add3A_33 = arith.addi %arg1, %add3A_32 : i32
    %lt3A_34 = arith.constant 41 : i32
    %lt3A_35 = arith.cmpi slt, %add3A_33, %lt3A_34 : i32
    %convert_element_type3A_36 = arith.extui %lt3A_35 : i1 to i32
    %cond3A_37 = arith.constant 0 : i32
    %cond3A_38 = arith.cmpi ne, %convert_element_type3A_36, %cond3A_37 : i32
    scf.if %cond3A_38 {
      %mul3A = arith.constant 128 : i32
      %mul3A_105 = arith.muli %add3A_33, %mul3A : i32
      "tpu.region"() ({
        %run_scoped3A_108 = tpu.sem_alloc : memref<!tpu.dma_semaphore, #tpu.memory_space<semaphore_mem>>
        %dma_start3A = arith.constant 0 : i32
        %dma_start3A_109 = tpu.memref_slice %arg11[%mul3A_105, %dma_start3A] : memref<5248x128xf32, #tpu.memory_space<vmem_shared>> -> memref<128x128xf32, #tpu.memory_space<vmem_shared>>
        %dma_start3A_110 = arith.constant 0 : i32
        %dma_start3A_111 = tpu.memref_slice %arg11[%mul3A_105, %dma_start3A_110] : memref<5248x128xf32, #tpu.memory_space<vmem_shared>> -> memref<128x128xf32, #tpu.memory_space<vmem_shared>>
        tpu.enqueue_dma source(%dma_start3A_111 : memref<128x128xf32, #tpu.memory_space<vmem_shared>>) target(%arg9 : memref<128x128xf32, #tpu.memory_space<vmem>>) target_semaphore(%run_scoped3A_108 : memref<!tpu.dma_semaphore, #tpu.memory_space<semaphore_mem>>)
        %dma_wait3A = arith.constant 0 : i32
        %dma_wait3A_112 = tpu.memref_slice %arg11[%mul3A_105, %dma_wait3A] : memref<5248x128xf32, #tpu.memory_space<vmem_shared>> -> memref<128x128xf32, #tpu.memory_space<vmem_shared>>
        %dma_wait3A_113 = arith.constant 0 : i32
        %dma_wait3A_114 = tpu.memref_slice %arg11[%mul3A_105, %dma_wait3A_113] : memref<5248x128xf32, #tpu.memory_space<vmem_shared>> -> memref<128x128xf32, #tpu.memory_space<vmem_shared>>
        tpu.wait_dma2 semaphore(%run_scoped3A_108 : memref<!tpu.dma_semaphore, #tpu.memory_space<semaphore_mem>>) src(%dma_wait3A_114 : memref<128x128xf32, #tpu.memory_space<vmem_shared>>) dst(%arg9 : memref<128x128xf32, #tpu.memory_space<vmem>>)
        tpu.yield
      }) : () -> ()
      %mul3A_106 = arith.constant 128 : i32
      %mul3A_107 = arith.muli %add3A_33, %mul3A_106 : i32
      %run_scoped3A = arith.constant 0 : i32
      "tpu.region"() ({
        %run_scoped3A_108 = tpu.sem_alloc : memref<!tpu.dma_semaphore, #tpu.memory_space<semaphore_mem>>
        %dma_start3A = arith.constant 0 : i32
        %dma_start3A_109 = tpu.memref_slice %arg6[%arg0, %run_scoped3A, %mul3A_107, %dma_start3A] : memref<2x2x5248x128xf32, #tpu.memory_space<hbm>> -> memref<1x1x128x128xf32, #tpu.memory_space<hbm>>
        %dma_start3A_110 = tpu.memref_squeeze %dma_start3A_109 : memref<1x1x128x128xf32, #tpu.memory_space<hbm>> -> memref<128x128xf32, #tpu.memory_space<hbm>>
        %dma_start3A_111 = arith.constant 0 : i32
        %dma_start3A_112 = tpu.memref_slice %arg6[%arg0, %run_scoped3A, %mul3A_107, %dma_start3A_111] : memref<2x2x5248x128xf32, #tpu.memory_space<hbm>> -> memref<1x1x128x128xf32, #tpu.memory_space<hbm>>
        %dma_start3A_113 = tpu.memref_squeeze %dma_start3A_112 : memref<1x1x128x128xf32, #tpu.memory_space<hbm>> -> memref<128x128xf32, #tpu.memory_space<hbm>>
        tpu.enqueue_dma source(%arg9 : memref<128x128xf32, #tpu.memory_space<vmem>>) target(%dma_start3A_113 : memref<128x128xf32, #tpu.memory_space<hbm>>) target_semaphore(%run_scoped3A_108 : memref<!tpu.dma_semaphore, #tpu.memory_space<semaphore_mem>>)
        %dma_wait3A = arith.constant 0 : i32
        %dma_wait3A_114 = tpu.memref_slice %arg6[%arg0, %run_scoped3A, %mul3A_107, %dma_wait3A] : memref<2x2x5248x128xf32, #tpu.memory_space<hbm>> -> memref<1x1x128x128xf32, #tpu.memory_space<hbm>>
        %dma_wait3A_115 = tpu.memref_squeeze %dma_wait3A_114 : memref<1x1x128x128xf32, #tpu.memory_space<hbm>> -> memref<128x128xf32, #tpu.memory_space<hbm>>
        %dma_wait3A_116 = arith.constant 0 : i32
        %dma_wait3A_117 = tpu.memref_slice %arg6[%arg0, %run_scoped3A, %mul3A_107, %dma_wait3A_116] : memref<2x2x5248x128xf32, #tpu.memory_space<hbm>> -> memref<1x1x128x128xf32, #tpu.memory_space<hbm>>
        %dma_wait3A_118 = tpu.memref_squeeze %dma_wait3A_117 : memref<1x1x128x128xf32, #tpu.memory_space<hbm>> -> memref<128x128xf32, #tpu.memory_space<hbm>>
        tpu.wait_dma2 semaphore(%run_scoped3A_108 : memref<!tpu.dma_semaphore, #tpu.memory_space<semaphore_mem>>) src(%arg9 : memref<128x128xf32, #tpu.memory_space<vmem>>) dst(%dma_wait3A_118 : memref<128x128xf32, #tpu.memory_space<hbm>>)
        tpu.yield
      }) : () -> ()
    } else {
    }
    %add3A_39 = arith.constant 16 : i32
    %add3A_40 = arith.addi %arg1, %add3A_39 : i32
    %lt3A_41 = arith.constant 41 : i32
    %lt3A_42 = arith.cmpi slt, %add3A_40, %lt3A_41 : i32
    %convert_element_type3A_43 = arith.extui %lt3A_42 : i1 to i32
    %cond3A_44 = arith.constant 0 : i32
    %cond3A_45 = arith.cmpi ne, %convert_element_type3A_43, %cond3A_44 : i32
    scf.if %cond3A_45 {
      %mul3A = arith.constant 128 : i32
      %mul3A_105 = arith.muli %add3A_40, %mul3A : i32
      "tpu.region"() ({
        %run_scoped3A_108 = tpu.sem_alloc : memref<!tpu.dma_semaphore, #tpu.memory_space<semaphore_mem>>
        %dma_start3A = arith.constant 0 : i32
        %dma_start3A_109 = tpu.memref_slice %arg11[%mul3A_105, %dma_start3A] : memref<5248x128xf32, #tpu.memory_space<vmem_shared>> -> memref<128x128xf32, #tpu.memory_space<vmem_shared>>
        %dma_start3A_110 = arith.constant 0 : i32
        %dma_start3A_111 = tpu.memref_slice %arg11[%mul3A_105, %dma_start3A_110] : memref<5248x128xf32, #tpu.memory_space<vmem_shared>> -> memref<128x128xf32, #tpu.memory_space<vmem_shared>>
        tpu.enqueue_dma source(%dma_start3A_111 : memref<128x128xf32, #tpu.memory_space<vmem_shared>>) target(%arg9 : memref<128x128xf32, #tpu.memory_space<vmem>>) target_semaphore(%run_scoped3A_108 : memref<!tpu.dma_semaphore, #tpu.memory_space<semaphore_mem>>)
        %dma_wait3A = arith.constant 0 : i32
        %dma_wait3A_112 = tpu.memref_slice %arg11[%mul3A_105, %dma_wait3A] : memref<5248x128xf32, #tpu.memory_space<vmem_shared>> -> memref<128x128xf32, #tpu.memory_space<vmem_shared>>
        %dma_wait3A_113 = arith.constant 0 : i32
        %dma_wait3A_114 = tpu.memref_slice %arg11[%mul3A_105, %dma_wait3A_113] : memref<5248x128xf32, #tpu.memory_space<vmem_shared>> -> memref<128x128xf32, #tpu.memory_space<vmem_shared>>
        tpu.wait_dma2 semaphore(%run_scoped3A_108 : memref<!tpu.dma_semaphore, #tpu.memory_space<semaphore_mem>>) src(%dma_wait3A_114 : memref<128x128xf32, #tpu.memory_space<vmem_shared>>) dst(%arg9 : memref<128x128xf32, #tpu.memory_space<vmem>>)
        tpu.yield
      }) : () -> ()
      %mul3A_106 = arith.constant 128 : i32
      %mul3A_107 = arith.muli %add3A_40, %mul3A_106 : i32
      %run_scoped3A = arith.constant 0 : i32
      "tpu.region"() ({
        %run_scoped3A_108 = tpu.sem_alloc : memref<!tpu.dma_semaphore, #tpu.memory_space<semaphore_mem>>
        %dma_start3A = arith.constant 0 : i32
        %dma_start3A_109 = tpu.memref_slice %arg6[%arg0, %run_scoped3A, %mul3A_107, %dma_start3A] : memref<2x2x5248x128xf32, #tpu.memory_space<hbm>> -> memref<1x1x128x128xf32, #tpu.memory_space<hbm>>
        %dma_start3A_110 = tpu.memref_squeeze %dma_start3A_109 : memref<1x1x128x128xf32, #tpu.memory_space<hbm>> -> memref<128x128xf32, #tpu.memory_space<hbm>>
        %dma_start3A_111 = arith.constant 0 : i32
        %dma_start3A_112 = tpu.memref_slice %arg6[%arg0, %run_scoped3A, %mul3A_107, %dma_start3A_111] : memref<2x2x5248x128xf32, #tpu.memory_space<hbm>> -> memref<1x1x128x128xf32, #tpu.memory_space<hbm>>
        %dma_start3A_113 = tpu.memref_squeeze %dma_start3A_112 : memref<1x1x128x128xf32, #tpu.memory_space<hbm>> -> memref<128x128xf32, #tpu.memory_space<hbm>>
        tpu.enqueue_dma source(%arg9 : memref<128x128xf32, #tpu.memory_space<vmem>>) target(%dma_start3A_113 : memref<128x128xf32, #tpu.memory_space<hbm>>) target_semaphore(%run_scoped3A_108 : memref<!tpu.dma_semaphore, #tpu.memory_space<semaphore_mem>>)
        %dma_wait3A = arith.constant 0 : i32
        %dma_wait3A_114 = tpu.memref_slice %arg6[%arg0, %run_scoped3A, %mul3A_107, %dma_wait3A] : memref<2x2x5248x128xf32, #tpu.memory_space<hbm>> -> memref<1x1x128x128xf32, #tpu.memory_space<hbm>>
        %dma_wait3A_115 = tpu.memref_squeeze %dma_wait3A_114 : memref<1x1x128x128xf32, #tpu.memory_space<hbm>> -> memref<128x128xf32, #tpu.memory_space<hbm>>
        %dma_wait3A_116 = arith.constant 0 : i32
        %dma_wait3A_117 = tpu.memref_slice %arg6[%arg0, %run_scoped3A, %mul3A_107, %dma_wait3A_116] : memref<2x2x5248x128xf32, #tpu.memory_space<hbm>> -> memref<1x1x128x128xf32, #tpu.memory_space<hbm>>
        %dma_wait3A_118 = tpu.memref_squeeze %dma_wait3A_117 : memref<1x1x128x128xf32, #tpu.memory_space<hbm>> -> memref<128x128xf32, #tpu.memory_space<hbm>>
        tpu.wait_dma2 semaphore(%run_scoped3A_108 : memref<!tpu.dma_semaphore, #tpu.memory_space<semaphore_mem>>) src(%arg9 : memref<128x128xf32, #tpu.memory_space<vmem>>) dst(%dma_wait3A_118 : memref<128x128xf32, #tpu.memory_space<hbm>>)
        tpu.yield
      }) : () -> ()
    } else {
    }
    %add3A_46 = arith.constant 32 : i32
    %add3A_47 = arith.addi %arg1, %add3A_46 : i32
    %lt3A_48 = arith.constant 41 : i32
    %lt3A_49 = arith.cmpi slt, %add3A_47, %lt3A_48 : i32
    %convert_element_type3A_50 = arith.extui %lt3A_49 : i1 to i32
    %cond3A_51 = arith.constant 0 : i32
    %cond3A_52 = arith.cmpi ne, %convert_element_type3A_50, %cond3A_51 : i32
    scf.if %cond3A_52 {
      %mul3A = arith.constant 128 : i32
      %mul3A_105 = arith.muli %add3A_47, %mul3A : i32
      "tpu.region"() ({
        %run_scoped3A_108 = tpu.sem_alloc : memref<!tpu.dma_semaphore, #tpu.memory_space<semaphore_mem>>
        %dma_start3A = arith.constant 0 : i32
        %dma_start3A_109 = tpu.memref_slice %arg11[%mul3A_105, %dma_start3A] : memref<5248x128xf32, #tpu.memory_space<vmem_shared>> -> memref<128x128xf32, #tpu.memory_space<vmem_shared>>
        %dma_start3A_110 = arith.constant 0 : i32
        %dma_start3A_111 = tpu.memref_slice %arg11[%mul3A_105, %dma_start3A_110] : memref<5248x128xf32, #tpu.memory_space<vmem_shared>> -> memref<128x128xf32, #tpu.memory_space<vmem_shared>>
        tpu.enqueue_dma source(%dma_start3A_111 : memref<128x128xf32, #tpu.memory_space<vmem_shared>>) target(%arg9 : memref<128x128xf32, #tpu.memory_space<vmem>>) target_semaphore(%run_scoped3A_108 : memref<!tpu.dma_semaphore, #tpu.memory_space<semaphore_mem>>)
        %dma_wait3A = arith.constant 0 : i32
        %dma_wait3A_112 = tpu.memref_slice %arg11[%mul3A_105, %dma_wait3A] : memref<5248x128xf32, #tpu.memory_space<vmem_shared>> -> memref<128x128xf32, #tpu.memory_space<vmem_shared>>
        %dma_wait3A_113 = arith.constant 0 : i32
        %dma_wait3A_114 = tpu.memref_slice %arg11[%mul3A_105, %dma_wait3A_113] : memref<5248x128xf32, #tpu.memory_space<vmem_shared>> -> memref<128x128xf32, #tpu.memory_space<vmem_shared>>
        tpu.wait_dma2 semaphore(%run_scoped3A_108 : memref<!tpu.dma_semaphore, #tpu.memory_space<semaphore_mem>>) src(%dma_wait3A_114 : memref<128x128xf32, #tpu.memory_space<vmem_shared>>) dst(%arg9 : memref<128x128xf32, #tpu.memory_space<vmem>>)
        tpu.yield
      }) : () -> ()
      %mul3A_106 = arith.constant 128 : i32
      %mul3A_107 = arith.muli %add3A_47, %mul3A_106 : i32
      %run_scoped3A = arith.constant 0 : i32
      "tpu.region"() ({
        %run_scoped3A_108 = tpu.sem_alloc : memref<!tpu.dma_semaphore, #tpu.memory_space<semaphore_mem>>
        %dma_start3A = arith.constant 0 : i32
        %dma_start3A_109 = tpu.memref_slice %arg6[%arg0, %run_scoped3A, %mul3A_107, %dma_start3A] : memref<2x2x5248x128xf32, #tpu.memory_space<hbm>> -> memref<1x1x128x128xf32, #tpu.memory_space<hbm>>
        %dma_start3A_110 = tpu.memref_squeeze %dma_start3A_109 : memref<1x1x128x128xf32, #tpu.memory_space<hbm>> -> memref<128x128xf32, #tpu.memory_space<hbm>>
        %dma_start3A_111 = arith.constant 0 : i32
        %dma_start3A_112 = tpu.memref_slice %arg6[%arg0, %run_scoped3A, %mul3A_107, %dma_start3A_111] : memref<2x2x5248x128xf32, #tpu.memory_space<hbm>> -> memref<1x1x128x128xf32, #tpu.memory_space<hbm>>
        %dma_start3A_113 = tpu.memref_squeeze %dma_start3A_112 : memref<1x1x128x128xf32, #tpu.memory_space<hbm>> -> memref<128x128xf32, #tpu.memory_space<hbm>>
        tpu.enqueue_dma source(%arg9 : memref<128x128xf32, #tpu.memory_space<vmem>>) target(%dma_start3A_113 : memref<128x128xf32, #tpu.memory_space<hbm>>) target_semaphore(%run_scoped3A_108 : memref<!tpu.dma_semaphore, #tpu.memory_space<semaphore_mem>>)
        %dma_wait3A = arith.constant 0 : i32
        %dma_wait3A_114 = tpu.memref_slice %arg6[%arg0, %run_scoped3A, %mul3A_107, %dma_wait3A] : memref<2x2x5248x128xf32, #tpu.memory_space<hbm>> -> memref<1x1x128x128xf32, #tpu.memory_space<hbm>>
        %dma_wait3A_115 = tpu.memref_squeeze %dma_wait3A_114 : memref<1x1x128x128xf32, #tpu.memory_space<hbm>> -> memref<128x128xf32, #tpu.memory_space<hbm>>
        %dma_wait3A_116 = arith.constant 0 : i32
        %dma_wait3A_117 = tpu.memref_slice %arg6[%arg0, %run_scoped3A, %mul3A_107, %dma_wait3A_116] : memref<2x2x5248x128xf32, #tpu.memory_space<hbm>> -> memref<1x1x128x128xf32, #tpu.memory_space<hbm>>
        %dma_wait3A_118 = tpu.memref_squeeze %dma_wait3A_117 : memref<1x1x128x128xf32, #tpu.memory_space<hbm>> -> memref<128x128xf32, #tpu.memory_space<hbm>>
        tpu.wait_dma2 semaphore(%run_scoped3A_108 : memref<!tpu.dma_semaphore, #tpu.memory_space<semaphore_mem>>) src(%arg9 : memref<128x128xf32, #tpu.memory_space<vmem>>) dst(%dma_wait3A_118 : memref<128x128xf32, #tpu.memory_space<hbm>>)
        tpu.yield
      }) : () -> ()
    } else {
    }
    %barrier3A_53 = arith.constant 0 : index
    tpu.barrier barrier_id(%barrier3A_53)
    %add3A_54 = arith.constant 0 : i32
    %add3A_55 = arith.addi %arg1, %add3A_54 : i32
    %lt3A_56 = arith.constant 41 : i32
    %lt3A_57 = arith.cmpi slt, %add3A_55, %lt3A_56 : i32
    %convert_element_type3A_58 = arith.extui %lt3A_57 : i1 to i32
    %cond3A_59 = arith.constant 0 : i32
    %cond3A_60 = arith.cmpi ne, %convert_element_type3A_58, %cond3A_59 : i32
    scf.if %cond3A_60 {
      %mul3A = arith.constant 128 : i32
      %mul3A_105 = arith.muli %add3A_55, %mul3A : i32
      "tpu.region"() ({
        %run_scoped3A = tpu.sem_alloc : memref<!tpu.dma_semaphore, #tpu.memory_space<semaphore_mem>>
        %dma_start3A = arith.constant 0 : i32
        %dma_start3A_106 = tpu.memref_slice %arg11[%mul3A_105, %dma_start3A] : memref<5248x128xf32, #tpu.memory_space<vmem_shared>> -> memref<128x128xf32, #tpu.memory_space<vmem_shared>>
        %dma_start3A_107 = arith.constant 0 : i32
        %dma_start3A_108 = tpu.memref_slice %arg11[%mul3A_105, %dma_start3A_107] : memref<5248x128xf32, #tpu.memory_space<vmem_shared>> -> memref<128x128xf32, #tpu.memory_space<vmem_shared>>
        tpu.enqueue_dma source(%arg10 : memref<128x128xf32, #tpu.memory_space<vmem>>) target(%dma_start3A_108 : memref<128x128xf32, #tpu.memory_space<vmem_shared>>) target_semaphore(%run_scoped3A : memref<!tpu.dma_semaphore, #tpu.memory_space<semaphore_mem>>)
        %dma_wait3A = arith.constant 0 : i32
        %dma_wait3A_109 = tpu.memref_slice %arg11[%mul3A_105, %dma_wait3A] : memref<5248x128xf32, #tpu.memory_space<vmem_shared>> -> memref<128x128xf32, #tpu.memory_space<vmem_shared>>
        %dma_wait3A_110 = arith.constant 0 : i32
        %dma_wait3A_111 = tpu.memref_slice %arg11[%mul3A_105, %dma_wait3A_110] : memref<5248x128xf32, #tpu.memory_space<vmem_shared>> -> memref<128x128xf32, #tpu.memory_space<vmem_shared>>
        tpu.wait_dma2 semaphore(%run_scoped3A : memref<!tpu.dma_semaphore, #tpu.memory_space<semaphore_mem>>) src(%arg10 : memref<128x128xf32, #tpu.memory_space<vmem>>) dst(%dma_wait3A_111 : memref<128x128xf32, #tpu.memory_space<vmem_shared>>)
        tpu.yield
      }) : () -> ()
    } else {
    }
    %add3A_61 = arith.constant 16 : i32
    %add3A_62 = arith.addi %arg1, %add3A_61 : i32
    %lt3A_63 = arith.constant 41 : i32
    %lt3A_64 = arith.cmpi slt, %add3A_62, %lt3A_63 : i32
    %convert_element_type3A_65 = arith.extui %lt3A_64 : i1 to i32
    %cond3A_66 = arith.constant 0 : i32
    %cond3A_67 = arith.cmpi ne, %convert_element_type3A_65, %cond3A_66 : i32
    scf.if %cond3A_67 {
      %mul3A = arith.constant 128 : i32
      %mul3A_105 = arith.muli %add3A_62, %mul3A : i32
      "tpu.region"() ({
        %run_scoped3A = tpu.sem_alloc : memref<!tpu.dma_semaphore, #tpu.memory_space<semaphore_mem>>
        %dma_start3A = arith.constant 0 : i32
        %dma_start3A_106 = tpu.memref_slice %arg11[%mul3A_105, %dma_start3A] : memref<5248x128xf32, #tpu.memory_space<vmem_shared>> -> memref<128x128xf32, #tpu.memory_space<vmem_shared>>
        %dma_start3A_107 = arith.constant 0 : i32
        %dma_start3A_108 = tpu.memref_slice %arg11[%mul3A_105, %dma_start3A_107] : memref<5248x128xf32, #tpu.memory_space<vmem_shared>> -> memref<128x128xf32, #tpu.memory_space<vmem_shared>>
        tpu.enqueue_dma source(%arg10 : memref<128x128xf32, #tpu.memory_space<vmem>>) target(%dma_start3A_108 : memref<128x128xf32, #tpu.memory_space<vmem_shared>>) target_semaphore(%run_scoped3A : memref<!tpu.dma_semaphore, #tpu.memory_space<semaphore_mem>>)
        %dma_wait3A = arith.constant 0 : i32
        %dma_wait3A_109 = tpu.memref_slice %arg11[%mul3A_105, %dma_wait3A] : memref<5248x128xf32, #tpu.memory_space<vmem_shared>> -> memref<128x128xf32, #tpu.memory_space<vmem_shared>>
        %dma_wait3A_110 = arith.constant 0 : i32
        %dma_wait3A_111 = tpu.memref_slice %arg11[%mul3A_105, %dma_wait3A_110] : memref<5248x128xf32, #tpu.memory_space<vmem_shared>> -> memref<128x128xf32, #tpu.memory_space<vmem_shared>>
        tpu.wait_dma2 semaphore(%run_scoped3A : memref<!tpu.dma_semaphore, #tpu.memory_space<semaphore_mem>>) src(%arg10 : memref<128x128xf32, #tpu.memory_space<vmem>>) dst(%dma_wait3A_111 : memref<128x128xf32, #tpu.memory_space<vmem_shared>>)
        tpu.yield
      }) : () -> ()
    } else {
    }
    %add3A_68 = arith.constant 32 : i32
    %add3A_69 = arith.addi %arg1, %add3A_68 : i32
    %lt3A_70 = arith.constant 41 : i32
    %lt3A_71 = arith.cmpi slt, %add3A_69, %lt3A_70 : i32
    %convert_element_type3A_72 = arith.extui %lt3A_71 : i1 to i32
    %cond3A_73 = arith.constant 0 : i32
    %cond3A_74 = arith.cmpi ne, %convert_element_type3A_72, %cond3A_73 : i32
    scf.if %cond3A_74 {
      %mul3A = arith.constant 128 : i32
      %mul3A_105 = arith.muli %add3A_69, %mul3A : i32
      "tpu.region"() ({
        %run_scoped3A = tpu.sem_alloc : memref<!tpu.dma_semaphore, #tpu.memory_space<semaphore_mem>>
        %dma_start3A = arith.constant 0 : i32
        %dma_start3A_106 = tpu.memref_slice %arg11[%mul3A_105, %dma_start3A] : memref<5248x128xf32, #tpu.memory_space<vmem_shared>> -> memref<128x128xf32, #tpu.memory_space<vmem_shared>>
        %dma_start3A_107 = arith.constant 0 : i32
        %dma_start3A_108 = tpu.memref_slice %arg11[%mul3A_105, %dma_start3A_107] : memref<5248x128xf32, #tpu.memory_space<vmem_shared>> -> memref<128x128xf32, #tpu.memory_space<vmem_shared>>
        tpu.enqueue_dma source(%arg10 : memref<128x128xf32, #tpu.memory_space<vmem>>) target(%dma_start3A_108 : memref<128x128xf32, #tpu.memory_space<vmem_shared>>) target_semaphore(%run_scoped3A : memref<!tpu.dma_semaphore, #tpu.memory_space<semaphore_mem>>)
        %dma_wait3A = arith.constant 0 : i32
        %dma_wait3A_109 = tpu.memref_slice %arg11[%mul3A_105, %dma_wait3A] : memref<5248x128xf32, #tpu.memory_space<vmem_shared>> -> memref<128x128xf32, #tpu.memory_space<vmem_shared>>
        %dma_wait3A_110 = arith.constant 0 : i32
        %dma_wait3A_111 = tpu.memref_slice %arg11[%mul3A_105, %dma_wait3A_110] : memref<5248x128xf32, #tpu.memory_space<vmem_shared>> -> memref<128x128xf32, #tpu.memory_space<vmem_shared>>
        tpu.wait_dma2 semaphore(%run_scoped3A : memref<!tpu.dma_semaphore, #tpu.memory_space<semaphore_mem>>) src(%arg10 : memref<128x128xf32, #tpu.memory_space<vmem>>) dst(%dma_wait3A_111 : memref<128x128xf32, #tpu.memory_space<vmem_shared>>)
        tpu.yield
      }) : () -> ()
    } else {
    }
    %barrier3A_75 = arith.constant 0 : index
    tpu.barrier barrier_id(%barrier3A_75)
    "tpu.region"() ({
      %run_scoped3A = tpu.sem_alloc : memref<!tpu.dma_semaphore, #tpu.memory_space<semaphore_mem>>
      %dma_start3A = arith.constant 0 : i32
      %dma_start3A_105 = arith.constant 0 : i32
      %dma_start3A_106 = tpu.memref_slice %arg5[%arg0, %arg1, %dma_start3A, %dma_start3A_105] : memref<2x16x157x128xi32, #tpu.memory_space<hbm>> -> memref<1x1x157x128xi32, #tpu.memory_space<hbm>>
      %dma_start3A_107 = tpu.memref_squeeze %dma_start3A_106 : memref<1x1x157x128xi32, #tpu.memory_space<hbm>> -> memref<157x128xi32, #tpu.memory_space<hbm>>
      %dma_start3A_108 = arith.constant 0 : i32
      %dma_start3A_109 = arith.constant 0 : i32
      %dma_start3A_110 = tpu.memref_slice %arg5[%arg0, %arg1, %dma_start3A_108, %dma_start3A_109] : memref<2x16x157x128xi32, #tpu.memory_space<hbm>> -> memref<1x1x157x128xi32, #tpu.memory_space<hbm>>
      %dma_start3A_111 = tpu.memref_squeeze %dma_start3A_110 : memref<1x1x157x128xi32, #tpu.memory_space<hbm>> -> memref<157x128xi32, #tpu.memory_space<hbm>>
      tpu.enqueue_dma source(%dma_start3A_111 : memref<157x128xi32, #tpu.memory_space<hbm>>) target(%arg8 : memref<157x128xi32, #tpu.memory_space<vmem>>) target_semaphore(%run_scoped3A : memref<!tpu.dma_semaphore, #tpu.memory_space<semaphore_mem>>)
      %dma_wait3A = arith.constant 0 : i32
      %dma_wait3A_112 = arith.constant 0 : i32
      %dma_wait3A_113 = tpu.memref_slice %arg5[%arg0, %arg1, %dma_wait3A, %dma_wait3A_112] : memref<2x16x157x128xi32, #tpu.memory_space<hbm>> -> memref<1x1x157x128xi32, #tpu.memory_space<hbm>>
      %dma_wait3A_114 = tpu.memref_squeeze %dma_wait3A_113 : memref<1x1x157x128xi32, #tpu.memory_space<hbm>> -> memref<157x128xi32, #tpu.memory_space<hbm>>
      %dma_wait3A_115 = arith.constant 0 : i32
      %dma_wait3A_116 = arith.constant 0 : i32
      %dma_wait3A_117 = tpu.memref_slice %arg5[%arg0, %arg1, %dma_wait3A_115, %dma_wait3A_116] : memref<2x16x157x128xi32, #tpu.memory_space<hbm>> -> memref<1x1x157x128xi32, #tpu.memory_space<hbm>>
      %dma_wait3A_118 = tpu.memref_squeeze %dma_wait3A_117 : memref<1x1x157x128xi32, #tpu.memory_space<hbm>> -> memref<157x128xi32, #tpu.memory_space<hbm>>
      tpu.wait_dma2 semaphore(%run_scoped3A : memref<!tpu.dma_semaphore, #tpu.memory_space<semaphore_mem>>) src(%dma_wait3A_118 : memref<157x128xi32, #tpu.memory_space<hbm>>) dst(%arg8 : memref<157x128xi32, #tpu.memory_space<vmem>>)
      tpu.yield
    }) : () -> ()
    %scan3A_76 = arith.constant 0 : i32
    %scan3A_77 = arith.constant 0 : i32
    %scan3A_78 = arith.constant 157 : i32
    %scan3A_79 = arith.addi %scan3A_77, %scan3A_78 : i32
    %scan3A_80 = arith.constant 1 : i32
    %scan3A_81 = scf.for %scan3A_105 = %scan3A_77 to %scan3A_79 step %scan3A_80 iter_args(%scan3A_106 = %scan3A_76) -> (i32)  : i32 {
      %dma_start3A = arith.constant 0 : i32
      %dma_start3A_107 = tpu.memref_slice %arg7[%scan3A_105, %dma_start3A] : memref<157x128xi32, #tpu.memory_space<vmem>> -> memref<1x128xi32, #tpu.memory_space<vmem>>
      %dma_start3A_108 = tpu.memref_squeeze %dma_start3A_107 : memref<1x128xi32, #tpu.memory_space<vmem>> -> memref<128xi32, #tpu.memory_space<vmem>>
      %dma_start3A_109 = arith.constant 0 : i32
      %dma_start3A_110 = arith.constant 0 : i32
      %dma_start3A_111 = tpu.memref_slice %arg2[%dma_start3A_109, %dma_start3A_110] : memref<100000x128xf32, #tpu.memory_space<hbm>> -> memref<100000x128xf32, #tpu.memory_space<hbm>>
      tpu.enqueue_indirect_dma source(%dma_start3A_111 : memref<100000x128xf32, #tpu.memory_space<hbm>>) target(%arg9 : memref<128x128xf32, #tpu.memory_space<vmem>>) offsets(%dma_start3A_108 : memref<128xi32, #tpu.memory_space<vmem>>) semaphore(%arg12 : memref<!tpu.dma_semaphore, #tpu.memory_space<semaphore_mem>>)
      %dma_wait3A = arith.constant 0 : i32
      %dma_wait3A_112 = tpu.memref_slice %arg7[%scan3A_105, %dma_wait3A] : memref<157x128xi32, #tpu.memory_space<vmem>> -> memref<1x128xi32, #tpu.memory_space<vmem>>
      %dma_wait3A_113 = tpu.memref_squeeze %dma_wait3A_112 : memref<1x128xi32, #tpu.memory_space<vmem>> -> memref<128xi32, #tpu.memory_space<vmem>>
      %dma_wait3A_114 = arith.constant 0 : i32
      %dma_wait3A_115 = arith.constant 0 : i32
      %dma_wait3A_116 = tpu.memref_slice %arg2[%dma_wait3A_114, %dma_wait3A_115] : memref<100000x128xf32, #tpu.memory_space<hbm>> -> memref<100000x128xf32, #tpu.memory_space<hbm>>
      tpu.wait_indirect_dma semaphore(%arg12 : memref<!tpu.dma_semaphore, #tpu.memory_space<semaphore_mem>>) src(%dma_wait3A_116 : memref<100000x128xf32, #tpu.memory_space<hbm>>) dst(%arg9 : memref<128x128xf32, #tpu.memory_space<vmem>>)
      "tpu.region"() ({
        %run_scoped3A = tpu.sem_alloc : memref<!tpu.dma_semaphore, #tpu.memory_space<semaphore_mem>>
        %dma_start3A_118 = arith.constant 0 : i32
        %dma_start3A_119 = tpu.memref_slice %arg8[%scan3A_105, %dma_start3A_118] : memref<157x128xi32, #tpu.memory_space<vmem>> -> memref<1x128xi32, #tpu.memory_space<vmem>>
        %dma_start3A_120 = tpu.memref_squeeze %dma_start3A_119 : memref<1x128xi32, #tpu.memory_space<vmem>> -> memref<128xi32, #tpu.memory_space<vmem>>
        %dma_start3A_121 = arith.constant 0 : i32
        %dma_start3A_122 = arith.constant 0 : i32
        %dma_start3A_123 = tpu.memref_slice %arg11[%dma_start3A_121, %dma_start3A_122] : memref<5248x128xf32, #tpu.memory_space<vmem_shared>> -> memref<5248x128xf32, #tpu.memory_space<vmem_shared>>
        tpu.enqueue_indirect_dma source(%arg9 : memref<128x128xf32, #tpu.memory_space<vmem>>) target(%dma_start3A_123 : memref<5248x128xf32, #tpu.memory_space<vmem_shared>>) offsets(%dma_start3A_120 : memref<128xi32, #tpu.memory_space<vmem>>) semaphore(%run_scoped3A : memref<!tpu.dma_semaphore, #tpu.memory_space<semaphore_mem>>) {add = true}
        %dma_wait3A_124 = arith.constant 0 : i32
        %dma_wait3A_125 = tpu.memref_slice %arg8[%scan3A_105, %dma_wait3A_124] : memref<157x128xi32, #tpu.memory_space<vmem>> -> memref<1x128xi32, #tpu.memory_space<vmem>>
        %dma_wait3A_126 = tpu.memref_squeeze %dma_wait3A_125 : memref<1x128xi32, #tpu.memory_space<vmem>> -> memref<128xi32, #tpu.memory_space<vmem>>
        %dma_wait3A_127 = arith.constant 0 : i32
        %dma_wait3A_128 = arith.constant 0 : i32
        %dma_wait3A_129 = tpu.memref_slice %arg11[%dma_wait3A_127, %dma_wait3A_128] : memref<5248x128xf32, #tpu.memory_space<vmem_shared>> -> memref<5248x128xf32, #tpu.memory_space<vmem_shared>>
        tpu.wait_indirect_dma semaphore(%run_scoped3A : memref<!tpu.dma_semaphore, #tpu.memory_space<semaphore_mem>>) src(%arg9 : memref<128x128xf32, #tpu.memory_space<vmem>>) dst(%dma_wait3A_129 : memref<5248x128xf32, #tpu.memory_space<vmem_shared>>)
        tpu.yield
      }) : () -> ()
      %scan3A_117 = arith.constant 0 : i32
      scf.yield %scan3A_117 : i32
    }
    %scan3A_82 = arith.constant 157 : i32
    %barrier3A_83 = arith.constant 0 : index
    tpu.barrier barrier_id(%barrier3A_83)
    %add3A_84 = arith.constant 0 : i32
    %add3A_85 = arith.addi %arg1, %add3A_84 : i32
    %lt3A_86 = arith.constant 41 : i32
    %lt3A_87 = arith.cmpi slt, %add3A_85, %lt3A_86 : i32
    %convert_element_type3A_88 = arith.extui %lt3A_87 : i1 to i32
    %cond3A_89 = arith.constant 0 : i32
    %cond3A_90 = arith.cmpi ne, %convert_element_type3A_88, %cond3A_89 : i32
    scf.if %cond3A_90 {
      %mul3A = arith.constant 128 : i32
      %mul3A_105 = arith.muli %add3A_85, %mul3A : i32
      "tpu.region"() ({
        %run_scoped3A_108 = tpu.sem_alloc : memref<!tpu.dma_semaphore, #tpu.memory_space<semaphore_mem>>
        %dma_start3A = arith.constant 0 : i32
        %dma_start3A_109 = tpu.memref_slice %arg11[%mul3A_105, %dma_start3A] : memref<5248x128xf32, #tpu.memory_space<vmem_shared>> -> memref<128x128xf32, #tpu.memory_space<vmem_shared>>
        %dma_start3A_110 = arith.constant 0 : i32
        %dma_start3A_111 = tpu.memref_slice %arg11[%mul3A_105, %dma_start3A_110] : memref<5248x128xf32, #tpu.memory_space<vmem_shared>> -> memref<128x128xf32, #tpu.memory_space<vmem_shared>>
        tpu.enqueue_dma source(%dma_start3A_111 : memref<128x128xf32, #tpu.memory_space<vmem_shared>>) target(%arg9 : memref<128x128xf32, #tpu.memory_space<vmem>>) target_semaphore(%run_scoped3A_108 : memref<!tpu.dma_semaphore, #tpu.memory_space<semaphore_mem>>)
        %dma_wait3A = arith.constant 0 : i32
        %dma_wait3A_112 = tpu.memref_slice %arg11[%mul3A_105, %dma_wait3A] : memref<5248x128xf32, #tpu.memory_space<vmem_shared>> -> memref<128x128xf32, #tpu.memory_space<vmem_shared>>
        %dma_wait3A_113 = arith.constant 0 : i32
        %dma_wait3A_114 = tpu.memref_slice %arg11[%mul3A_105, %dma_wait3A_113] : memref<5248x128xf32, #tpu.memory_space<vmem_shared>> -> memref<128x128xf32, #tpu.memory_space<vmem_shared>>
        tpu.wait_dma2 semaphore(%run_scoped3A_108 : memref<!tpu.dma_semaphore, #tpu.memory_space<semaphore_mem>>) src(%dma_wait3A_114 : memref<128x128xf32, #tpu.memory_space<vmem_shared>>) dst(%arg9 : memref<128x128xf32, #tpu.memory_space<vmem>>)
        tpu.yield
      }) : () -> ()
      %mul3A_106 = arith.constant 128 : i32
      %mul3A_107 = arith.muli %add3A_85, %mul3A_106 : i32
      %run_scoped3A = arith.constant 1 : i32
      "tpu.region"() ({
        %run_scoped3A_108 = tpu.sem_alloc : memref<!tpu.dma_semaphore, #tpu.memory_space<semaphore_mem>>
        %dma_start3A = arith.constant 0 : i32
        %dma_start3A_109 = tpu.memref_slice %arg6[%arg0, %run_scoped3A, %mul3A_107, %dma_start3A] : memref<2x2x5248x128xf32, #tpu.memory_space<hbm>> -> memref<1x1x128x128xf32, #tpu.memory_space<hbm>>
        %dma_start3A_110 = tpu.memref_squeeze %dma_start3A_109 : memref<1x1x128x128xf32, #tpu.memory_space<hbm>> -> memref<128x128xf32, #tpu.memory_space<hbm>>
        %dma_start3A_111 = arith.constant 0 : i32
        %dma_start3A_112 = tpu.memref_slice %arg6[%arg0, %run_scoped3A, %mul3A_107, %dma_start3A_111] : memref<2x2x5248x128xf32, #tpu.memory_space<hbm>> -> memref<1x1x128x128xf32, #tpu.memory_space<hbm>>
        %dma_start3A_113 = tpu.memref_squeeze %dma_start3A_112 : memref<1x1x128x128xf32, #tpu.memory_space<hbm>> -> memref<128x128xf32, #tpu.memory_space<hbm>>
        tpu.enqueue_dma source(%arg9 : memref<128x128xf32, #tpu.memory_space<vmem>>) target(%dma_start3A_113 : memref<128x128xf32, #tpu.memory_space<hbm>>) target_semaphore(%run_scoped3A_108 : memref<!tpu.dma_semaphore, #tpu.memory_space<semaphore_mem>>)
        %dma_wait3A = arith.constant 0 : i32
        %dma_wait3A_114 = tpu.memref_slice %arg6[%arg0, %run_scoped3A, %mul3A_107, %dma_wait3A] : memref<2x2x5248x128xf32, #tpu.memory_space<hbm>> -> memref<1x1x128x128xf32, #tpu.memory_space<hbm>>
        %dma_wait3A_115 = tpu.memref_squeeze %dma_wait3A_114 : memref<1x1x128x128xf32, #tpu.memory_space<hbm>> -> memref<128x128xf32, #tpu.memory_space<hbm>>
        %dma_wait3A_116 = arith.constant 0 : i32
        %dma_wait3A_117 = tpu.memref_slice %arg6[%arg0, %run_scoped3A, %mul3A_107, %dma_wait3A_116] : memref<2x2x5248x128xf32, #tpu.memory_space<hbm>> -> memref<1x1x128x128xf32, #tpu.memory_space<hbm>>
        %dma_wait3A_118 = tpu.memref_squeeze %dma_wait3A_117 : memref<1x1x128x128xf32, #tpu.memory_space<hbm>> -> memref<128x128xf32, #tpu.memory_space<hbm>>
        tpu.wait_dma2 semaphore(%run_scoped3A_108 : memref<!tpu.dma_semaphore, #tpu.memory_space<semaphore_mem>>) src(%arg9 : memref<128x128xf32, #tpu.memory_space<vmem>>) dst(%dma_wait3A_118 : memref<128x128xf32, #tpu.memory_space<hbm>>)
        tpu.yield
      }) : () -> ()
    } else {
    }
    %add3A_91 = arith.constant 16 : i32
    %add3A_92 = arith.addi %arg1, %add3A_91 : i32
    %lt3A_93 = arith.constant 41 : i32
    %lt3A_94 = arith.cmpi slt, %add3A_92, %lt3A_93 : i32
    %convert_element_type3A_95 = arith.extui %lt3A_94 : i1 to i32
    %cond3A_96 = arith.constant 0 : i32
    %cond3A_97 = arith.cmpi ne, %convert_element_type3A_95, %cond3A_96 : i32
    scf.if %cond3A_97 {
      %mul3A = arith.constant 128 : i32
      %mul3A_105 = arith.muli %add3A_92, %mul3A : i32
      "tpu.region"() ({
        %run_scoped3A_108 = tpu.sem_alloc : memref<!tpu.dma_semaphore, #tpu.memory_space<semaphore_mem>>
        %dma_start3A = arith.constant 0 : i32
        %dma_start3A_109 = tpu.memref_slice %arg11[%mul3A_105, %dma_start3A] : memref<5248x128xf32, #tpu.memory_space<vmem_shared>> -> memref<128x128xf32, #tpu.memory_space<vmem_shared>>
        %dma_start3A_110 = arith.constant 0 : i32
        %dma_start3A_111 = tpu.memref_slice %arg11[%mul3A_105, %dma_start3A_110] : memref<5248x128xf32, #tpu.memory_space<vmem_shared>> -> memref<128x128xf32, #tpu.memory_space<vmem_shared>>
        tpu.enqueue_dma source(%dma_start3A_111 : memref<128x128xf32, #tpu.memory_space<vmem_shared>>) target(%arg9 : memref<128x128xf32, #tpu.memory_space<vmem>>) target_semaphore(%run_scoped3A_108 : memref<!tpu.dma_semaphore, #tpu.memory_space<semaphore_mem>>)
        %dma_wait3A = arith.constant 0 : i32
        %dma_wait3A_112 = tpu.memref_slice %arg11[%mul3A_105, %dma_wait3A] : memref<5248x128xf32, #tpu.memory_space<vmem_shared>> -> memref<128x128xf32, #tpu.memory_space<vmem_shared>>
        %dma_wait3A_113 = arith.constant 0 : i32
        %dma_wait3A_114 = tpu.memref_slice %arg11[%mul3A_105, %dma_wait3A_113] : memref<5248x128xf32, #tpu.memory_space<vmem_shared>> -> memref<128x128xf32, #tpu.memory_space<vmem_shared>>
        tpu.wait_dma2 semaphore(%run_scoped3A_108 : memref<!tpu.dma_semaphore, #tpu.memory_space<semaphore_mem>>) src(%dma_wait3A_114 : memref<128x128xf32, #tpu.memory_space<vmem_shared>>) dst(%arg9 : memref<128x128xf32, #tpu.memory_space<vmem>>)
        tpu.yield
      }) : () -> ()
      %mul3A_106 = arith.constant 128 : i32
      %mul3A_107 = arith.muli %add3A_92, %mul3A_106 : i32
      %run_scoped3A = arith.constant 1 : i32
      "tpu.region"() ({
        %run_scoped3A_108 = tpu.sem_alloc : memref<!tpu.dma_semaphore, #tpu.memory_space<semaphore_mem>>
        %dma_start3A = arith.constant 0 : i32
        %dma_start3A_109 = tpu.memref_slice %arg6[%arg0, %run_scoped3A, %mul3A_107, %dma_start3A] : memref<2x2x5248x128xf32, #tpu.memory_space<hbm>> -> memref<1x1x128x128xf32, #tpu.memory_space<hbm>>
        %dma_start3A_110 = tpu.memref_squeeze %dma_start3A_109 : memref<1x1x128x128xf32, #tpu.memory_space<hbm>> -> memref<128x128xf32, #tpu.memory_space<hbm>>
        %dma_start3A_111 = arith.constant 0 : i32
        %dma_start3A_112 = tpu.memref_slice %arg6[%arg0, %run_scoped3A, %mul3A_107, %dma_start3A_111] : memref<2x2x5248x128xf32, #tpu.memory_space<hbm>> -> memref<1x1x128x128xf32, #tpu.memory_space<hbm>>
        %dma_start3A_113 = tpu.memref_squeeze %dma_start3A_112 : memref<1x1x128x128xf32, #tpu.memory_space<hbm>> -> memref<128x128xf32, #tpu.memory_space<hbm>>
        tpu.enqueue_dma source(%arg9 : memref<128x128xf32, #tpu.memory_space<vmem>>) target(%dma_start3A_113 : memref<128x128xf32, #tpu.memory_space<hbm>>) target_semaphore(%run_scoped3A_108 : memref<!tpu.dma_semaphore, #tpu.memory_space<semaphore_mem>>)
        %dma_wait3A = arith.constant 0 : i32
        %dma_wait3A_114 = tpu.memref_slice %arg6[%arg0, %run_scoped3A, %mul3A_107, %dma_wait3A] : memref<2x2x5248x128xf32, #tpu.memory_space<hbm>> -> memref<1x1x128x128xf32, #tpu.memory_space<hbm>>
        %dma_wait3A_115 = tpu.memref_squeeze %dma_wait3A_114 : memref<1x1x128x128xf32, #tpu.memory_space<hbm>> -> memref<128x128xf32, #tpu.memory_space<hbm>>
        %dma_wait3A_116 = arith.constant 0 : i32
        %dma_wait3A_117 = tpu.memref_slice %arg6[%arg0, %run_scoped3A, %mul3A_107, %dma_wait3A_116] : memref<2x2x5248x128xf32, #tpu.memory_space<hbm>> -> memref<1x1x128x128xf32, #tpu.memory_space<hbm>>
        %dma_wait3A_118 = tpu.memref_squeeze %dma_wait3A_117 : memref<1x1x128x128xf32, #tpu.memory_space<hbm>> -> memref<128x128xf32, #tpu.memory_space<hbm>>
        tpu.wait_dma2 semaphore(%run_scoped3A_108 : memref<!tpu.dma_semaphore, #tpu.memory_space<semaphore_mem>>) src(%arg9 : memref<128x128xf32, #tpu.memory_space<vmem>>) dst(%dma_wait3A_118 : memref<128x128xf32, #tpu.memory_space<hbm>>)
        tpu.yield
      }) : () -> ()
    } else {
    }
    %add3A_98 = arith.constant 32 : i32
    %add3A_99 = arith.addi %arg1, %add3A_98 : i32
    %lt3A_100 = arith.constant 41 : i32
    %lt3A_101 = arith.cmpi slt, %add3A_99, %lt3A_100 : i32
    %convert_element_type3A_102 = arith.extui %lt3A_101 : i1 to i32
    %cond3A_103 = arith.constant 0 : i32
    %cond3A_104 = arith.cmpi ne, %convert_element_type3A_102, %cond3A_103 : i32
    scf.if %cond3A_104 {
      %mul3A = arith.constant 128 : i32
      %mul3A_105 = arith.muli %add3A_99, %mul3A : i32
      "tpu.region"() ({
        %run_scoped3A_108 = tpu.sem_alloc : memref<!tpu.dma_semaphore, #tpu.memory_space<semaphore_mem>>
        %dma_start3A = arith.constant 0 : i32
        %dma_start3A_109 = tpu.memref_slice %arg11[%mul3A_105, %dma_start3A] : memref<5248x128xf32, #tpu.memory_space<vmem_shared>> -> memref<128x128xf32, #tpu.memory_space<vmem_shared>>
        %dma_start3A_110 = arith.constant 0 : i32
        %dma_start3A_111 = tpu.memref_slice %arg11[%mul3A_105, %dma_start3A_110] : memref<5248x128xf32, #tpu.memory_space<vmem_shared>> -> memref<128x128xf32, #tpu.memory_space<vmem_shared>>
        tpu.enqueue_dma source(%dma_start3A_111 : memref<128x128xf32, #tpu.memory_space<vmem_shared>>) target(%arg9 : memref<128x128xf32, #tpu.memory_space<vmem>>) target_semaphore(%run_scoped3A_108 : memref<!tpu.dma_semaphore, #tpu.memory_space<semaphore_mem>>)
        %dma_wait3A = arith.constant 0 : i32
        %dma_wait3A_112 = tpu.memref_slice %arg11[%mul3A_105, %dma_wait3A] : memref<5248x128xf32, #tpu.memory_space<vmem_shared>> -> memref<128x128xf32, #tpu.memory_space<vmem_shared>>
        %dma_wait3A_113 = arith.constant 0 : i32
        %dma_wait3A_114 = tpu.memref_slice %arg11[%mul3A_105, %dma_wait3A_113] : memref<5248x128xf32, #tpu.memory_space<vmem_shared>> -> memref<128x128xf32, #tpu.memory_space<vmem_shared>>
        tpu.wait_dma2 semaphore(%run_scoped3A_108 : memref<!tpu.dma_semaphore, #tpu.memory_space<semaphore_mem>>) src(%dma_wait3A_114 : memref<128x128xf32, #tpu.memory_space<vmem_shared>>) dst(%arg9 : memref<128x128xf32, #tpu.memory_space<vmem>>)
        tpu.yield
      }) : () -> ()
      %mul3A_106 = arith.constant 128 : i32
      %mul3A_107 = arith.muli %add3A_99, %mul3A_106 : i32
      %run_scoped3A = arith.constant 1 : i32
      "tpu.region"() ({
        %run_scoped3A_108 = tpu.sem_alloc : memref<!tpu.dma_semaphore, #tpu.memory_space<semaphore_mem>>
        %dma_start3A = arith.constant 0 : i32
        %dma_start3A_109 = tpu.memref_slice %arg6[%arg0, %run_scoped3A, %mul3A_107, %dma_start3A] : memref<2x2x5248x128xf32, #tpu.memory_space<hbm>> -> memref<1x1x128x128xf32, #tpu.memory_space<hbm>>
        %dma_start3A_110 = tpu.memref_squeeze %dma_start3A_109 : memref<1x1x128x128xf32, #tpu.memory_space<hbm>> -> memref<128x128xf32, #tpu.memory_space<hbm>>
        %dma_start3A_111 = arith.constant 0 : i32
        %dma_start3A_112 = tpu.memref_slice %arg6[%arg0, %run_scoped3A, %mul3A_107, %dma_start3A_111] : memref<2x2x5248x128xf32, #tpu.memory_space<hbm>> -> memref<1x1x128x128xf32, #tpu.memory_space<hbm>>
        %dma_start3A_113 = tpu.memref_squeeze %dma_start3A_112 : memref<1x1x128x128xf32, #tpu.memory_space<hbm>> -> memref<128x128xf32, #tpu.memory_space<hbm>>
        tpu.enqueue_dma source(%arg9 : memref<128x128xf32, #tpu.memory_space<vmem>>) target(%dma_start3A_113 : memref<128x128xf32, #tpu.memory_space<hbm>>) target_semaphore(%run_scoped3A_108 : memref<!tpu.dma_semaphore, #tpu.memory_space<semaphore_mem>>)
        %dma_wait3A = arith.constant 0 : i32
        %dma_wait3A_114 = tpu.memref_slice %arg6[%arg0, %run_scoped3A, %mul3A_107, %dma_wait3A] : memref<2x2x5248x128xf32, #tpu.memory_space<hbm>> -> memref<1x1x128x128xf32, #tpu.memory_space<hbm>>
        %dma_wait3A_115 = tpu.memref_squeeze %dma_wait3A_114 : memref<1x1x128x128xf32, #tpu.memory_space<hbm>> -> memref<128x128xf32, #tpu.memory_space<hbm>>
        %dma_wait3A_116 = arith.constant 0 : i32
        %dma_wait3A_117 = tpu.memref_slice %arg6[%arg0, %run_scoped3A, %mul3A_107, %dma_wait3A_116] : memref<2x2x5248x128xf32, #tpu.memory_space<hbm>> -> memref<1x1x128x128xf32, #tpu.memory_space<hbm>>
        %dma_wait3A_118 = tpu.memref_squeeze %dma_wait3A_117 : memref<1x1x128x128xf32, #tpu.memory_space<hbm>> -> memref<128x128xf32, #tpu.memory_space<hbm>>
        tpu.wait_dma2 semaphore(%run_scoped3A_108 : memref<!tpu.dma_semaphore, #tpu.memory_space<semaphore_mem>>) src(%arg9 : memref<128x128xf32, #tpu.memory_space<vmem>>) dst(%dma_wait3A_118 : memref<128x128xf32, #tpu.memory_space<hbm>>)
        tpu.yield
      }) : () -> ()
    } else {
    }
    return
  }
}

module attributes {stable_mosaic.version = 14 : i64} {
  func.func @_tc1_body(%arg0: i32, %arg1: i32, %arg2: memref<1x10000x128xf32, #tpu.memory_space<vmem>>, %arg3: memref<1x10000x1xf32, #tpu.memory_space<vmem>>, %arg4: memref<1x128x128xf32, #tpu.memory_space<vmem>>, %arg5: memref<1x1x10000x128xf32, #tpu.memory_space<vmem>>) attributes {dimension_semantics = [#tpu.dimension_semantics<arbitrary>, #tpu.dimension_semantics<arbitrary>], iteration_bounds = array<i64: 2, 5>, scalar_prefetch = 0 : i64, scratch_operands = 0 : i64, tpu.core_type = #tpu.core_type<tc>, window_params = [{transform_indices = @transform_0, window_bounds = array<i64: 1, 10000, 128>}, {transform_indices = @transform_1, window_bounds = array<i64: 1, 10000, 1>}, {transform_indices = @transform_2, window_bounds = array<i64: 1, 128, 128>}, {transform_indices = @transform_3, window_bounds = array<i64: 1, 1, 10000, 128>}]} {
    %get3A = arith.constant 0 : index
    %get3A_0 = arith.constant 0 : index
    %get3A_1 = arith.constant 0 : index
    %get3A_2 = vector.load %arg3[%get3A, %get3A_0, %get3A_1] : memref<1x10000x1xf32, #tpu.memory_space<vmem>>, vector<1x10000x1xf32>
    %get3A_3 = vector.shape_cast %get3A_2 : vector<1x10000x1xf32> to vector<10000x1xf32>
    %max3A = arith.constant 1.000000e+00 : f32
    %max3A_4 = vector.broadcast %max3A : f32 to vector<10000x1xf32>
    %max3A_5 = arith.maximumf %get3A_3, %max3A_4 : vector<10000x1xf32>
    %rsqrt3A = math.rsqrt %max3A_5 : vector<10000x1xf32>
    %get3A_6 = arith.constant 0 : index
    %get3A_7 = arith.constant 0 : index
    %get3A_8 = arith.constant 0 : index
    %get3A_9 = vector.load %arg2[%get3A_6, %get3A_7, %get3A_8] : memref<1x10000x128xf32, #tpu.memory_space<vmem>>, vector<1x10000x128xf32>
    %get3A_10 = vector.shape_cast %get3A_9 : vector<1x10000x128xf32> to vector<10000x128xf32>
    %mul3A = vector.broadcast %rsqrt3A : vector<10000x1xf32> to vector<10000x128xf32>
    %mul3A_11 = arith.mulf %get3A_10, %mul3A : vector<10000x128xf32>
    %get3A_12 = arith.constant 0 : index
    %get3A_13 = arith.constant 0 : index
    %get3A_14 = arith.constant 0 : index
    %get3A_15 = vector.load %arg4[%get3A_12, %get3A_13, %get3A_14] : memref<1x128x128xf32, #tpu.memory_space<vmem>>, vector<1x128x128xf32>
    %get3A_16 = vector.shape_cast %get3A_15 : vector<1x128x128xf32> to vector<128x128xf32>
    %dot_general3A = arith.constant dense<0.000000e+00> : vector<10000x128xf32>
    %dot_general3A_17 = tpu.matmul %mul3A_11, %get3A_16, %dot_general3A {dimension_numbers = #tpu.dot_dimension_numbers<[1], [0], [0], [1], [0, 0, 1, 1], [], []>, transpose_lhs_hint = false} : vector<10000x128xf32>, vector<128x128xf32>, vector<10000x128xf32> -> vector<10000x128xf32>
    %swap3A = arith.constant 0 : index
    %swap3A_18 = arith.constant 0 : index
    %swap3A_19 = arith.constant 0 : index
    %swap3A_20 = arith.constant 0 : index
    %swap3A_21 = vector.load %arg5[%swap3A, %swap3A_18, %swap3A_19, %swap3A_20] : memref<1x1x10000x128xf32, #tpu.memory_space<vmem>>, vector<1x1x10000x128xf32>
    %swap3A_22 = vector.shape_cast %swap3A_21 : vector<1x1x10000x128xf32> to vector<10000x128xf32>
    %swap3A_23 = vector.shape_cast %dot_general3A_17 : vector<10000x128xf32> to vector<1x1x10000x128xf32>
    tpu.vector_store %arg5[%swap3A, %swap3A_18, %swap3A_19, %swap3A_20], %swap3A_23 {strides = array<i32>} : memref<1x1x10000x128xf32, #tpu.memory_space<vmem>>, vector<1x1x10000x128xf32>,
    return
  }
  func.func @transform_0(%arg0: i32, %arg1: i32) -> (i32, i32, i32) {
    %c0_i32 = arith.constant 0 : i32
    %c0_i32_0 = arith.constant 0 : i32
    %c0_i32_1 = arith.constant 0 : i32
    return %arg0, %c0_i32, %c0_i32_0 : i32, i32, i32
  }
  func.func @transform_1(%arg0: i32, %arg1: i32) -> (i32, i32, i32) {
    %c0_i32 = arith.constant 0 : i32
    %c0_i32_0 = arith.constant 0 : i32
    %c0_i32_1 = arith.constant 0 : i32
    return %arg0, %c0_i32, %c0_i32_0 : i32, i32, i32
  }
  func.func @transform_2(%arg0: i32, %arg1: i32) -> (i32, i32, i32) {
    %c0_i32 = arith.constant 0 : i32
    %c0_i32_0 = arith.constant 0 : i32
    %c0_i32_1 = arith.constant 0 : i32
    return %arg1, %c0_i32, %c0_i32_0 : i32, i32, i32
  }
  func.func @transform_3(%arg0: i32, %arg1: i32) -> (i32, i32, i32, i32) {
    %c0_i32 = arith.constant 0 : i32
    %c0_i32_0 = arith.constant 0 : i32
    %c0_i32_1 = arith.constant 0 : i32
    return %arg0, %arg1, %c0_i32, %c0_i32_0 : i32, i32, i32, i32
  }
}

module attributes {stable_mosaic.version = 14 : i64} {
  func.func @_tc2_body(%arg0: i32, %arg1: memref<1x10240x128xf32, #tpu.memory_space<vmem>>, %arg2: memref<1x10000x1xf32, #tpu.memory_space<vmem>>, %arg3: memref<1x128x64xf32, #tpu.memory_space<vmem>>, %arg4: memref<1x1x64xf32, #tpu.memory_space<vmem>>, %arg5: memref<1x10000x64xf32, #tpu.memory_space<vmem>>) attributes {dimension_semantics = [#tpu.dimension_semantics<arbitrary>], iteration_bounds = array<i64: 2>, scalar_prefetch = 0 : i64, scratch_operands = 0 : i64, tpu.core_type = #tpu.core_type<tc>, window_params = [{transform_indices = @transform_0, window_bounds = array<i64: 1, 10240, 128>}, {transform_indices = @transform_1, window_bounds = array<i64: 1, 10000, 1>}, {transform_indices = @transform_2, window_bounds = array<i64: 1, 128, 64>}, {transform_indices = @transform_3, window_bounds = array<i64: 1, 1, 64>}, {transform_indices = @transform_4, window_bounds = array<i64: 1, 10000, 64>}]} {
    %get3A = arith.constant 0 : index
    %get3A_0 = arith.constant 0 : index
    %get3A_1 = arith.constant 0 : index
    %get3A_2 = vector.load %arg2[%get3A, %get3A_0, %get3A_1] : memref<1x10000x1xf32, #tpu.memory_space<vmem>>, vector<1x10000x1xf32>
    %get3A_3 = vector.shape_cast %get3A_2 : vector<1x10000x1xf32> to vector<10000x1xf32>
    %max3A = arith.constant 1.000000e+00 : f32
    %max3A_4 = vector.broadcast %max3A : f32 to vector<10000x1xf32>
    %max3A_5 = arith.maximumf %get3A_3, %max3A_4 : vector<10000x1xf32>
    %rsqrt3A = math.rsqrt %max3A_5 : vector<10000x1xf32>
    %get3A_6 = arith.constant 0 : index
    %get3A_7 = arith.constant 0 : index
    %get3A_8 = arith.constant 0 : index
    %get3A_9 = vector.load %arg1[%get3A_6, %get3A_7, %get3A_8] : memref<1x10240x128xf32, #tpu.memory_space<vmem>>, vector<1x10000x128xf32>
    %get3A_10 = vector.shape_cast %get3A_9 : vector<1x10000x128xf32> to vector<10000x128xf32>
    %mul3A = vector.broadcast %rsqrt3A : vector<10000x1xf32> to vector<10000x128xf32>
    %mul3A_11 = arith.mulf %get3A_10, %mul3A : vector<10000x128xf32>
    %mul3A_12 = arith.constant 1.000000e-01 : f32
    %mul3A_13 = vector.broadcast %mul3A_12 : f32 to vector<10000x128xf32>
    %mul3A_14 = arith.mulf %mul3A_13, %mul3A_11 : vector<10000x128xf32>
    %max3A_15 = arith.maximumf %mul3A_11, %mul3A_14 : vector<10000x128xf32>
    %get3A_16 = arith.constant 0 : index
    %get3A_17 = arith.constant 0 : index
    %get3A_18 = arith.constant 0 : index
    %get3A_19 = vector.load %arg3[%get3A_16, %get3A_17, %get3A_18] : memref<1x128x64xf32, #tpu.memory_space<vmem>>, vector<1x128x64xf32>
    %get3A_20 = vector.shape_cast %get3A_19 : vector<1x128x64xf32> to vector<128x64xf32>
    %dot_general3A = arith.constant dense<0.000000e+00> : vector<10000x64xf32>
    %dot_general3A_21 = tpu.matmul %max3A_15, %get3A_20, %dot_general3A {dimension_numbers = #tpu.dot_dimension_numbers<[1], [0], [0], [1], [0, 0, 1, 1], [], []>, transpose_lhs_hint = false} : vector<10000x128xf32>, vector<128x64xf32>, vector<10000x64xf32> -> vector<10000x64xf32>
    %get3A_22 = arith.constant 0 : index
    %get3A_23 = arith.constant 0 : index
    %get3A_24 = arith.constant 0 : index
    %get3A_25 = vector.load %arg4[%get3A_22, %get3A_23, %get3A_24] : memref<1x1x64xf32, #tpu.memory_space<vmem>>, vector<1x1x64xf32>
    %get3A_26 = vector.shape_cast %get3A_25 : vector<1x1x64xf32> to vector<1x64xf32>
    %add3A = vector.broadcast %get3A_26 : vector<1x64xf32> to vector<10000x64xf32>
    %add3A_27 = arith.addf %dot_general3A_21, %add3A : vector<10000x64xf32>
    %swap3A = arith.constant 0 : index
    %swap3A_28 = arith.constant 0 : index
    %swap3A_29 = arith.constant 0 : index
    %swap3A_30 = vector.load %arg5[%swap3A, %swap3A_28, %swap3A_29] : memref<1x10000x64xf32, #tpu.memory_space<vmem>>, vector<1x10000x64xf32>
    %swap3A_31 = vector.shape_cast %swap3A_30 : vector<1x10000x64xf32> to vector<10000x64xf32>
    %swap3A_32 = vector.shape_cast %add3A_27 : vector<10000x64xf32> to vector<1x10000x64xf32>
    tpu.vector_store %arg5[%swap3A, %swap3A_28, %swap3A_29], %swap3A_32 {strides = array<i32>} : memref<1x10000x64xf32, #tpu.memory_space<vmem>>, vector<1x10000x64xf32>,
    return
  }
  func.func @transform_0(%arg0: i32) -> (i32, i32, i32) {
    %c0_i32 = arith.constant 0 : i32
    %c0_i32_0 = arith.constant 0 : i32
    %c0_i32_1 = arith.constant 0 : i32
    return %arg0, %c0_i32, %c0_i32_0 : i32, i32, i32
  }
  func.func @transform_1(%arg0: i32) -> (i32, i32, i32) {
    %sub3A = arith.constant 1 : i32
    %sub3A_0 = arith.subi %sub3A, %arg0 : i32
    %c0_i32 = arith.constant 0 : i32
    %c0_i32_1 = arith.constant 0 : i32
    %c0_i32_2 = arith.constant 0 : i32
    return %sub3A_0, %c0_i32, %c0_i32_1 : i32, i32, i32
  }
  func.func @transform_2(%arg0: i32) -> (i32, i32, i32) {
    %c0_i32 = arith.constant 0 : i32
    %c0_i32_0 = arith.constant 0 : i32
    %c0_i32_1 = arith.constant 0 : i32
    return %arg0, %c0_i32, %c0_i32_0 : i32, i32, i32
  }
  func.func @transform_3(%arg0: i32) -> (i32, i32, i32) {
    %c0_i32 = arith.constant 0 : i32
    %c0_i32_0 = arith.constant 0 : i32
    %c0_i32_1 = arith.constant 0 : i32
    return %arg0, %c0_i32, %c0_i32_0 : i32, i32, i32
  }
  func.func @transform_4(%arg0: i32) -> (i32, i32, i32) {
    %c0_i32 = arith.constant 0 : i32
    %c0_i32_0 = arith.constant 0 : i32
    %c0_i32_1 = arith.constant 0 : i32
    return %arg0, %c0_i32, %c0_i32_0 : i32, i32, i32
  }
}

module attributes {stable_mosaic.version = 14 : i64} {
  func.func @_tc3_body(%arg0: memref<16384x64xf32, #tpu.memory_space<vmem>>, %arg1: memref<16384x64xf32, #tpu.memory_space<vmem>>, %arg2: memref<2x64x64xf32, #tpu.memory_space<vmem>>, %arg3: memref<2x5xf32, #tpu.memory_space<vmem>>, %arg4: memref<16384x5xf32, #tpu.memory_space<vmem>>) attributes {dimension_semantics = [], scalar_prefetch = 0 : i64, scratch_operands = 0 : i64, tpu.core_type = #tpu.core_type<tc>} {
    %get3A = arith.constant 0 : index
    %get3A_0 = arith.constant 0 : index
    %get3A_1 = vector.load %arg0[%get3A, %get3A_0] : memref<16384x64xf32, #tpu.memory_space<vmem>>, vector<16384x64xf32>
    %get3A_2 = arith.constant 0 : index
    %get3A_3 = arith.constant 0 : index
    %get3A_4 = vector.load %arg1[%get3A_2, %get3A_3] : memref<16384x64xf32, #tpu.memory_space<vmem>>, vector<16384x64xf32>
    %get3A_5 = arith.constant 0 : index
    %get3A_6 = arith.constant 0 : index
    %get3A_7 = arith.constant 0 : index
    %get3A_8 = vector.load %arg2[%get3A_5, %get3A_6, %get3A_7] : memref<2x64x64xf32, #tpu.memory_space<vmem>>, vector<1x64x64xf32>
    %get3A_9 = vector.shape_cast %get3A_8 : vector<1x64x64xf32> to vector<64x64xf32>
    %dot_general3A = arith.constant dense<0.000000e+00> : vector<16384x64xf32>
    %dot_general3A_10 = tpu.matmul %get3A_1, %get3A_9, %dot_general3A {dimension_numbers = #tpu.dot_dimension_numbers<[1], [0], [0], [1], [0, 0, 1, 1], [], []>, transpose_lhs_hint = false} : vector<16384x64xf32>, vector<64x64xf32>, vector<16384x64xf32> -> vector<16384x64xf32>
    %mul3A = arith.mulf %dot_general3A_10, %get3A_4 : vector<16384x64xf32>
    %reduce_sum3A = arith.constant dense<0.000000e+00> : vector<16384xf32>
    %reduce_sum3A_11 = vector.multi_reduction <add>, %mul3A, %reduce_sum3A [1] : vector<16384x64xf32> to vector<16384xf32>
    %broadcast_in_dim3A = vector.shape_cast %reduce_sum3A_11 : vector<16384xf32> to vector<16384x1xf32>
    %get3A_12 = arith.constant 1 : index
    %get3A_13 = arith.constant 0 : index
    %get3A_14 = arith.constant 0 : index
    %get3A_15 = vector.load %arg2[%get3A_12, %get3A_13, %get3A_14] : memref<2x64x64xf32, #tpu.memory_space<vmem>>, vector<1x64x64xf32>
    %get3A_16 = vector.shape_cast %get3A_15 : vector<1x64x64xf32> to vector<64x64xf32>
    %dot_general3A_17 = arith.constant dense<0.000000e+00> : vector<16384x64xf32>
    %dot_general3A_18 = tpu.matmul %get3A_1, %get3A_16, %dot_general3A_17 {dimension_numbers = #tpu.dot_dimension_numbers<[1], [0], [0], [1], [0, 0, 1, 1], [], []>, transpose_lhs_hint = false} : vector<16384x64xf32>, vector<64x64xf32>, vector<16384x64xf32> -> vector<16384x64xf32>
    %mul3A_19 = arith.mulf %dot_general3A_18, %get3A_4 : vector<16384x64xf32>
    %reduce_sum3A_20 = arith.constant dense<0.000000e+00> : vector<16384xf32>
    %reduce_sum3A_21 = vector.multi_reduction <add>, %mul3A_19, %reduce_sum3A_20 [1] : vector<16384x64xf32> to vector<16384xf32>
    %broadcast_in_dim3A_22 = vector.shape_cast %reduce_sum3A_21 : vector<16384xf32> to vector<16384x1xf32>
    %get3A_23 = arith.constant 0 : index
    %get3A_24 = arith.constant 0 : index
    %get3A_25 = vector.load %arg3[%get3A_23, %get3A_24] : memref<2x5xf32, #tpu.memory_space<vmem>>, vector<1x5xf32>
    %mul3A_26 = vector.broadcast %broadcast_in_dim3A : vector<16384x1xf32> to vector<16384x5xf32>
    %mul3A_27 = vector.broadcast %get3A_25 : vector<1x5xf32> to vector<16384x5xf32>
    %mul3A_28 = arith.mulf %mul3A_26, %mul3A_27 : vector<16384x5xf32>
    %get3A_29 = arith.constant 1 : index
    %get3A_30 = arith.constant 0 : index
    %get3A_31 = vector.load %arg3[%get3A_29, %get3A_30] : memref<2x5xf32, #tpu.memory_space<vmem>>, vector<1x5xf32>
    %mul3A_32 = vector.broadcast %broadcast_in_dim3A_22 : vector<16384x1xf32> to vector<16384x5xf32>
    %mul3A_33 = vector.broadcast %get3A_31 : vector<1x5xf32> to vector<16384x5xf32>
    %mul3A_34 = arith.mulf %mul3A_32, %mul3A_33 : vector<16384x5xf32>
    %add3A = arith.addf %mul3A_28, %mul3A_34 : vector<16384x5xf32>
    %swap3A = arith.constant 0 : index
    %swap3A_35 = arith.constant 0 : index
    %swap3A_36 = vector.load %arg4[%swap3A, %swap3A_35] : memref<16384x5xf32, #tpu.memory_space<vmem>>, vector<16384x5xf32>
    tpu.vector_store %arg4[%swap3A, %swap3A_35], %add3A {strides = array<i32>} : memref<16384x5xf32, #tpu.memory_space<vmem>>, vector<16384x5xf32>,
    return
  }
}

</mosaic_0001>

<sc_bundles>
// kernel: kernel.11.cloned.1.call-start
scs
__scs_entry_jumppad:
0x0: {  	(pc) =	sbr.rel $0x88, $3  }
0x1: {  	(tag) =	ssettag $0x0;
	lr =	simm.s32 $0x1  }
0x2: {  	[smem:$0x3F94] =	sst lr;
	_ =	strace $0xD0000000  }
0x3: {  	_ = 	snop  }
0x4: {  	_ = 	snop  }
0x5: {  	_ = 	snop  }
0x6: {  	_ = 	snop  }
0x7: {  	_ = 	snop  }
__scs_overlays_trampoline_lowered:
0x8: {  	[smem:$0x3FA3] =	sst s0  }
0x9: {  	[smem:$0x3FA4] =	sst s1  }
0xa: {  	[smem:$0x3FA5] =	sst s2  }
0xb: {  	[smem:$0x3FA6] =	sst s3  }
0xc: {  	[smem:$0x3FA7] =	sst s4  }
0xd: {  	[smem:$0x3FA8] =	sst s5  }
0xe: {  	[smem:$0x3FA9] =	sst s6  }
0xf: {  	[smem:$0x3FAA] =	sst s7  }
0x10: {  	[smem:$0x3FAB] =	sst s8  }
0x11: {  	[smem:$0x3FAC] =	sst s9;
	s0 =	simm.s32 @!p0 $0x0  }
0x12: {  	s1 =	sld [smem:$0x3F92];
	s0 =	simm.s32 @p0 $0x1  }
0x13: {  	[smem:$0x3FAD] =	sst s0;
	s0 =	simm.s32 @!p1 $0x0  }
0x14: {  	s2 =	sld [smem:$0x3F91];
	s0 =	simm.s32 @p1 $0x1  }
0x15: {  	[smem:$0x3FAE] =	sst s0;
	s0 =	simm.s32 @!p2 $0x0  }
0x16: {  	s3 =	sld [smem:$0x3FDB];
	s0 =	simm.s32 @p2 $0x1  }
0x17: {  	s4 =	simm.s32 $0x1BF5;
	[smem:$0x3FB0] =	sst s0  }
0x18: {  	s0 =	sld [smem:$0x3F93];
	_ =	swait.ge [sflag:s4], $0x0  }
0x19: {  	s7 =	sld [smem:$0x3F94]  }
0x1a: {  	s8 =	sadd.s32 $0xFFFFE003, lr  }
0x1b: {  	s9 =	sadd.s32 $0xFFFFFEF7, lr;
	s5 =	simm.s32 $0xFFFFFFFF;
	p2 =	slt.u32 s8, $0xFFFFF086  }
0x1c: {  	p1 =	slt.u32 s9, $0xF7A;
	s5 =	simm.s32 @!p2 $0x0  }
0x1d: {  	s5 =	simm.s32 @p1 $0x1;
	p0 =	seq.s32 s7, s2  }
0x1e: {  	s7 =	smul.u32 @!p0 $0xF7A, s2;
	p2 =	seq.s32 @!p0 s5, $0x0  }
0x1f: {  	s9 =	smul.u32 $0xF7A, s1;
	s8 =	simm.s32 @!p0 $0x1BF5;
	p2 =	por !p2, p0  }
0x20: {  	[sflag:s8] =	ssyncset.s32 @!p0 $0xFFFFF086;
	s6 =	sadd.s32 @!p0 s3, s7;
	s7 =	simm.s32 @!p0 $0x108  }
0x21: {  	s3 =	sadd.s32 s3, s9;
	s6 =	sadd.s32 @!p0 $0x88, s6;
	s7 =	simm.s32 @p2 $0x1082  }
0x22: {  	[simem:s7], [sflag:s8] =	dma.local @!p0 [hbm:s6], $0xF7A  }
0x23: {  	s9 =	sor.u32 $0xD0000000, s2;
	s6 =	simm.s32 $0x108;
	_ =	swait.ge @!p0 [sflag:s8], $0x0  }
0x24: {  	s3 =	sadd.s32 $0x88, s3;
	s6 =	simm.s32 @!p1 $0x1082;
	[sflag:s4] =	ssyncset.s32 $0xFFFFF086  }
0x25: {  	[simem:s6], [sflag:s4] =	dma.local [hbm:s3], $0xF7A  }
0x26: {  	[smem:$0x3F94] =	sst s1;
	(tag) =	ssettag s2;
	_ =	strace s9  }
0x27: {  	s1 =	sld [smem:$0x3FA4]  }
0x28: {  	s2 =	sld [smem:$0x3FA5]  }
0x29: {  	s4 =	sld [smem:$0x3FA7]  }
0x2a: {  	p0 =	seq.s32 s5, $0x0;
	s5 =	sld [smem:$0x3FA8]  }
0x2b: {  	s6 =	sld [smem:$0x3FA9]  }
0x2c: {  	s7 =	sld [smem:$0x3FAA]  }
0x2d: {  	s3 =	simm.s32 $0x108;
	s8 =	sld [smem:$0x3FAB]  }
0x2e: {  	s3 =	simm.s32 @!p0 $0x1082;
	s9 =	sld [smem:$0x3FAC]  }
0x2f: {  	lr =	sadd.s32 s0, s3;
	s0 =	sld [smem:$0x3FA3]  }
0x30: {  	s3 =	sld [smem:$0x3FA6]  }
0x31: {  	[smem:$0x3FAF] =	sst s10  }
0x32: {  	s10 =	sld [smem:$0x3FAD];
	_ =	sdelay $0x3  }
0x33: {  	p0 =	seq.s32 s10, $0x1;
	s10 =	sld [smem:$0x3FAF];
	_ =	sdelay $0x3  }
0x34: {  	[smem:$0x3FAF] =	sst s10  }
0x35: {  	s10 =	sld [smem:$0x3FAE];
	_ =	sdelay $0x3  }
0x36: {  	p1 =	seq.s32 s10, $0x1;
	s10 =	sld [smem:$0x3FAF];
	_ =	sdelay $0x3  }
0x37: {  	[smem:$0x3FAF] =	sst s10  }
0x38: {  	s10 =	sld [smem:$0x3FB0]  }
0x39: {  	_ = 	snop;
	(pc) =	sbr.ind lr, $3  }
0x3a: {  	_ = 	snop  }
0x3b: {  	_ = 	snop  }
0x3c: {  	p2 =	seq.s32 s10, $0x1;
	s10 =	sld [smem:$0x3FAF]  }
0x3d: {  	_ =	shalt  }
0x3e: {  	_ =	shalt  }
0x3f: {  	_ =	shalt  }
0x40: {  	_ =	shalt  }
0x41: {  	_ =	shalt  }
0x42: {  	_ =	shalt  }
0x43: {  	_ =	shalt  }
0x44: {  	_ =	shalt  }
0x45: {  	_ =	shalt  }
0x46: {  	_ =	shalt  }
0x47: {  	_ =	shalt  }
0x48: {  	_ =	shalt  }
0x49: {  	_ =	shalt  }
0x4a: {  	_ =	shalt  }
0x4b: {  	_ =	shalt  }
0x4c: {  	_ =	shalt  }
0x4d: {  	_ =	shalt  }
0x4e: {  	_ =	shalt  }
0x4f: {  	_ =	shalt  }
0x50: {  	_ =	shalt  }
0x51: {  	_ =	shalt  }
0x52: {  	_ =	shalt  }
0x53: {  	_ =	shalt  }
0x54: {  	_ =	shalt  }
0x55: {  	_ =	shalt  }
0x56: {  	_ =	shalt  }
0x57: {  	_ =	shalt  }
0x58: {  	_ =	shalt  }
0x59: {  	_ =	shalt  }
0x5a: {  	_ =	shalt  }
0x5b: {  	_ =	shalt  }
0x5c: {  	_ =	shalt  }
0x5d: {  	_ =	shalt  }
0x5e: {  	_ =	shalt  }
0x5f: {  	_ =	shalt  }
0x60: {  	_ =	shalt  }
0x61: {  	_ =	shalt  }
0x62: {  	_ =	shalt  }
0x63: {  	_ =	shalt  }
0x64: {  	_ =	shalt  }
0x65: {  	_ =	shalt  }
0x66: {  	_ =	shalt  }
0x67: {  	_ =	shalt  }
0x68: {  	_ =	shalt  }
0x69: {  	_ =	shalt  }
0x6a: {  	_ =	shalt  }
0x6b: {  	_ =	shalt  }
0x6c: {  	_ =	shalt  }
0x6d: {  	_ =	shalt  }
0x6e: {  	_ =	shalt  }
0x6f: {  	_ =	shalt  }
0x70: {  	_ =	shalt  }
0x71: {  	_ =	shalt  }
0x72: {  	_ =	shalt  }
0x73: {  	_ =	shalt  }
0x74: {  	_ =	shalt  }
0x75: {  	_ =	shalt  }
0x76: {  	_ =	shalt  }
0x77: {  	_ =	shalt  }
0x78: {  	_ =	shalt  }
0x79: {  	_ =	shalt  }
0x7a: {  	_ =	shalt  }
0x7b: {  	_ =	shalt  }
0x7c: {  	_ =	shalt  }
0x7d: {  	_ =	shalt  }
0x7e: {  	_ =	shalt  }
0x7f: {  	_ =	shalt  }
0x80: {  	_ =	shalt  }
0x81: {  	_ =	shalt  }
0x82: {  	_ =	shalt  }
0x83: {  	_ =	shalt  }
0x84: {  	_ =	shalt  }
0x85: {  	_ =	shalt  }
0x86: {  	_ =	shalt  }
0x87: {  	_ =	shalt  }
.Lfunc_end0:
.L_simem_size_0:
called_computation.1_lowered:
.L_overlay_start_0:
0x88: {  	s2 =	sld [smem:$0x3FD9]  }
0x89: {  	s3 =	sld [smem:$0x3FFE];
	_ =	sdelay $0x1  }
0x8a: {  	s1 =	srdreg.scid  }
0x8b: {  	s0 =	sand.u32 $0x1, s1  }
0x8c: {  	s16 =	sshll.u32 s0, $0xA;
	s2 =	sadd.s32 s3, s2  }
0x8d: {  	s2 =	sadd.s32 s2, s16  }
0x8e: {  	[smem:$0x3FBB] =	sst s2  }
0x8f: {  	_ = 	snop  }
0x90: {  	(tm) =	ssettm $0x1  }
0x91: {  	s17 =	sld [smem:$0x3FFB];
	_ =	sdelay $0x3  }
0x92: {  	_ =	strace s17  }
0x93: {  	s2 =	sld [smem:$0x3FFC];
	_ =	sdelay $0x3  }
0x94: {  	_ =	strace s2  }
0x95: {  	s2 =	sld [smem:$0x3FFD];
	_ =	sdelay $0x3  }
0x96: {  	_ =	strace s2  }
0x97: {  	_ =	strace $0x8FFFFFFF  }
0x98: {  	s18 =	sld [smem:$0x3FDB];
	_ =	sdelay $0x1  }
0x99: {  	s19 =	simm.s32 $_scs_section_size  }
0x9a: {  	s4 =	simm.s32 $_size__tile_overlayer_lowered;
	s5 =	simm.s32 $_tile_overlayer_lowered  }
0x9b: {  	s22 =	simm.s32 $0x1BFF;
	s21 =	sshll.u32 s5, $0x1;
	s2 =	sadd.s32 s19, s18  }
0x9c: {  	s6 =	simm.s32 $0x0;
	s20 =	sshll.u32 s4, $0x1;
	s4 =	sadd.s32 s21, s2  }
0x9d: {  	[timem:s6], [sflag:s22] =	dma.local [hbm:s4], s20  }
0x9e: {  	_ =	swait.ge [sflag:s22], s20  }
0x9f: {  	s3 =	ssub.s32 $0x0, s20;
	[sflag:s22] =	ssyncset.done $0x0  }
0xa0: {  	[sflag:s22] =	ssyncadd.s32 s3;
	_ =	sdelay $0x1  }
0xa1: {  	s23 =	simm.s32 $0x1B8B  }
0xa2: {  	_ =	swait.ge [sflag:s23], $0x1  }
0xa3: {  	[sflag:s23] =	ssyncset.done $0x0  }
0xa4: {  	s25 =	simm.s32 $0x1B8E;
	s24 =	sld [smem:$0x3FFE];
	[sflag:s23] =	ssyncadd.s32 $0xFFFFFFFF  }
0xa5: {  	s26 =	simm.s32 $execute0_lowered;
	[smem:$0x3FD2] =	sst s25  }
0xa6: {  	s4 =	sshll.u32 s26, $0x1;
	_ =	strace $0x80000049;
	[dreg:$0x1] =	wrdreg $0xFFFFFFFF  }
0xa7: {  	s28 =	simm.s32 $_size_execute0_lowered;
	s2 =	sadd.s32 s2, s4;
	[dreg:$0x0] =	wrdreg $0x0  }
0xa8: {  	s4 =	sshll.u32 s28, $0x1;
	[dreg:$0x2] =	wrdreg s2  }
0xa9: {  	[dreg:$0x3] =	wrdreg s4  }
0xaa: {  	[dreg:$0x4] =	wrdreg $0xC0  }
0xab: {  	_ =	task [dreg:s6], $0x5FFFF  }
0xac: {  	[dreg:$0x1] =	wrdreg $0xFFFFFFFF  }
0xad: {  	[dreg:$0x0] =	wrdreg $0x60  }
0xae: {  	[dreg:$0x2] =	wrdreg s24  }
0xaf: {  	[dreg:$0x3] =	wrdreg $0x120000  }
0xb0: {  	[dreg:$0x4] =	wrdreg $0x9  }
0xb1: {  	_ =	task.clear_ibuf [dreg:s6], $0x5FFFF;
	_ =	strace $0x90000049  }
0xb2: {  	s29 =	simm.s32 $0x9;
	_ =	strace $0x8000004B  }
0xb3: {  	_ =	swait.ge [sflag:s29], $0x1  }
0xb4: {  	[sflag:s29] =	ssyncadd.s32 $0xFFFFFFFF  }
0xb5: {  	_ =	strace $0x9000004B  }
0xb6: {  	_ =	sfence  }
0xb7: {  	s30 =	sld [smem:$0x0];
	_ =	sdelay $0x2  }
0xb8: {  	s31 =	sshll.u32 s1, $0xD;
	s1 =	sshrl.u32 s1, $0x2  }
0xb9: {  	s3 =	sand.u32 $0x4000, s31;
	s1 =	sadd.s32 s1, s30  }
0xba: {  	s0 =	sor.u32 s3, s0;
	s1 =	sshll.u32 s1, $0x11  }
0xbb: {  	s0 =	sor.u32 s1, s0  }
0xbc: {  	s0 =	sadd.s32 $0x8F2B, s0  }
0xbd: {  	[sflag:s0] =	ssyncadd.remote.s32 $0x1  }
0xbe: {  	_ =	sfence.sel $0xFFFF  }
0xbf: {  	[dreg:$0x0] =	wrdreg $0xFFFFFFFF;
	(pc) =	sbr.abs _section_cstart, $3  }
0xc0: {  	[dreg:$0x1] =	wrdreg $0xFFFFFFFF  }
0xc1: {  	_ =	task.clear_ibuf [dreg:s6], $0x2FFFF;
	_ =	strace $0x9FFFFFFF  }
0xc2: {  	(tm) =	ssettm $0x7FFFFFFF  }
0xc3: {  	_ =	shalt  }
tec
execute0_lowered:
.L_overlay_start_1:
0x0: {  	(tag) =	ssettag $0x1  }
0x1: {  	s5 =	rddreg [dreg:$0x0]  }
0x2: {  	s2 =	rddreg [dreg:$0x1]  }
0x3: {  	s0 =	srdreg.scid;
	s1 =	rddreg [dreg:$0x2];
	s3 =	simm.s32 $0x0  }
0x4: {  	s18 =	simm.s32 $0xE000;
	s19 =	simm.s32 $0x2;
	s20 =	simm.s32 $0x5000  }
0x5: {  	s21 =	simm.s32 $0x80;
	s22 =	simm.s32 $0xA000;
	s23 =	simm.s32 $0x1  }
0x6: {  	s24 =	simm.s32 $0x0;
	s6 =	sand.u32 $0x1, s0;
	s0 =	stileid.u32  }
0x7: {  	[smem:$0x7FF] =	sst s3;
	s12 =	sadd.s32 $0x1D9800, s5;
	s4 =	smul.u32 $0x50000, s6  }
0x8: {  	s7 =	smul.u32 $0x5000, s0;
	_ =	strace $0x8000004A;
	s8 =	ssub.s32 $0x2, s6  }
0x9: {  	s10 =	sshll.u32 s0, $0xE;
	s15 =	smul.u32 $0x148000, s6;
	p0 =	sgt.u32 s0, $0x8  }
0xa: {  	s31 =	sshrl.u32 s8, $0x1;
	s11 =	sor.u32 $0x40000, s10;
	s14 =	sor.u32 $0x80000, s10  }
0xb: {  	s4 =	sadd.s32 s7, s4;
	s17 =	ssub.s32 s8, s31;
	s6 =	sadd.s32 s11, s2  }
0xc: {  	s11 =	sadd.s32 s15, s11;
	s7 =	sshrl.u32 s4, $0x3;
	s4 =	sadd.s32 $0x52E00, s5  }
0xd: {  	s11 =	sshrl.u32 s11, $0x3;
	s17 =	smax.u32 s17, $0x1;
	s13 =	sadd.s32 s7, s5  }
0xe: {  	s5 =	sadd.s32 s10, s2;
	s7 =	sadd.s32 s14, s2;
	s10 =	sadd.s32 s10, s15  }
0xf: {  	s14 =	sadd.s32 s15, s14;
	s11 =	sadd.s32 s12, s11;
	s8 =	sadd.s32 $0x3EE00, s13  }
0x10: {  	s9 =	sadd.s32 $0x2AE00, s13;
	s10 =	sshrl.u32 s10, $0x3;
	s14 =	sshrl.u32 s14, $0x3  }
0x11: {  	s13 =	sadd.s32 $0x16E00, s13;
	s10 =	sadd.s32 s12, s10;
	s12 =	sadd.s32 s12, s14  }
0x12: {  	v0 =	vimm.f32 $0.0e+00;
	s15 =	sadd.s32 $0x14800, s11;
	s14 =	sadd.s32 $0x14800, s10;
	s16 =	sadd.s32 $0x14800, s12  }
.LBB2_1:
0x13: {  	s25 =	sand.u32 $0xFE00, s3  }
0x14: {  	s26 =	sand.u32 $0x70, s3;
	s28 =	sshrl.u32 s25, $0x2  }
0x15: {  	s25 =	simm.s32 $0x40;
	s28 =	sor.u32 s26, s28;
	s26 =	simm.s32 $0x0  }
.LBB2_2:
0x16: {  	p1 =	sne.s32 s25, $0xFFC0  }
0x17: {  	[tilespmem:s28+$0xE000] =	vst v0;
	s26 =	sadd.s32 $0x10, s26;
	s28 =	smov.u32 s25;
	s25 =	sadd.s32 $0x40, s25  }
.Ltmp0:
0x18: {  	(pc) =	sbr.rel @p1 .LBB2_2-.Ltmp0, $4  }
0x19: {  	_ = 	snop  }
0x1a: {  	s28 =	sand.u32 $0xFE00, s28  }
0x1b: {  	s29 =	sand.u32 $0x70, s26;
	s28 =	sshrl.u32 s28, $0x2  }
0x1c: {  	s28 =	sor.u32 s29, s28  }
0x1d: {  	[tilespmem:s28+$0xE000] =	vst v0  }
0x1e: {  	[spmem:s5] =	stream.linear.scatter [tilespmem:s18], [sflag:$0x2], $0x4000, $0x38;
	[tilespmem:$0x1C400] =	vst v63  }
0x1f: {  	_ =	swait.ge [sflag:s19], $0x4000  }
0x20: {  	[sflag:s19] =	ssyncset.done $0x0  }
0x21: {  	[sflag:s19] =	ssyncadd.s32 $0xFFFFC000  }
0x22: {  	[spmem:s6] =	stream.linear.scatter [tilespmem:s18], [sflag:$0x2], $0x4000, $0x38;
	[tilespmem:$0x1C400] =	vst v63  }
0x23: {  	_ =	swait.ge [sflag:s19], $0x4000  }
0x24: {  	[sflag:s19] =	ssyncset.done $0x0  }
0x25: {  	s25 =	simm.s32 @!p0 $0xE000;
	[sflag:s19] =	ssyncadd.s32 $0xFFFFC000  }
0x26: {  	[spmem:s7] =	stream.linear.scatter @!p0 [tilespmem:s25], [sflag:$0x2], $0x4000, $0x38;
	[tilespmem:$0x1C400] =	vst v63  }
0x27: {  	s25 =	simm.s32 @!p0 $0x2  }
0x28: {  	_ =	swait.ge @!p0 [sflag:s25], $0x4000  }
0x29: {  	[sflag:s25] =	ssyncset.done @!p0 $0x0  }
0x2a: {  	s29 =	simm.s32 $0x0;
	[sflag:s25] =	ssyncadd.s32 @!p0 $0xFFFFC000  }
0x2b: {  	[tilespmem:s29], [sflag:$0x2] =	stream.linear.gather [hbm4b:s8+s29], $0x4E80, $0x38;
	[tilespmem:$0x1C400] =	vst v63  }
0x2c: {  	_ =	swait.ge [sflag:s19], $0x4E80  }
0x2d: {  	[sflag:s19] =	ssyncset.done $0x0  }
0x2e: {  	[sflag:s19] =	ssyncadd.s32 $0xFFFFB180  }
0x2f: {  	[bflag:$0x0] =	sbarrier.arrive $0xFFFF  }
0x30: {  	[tilespmem:s20], [sflag:$0x2] =	stream.linear.gather [hbm4b:s9+s29], $0x4E80, $0x38;
	[tilespmem:$0x1C400] =	vst v63  }
0x31: {  	_ =	swait.ge [sflag:s19], $0x4E80  }
0x32: {  	[sflag:s19] =	ssyncset.done $0x0  }
0x33: {  	s30 =	simm.s32 $0x0;
	[sflag:s19] =	ssyncadd.s32 $0xFFFFB180  }
0x34: {  	[tilespmem:s22], [sflag:$0x1] =	stream.indirect.gather [hbm4b:s4+s21], $0x80, s30, s21, $0xb8;
	[tilespmem:$0x1C400] =	vst v63  }
0x35: {  	_ =	swait.ge [sflag:s23], $0x4000  }
0x36: {  	[sflag:s23] =	ssyncset.done $0x0  }
0x37: {  	s31 =	simm.s32 $0x5000;
	[sflag:s23] =	ssyncadd.s32 $0xFFFFC000  }
0x38: {  	[spmem:s2] =	stream.indirect.scatter.add.f32 [tilespmem:s22], [sflag:$0x2], $0x80, s31, s21, $0xb8;
	[tilespmem:$0x1C400] =	vst v63  }
0x39: {  	_ =	swait.ge [sflag:s19], $0x4000  }
0x3a: {  	s26 =	simm.s32 $0x400;
	s25 =	simm.s32 $0x200;
	[sflag:s19] =	ssyncset.done $0x0  }
.LBB2_4:
0x3b: {  	s28 =	sshra.s32 s25, $0x2  }
0x3c: {  	[sflag:s19] =	ssyncadd.s32 $0xFFFFC000;
	s25 =	smov.u32 s26;
	s29 =	sadd.s32 $0x200, s26  }
0x3d: {  	[tilespmem:s22], [sflag:$0x1] =	stream.indirect.gather [hbm4b:s4+s21], $0x80, s28, s21, $0xb8;
	[tilespmem:$0x1C400] =	vst v63  }
0x3e: {  	p1 =	sne.s32 s26, $0x13800;
	_ =	swait.ge [sflag:s23], $0x4000  }
.Ltmp1:
0x3f: {  	[sflag:s23] =	ssyncset.done $0x0;
	(pc) =	sbr.rel @p1 .LBB2_4-.Ltmp1, $4  }
0x40: {  	s26 =	sadd.s32 $0x5000, s28;
	[sflag:s23] =	ssyncadd.s32 $0xFFFFC000  }
0x41: {  	[spmem:s2] =	stream.indirect.scatter.add.f32 [tilespmem:s22], [sflag:$0x2], $0x80, s26, s21, $0xb8;
	[tilespmem:$0x1C400] =	vst v63  }
0x42: {  	_ =	swait.ge [sflag:s19], $0x4000  }
0x43: {  	s26 =	smov.u32 s29;
	[sflag:s19] =	ssyncset.done $0x0  }
0x44: {  	s25 =	sshra.s32 s25, $0x2;
	[sflag:s19] =	ssyncadd.s32 $0xFFFFC000  }
0x45: {  	[tilespmem:s22], [sflag:$0x1] =	stream.indirect.gather [hbm4b:s4+s21], $0x80, s25, s21, $0xb8;
	[tilespmem:$0x1C400] =	vst v63  }
0x46: {  	_ =	swait.ge [sflag:s23], $0x4000  }
0x47: {  	[sflag:s23] =	ssyncset.done $0x0  }
0x48: {  	s25 =	sadd.s32 $0x5000, s25;
	[sflag:s23] =	ssyncadd.s32 $0xFFFFC000  }
0x49: {  	[spmem:s2] =	stream.indirect.scatter.add.f32 [tilespmem:s22], [sflag:$0x2], $0x80, s25, s21, $0xb8;
	[tilespmem:$0x1C400] =	vst v63  }
0x4a: {  	_ =	swait.ge [sflag:s19], $0x4000  }
0x4b: {  	[sflag:s19] =	ssyncset.done $0x0  }
0x4c: {  	[sflag:s19] =	ssyncadd.s32 $0xFFFFC000  }
0x4d: {  	[bflag:$0x0] =	sbarrier.arrive $0xFFFF  }
0x4e: {  	[tilespmem:s22], [sflag:$0x2] =	stream.linear.gather [spmem:s5], $0x4000, $0x38;
	[tilespmem:$0x1C400] =	vst v63  }
0x4f: {  	_ =	swait.ge [sflag:s19], $0x4000  }
0x50: {  	[sflag:s19] =	ssyncset.done $0x0  }
0x51: {  	[sflag:s19] =	ssyncadd.s32 $0xFFFFC000  }
0x52: {  	[hbm4b:s10+s3] =	stream.linear.scatter [tilespmem:s22], [sflag:$0x2], $0x4000, $0x38;
	[tilespmem:$0x1C400] =	vst v63  }
0x53: {  	_ =	swait.ge [sflag:s19], $0x4000  }
0x54: {  	[sflag:s19] =	ssyncset.done $0x0  }
0x55: {  	[sflag:s19] =	ssyncadd.s32 $0xFFFFC000  }
0x56: {  	[tilespmem:s22], [sflag:$0x2] =	stream.linear.gather [spmem:s6], $0x4000, $0x38;
	[tilespmem:$0x1C400] =	vst v63  }
0x57: {  	_ =	swait.ge [sflag:s19], $0x4000  }
0x58: {  	[sflag:s19] =	ssyncset.done $0x0  }
0x59: {  	[sflag:s19] =	ssyncadd.s32 $0xFFFFC000  }
0x5a: {  	[hbm4b:s11+s3] =	stream.linear.scatter [tilespmem:s22], [sflag:$0x2], $0x4000, $0x38;
	[tilespmem:$0x1C400] =	vst v63  }
0x5b: {  	_ =	swait.ge [sflag:s19], $0x4000  }
0x5c: {  	[sflag:s19] =	ssyncset.done $0x0  }
0x5d: {  	[sflag:s19] =	ssyncadd.s32 $0xFFFFC000  }
0x5e: {  	s26 =	simm.s32 @!p0 $0x2;
	s25 =	simm.s32 @!p0 $0xA000;
	[bflag:$0x0] =	sbarrier.arrive @p0 $0xFFFF  }
0x5f: {  	[tilespmem:s25], [sflag:$0x2] =	stream.linear.gather @!p0 [spmem:s7], $0x4000, $0x38;
	[tilespmem:$0x1C400] =	vst v63  }
0x60: {  	_ =	swait.ge @!p0 [sflag:s26], $0x4000  }
0x61: {  	[sflag:s26] =	ssyncset.done @!p0 $0x0  }
0x62: {  	s28 =	simm.s32 @!p0 $0x0;
	[sflag:s26] =	ssyncadd.s32 @!p0 $0xFFFFC000  }
0x63: {  	[hbm4b:s12+s28] =	stream.linear.scatter @!p0 [tilespmem:s25], [sflag:$0x2], $0x4000, $0x38;
	[tilespmem:$0x1C400] =	vst v63  }
0x64: {  	_ =	swait.ge @!p0 [sflag:s26], $0x4000  }
0x65: {  	[sflag:s26] =	ssyncset.done @!p0 $0x0  }
0x66: {  	[sflag:s26] =	ssyncadd.s32 @!p0 $0xFFFFC000  }
0x67: {  	s25 =	simm.s32 @!p0 $0xE000;
	[bflag:$0x0] =	sbarrier.arrive @!p0 $0xFFFF  }
0x68: {  	[spmem:s5] =	stream.linear.scatter @!p0 [tilespmem:s25], [sflag:$0x2], $0x4000, $0x38;
	[tilespmem:$0x1C400] =	vst v63  }
0x69: {  	_ =	swait.ge @!p0 [sflag:s26], $0x4000  }
0x6a: {  	s25 =	smov.u32 s6;
	[sflag:s26] =	ssyncset.done @!p0 $0x0  }
0x6b: {  	s25 =	smov.u32 @p0 s5;
	[sflag:s26] =	ssyncadd.s32 @!p0 $0xFFFFC000  }
0x6c: {  	[spmem:s25] =	stream.linear.scatter [tilespmem:s18], [sflag:$0x2], $0x4000, $0x38;
	[tilespmem:$0x1C400] =	vst v63  }
0x6d: {  	_ =	swait.ge [sflag:s19], $0x4000  }
0x6e: {  	s25 =	smov.u32 s7;
	[sflag:s19] =	ssyncset.done $0x0  }
0x6f: {  	s25 =	smov.u32 @p0 s6;
	[sflag:s19] =	ssyncadd.s32 $0xFFFFC000  }
0x70: {  	[spmem:s25] =	stream.linear.scatter [tilespmem:s18], [sflag:$0x2], $0x4000, $0x38;
	[tilespmem:$0x1C400] =	vst v63  }
0x71: {  	_ =	swait.ge [sflag:s19], $0x4000  }
0x72: {  	[sflag:s19] =	ssyncset.done $0x0  }
0x73: {  	[sflag:s19] =	ssyncadd.s32 $0xFFFFC000  }
0x74: {  	s29 =	simm.s32 $0x0;
	[bflag:$0x0] =	sbarrier.arrive $0xFFFF  }
0x75: {  	[tilespmem:s20], [sflag:$0x2] =	stream.linear.gather [hbm4b:s13+s29], $0x4E80, $0x38;
	[tilespmem:$0x1C400] =	vst v63  }
0x76: {  	_ =	swait.ge [sflag:s19], $0x4E80  }
0x77: {  	[sflag:s19] =	ssyncset.done $0x0  }
0x78: {  	s30 =	simm.s32 $0x0;
	[sflag:s19] =	ssyncadd.s32 $0xFFFFB180  }
0x79: {  	[tilespmem:s22], [sflag:$0x1] =	stream.indirect.gather [hbm4b:s4+s21], $0x80, s30, s21, $0xb8;
	[tilespmem:$0x1C400] =	vst v63  }
0x7a: {  	_ =	swait.ge [sflag:s23], $0x4000  }
0x7b: {  	[sflag:s23] =	ssyncset.done $0x0  }
0x7c: {  	s31 =	simm.s32 $0x5000;
	[sflag:s23] =	ssyncadd.s32 $0xFFFFC000  }
0x7d: {  	[spmem:s2] =	stream.indirect.scatter.add.f32 [tilespmem:s22], [sflag:$0x2], $0x80, s31, s21, $0xb8;
	[tilespmem:$0x1C400] =	vst v63  }
0x7e: {  	_ =	swait.ge [sflag:s19], $0x4000  }
0x7f: {  	s26 =	simm.s32 $0x400;
	s25 =	simm.s32 $0x200;
	[sflag:s19] =	ssyncset.done $0x0  }
.LBB2_6:
0x80: {  	s28 =	sshra.s32 s25, $0x2  }
0x81: {  	[sflag:s19] =	ssyncadd.s32 $0xFFFFC000;
	s25 =	smov.u32 s26;
	s29 =	sadd.s32 $0x200, s26  }
0x82: {  	[tilespmem:s22], [sflag:$0x1] =	stream.indirect.gather [hbm4b:s4+s21], $0x80, s28, s21, $0xb8;
	[tilespmem:$0x1C400] =	vst v63  }
0x83: {  	p1 =	sne.s32 s26, $0x13800;
	_ =	swait.ge [sflag:s23], $0x4000  }
.Ltmp2:
0x84: {  	[sflag:s23] =	ssyncset.done $0x0;
	(pc) =	sbr.rel @p1 .LBB2_6-.Ltmp2, $4  }
0x85: {  	s26 =	sadd.s32 $0x5000, s28;
	[sflag:s23] =	ssyncadd.s32 $0xFFFFC000  }
0x86: {  	[spmem:s2] =	stream.indirect.scatter.add.f32 [tilespmem:s22], [sflag:$0x2], $0x80, s26, s21, $0xb8;
	[tilespmem:$0x1C400] =	vst v63  }
0x87: {  	_ =	swait.ge [sflag:s19], $0x4000  }
0x88: {  	s26 =	smov.u32 s29;
	[sflag:s19] =	ssyncset.done $0x0  }
0x89: {  	s25 =	sshra.s32 s25, $0x2;
	[sflag:s19] =	ssyncadd.s32 $0xFFFFC000  }
0x8a: {  	[tilespmem:s22], [sflag:$0x1] =	stream.indirect.gather [hbm4b:s4+s21], $0x80, s25, s21, $0xb8;
	[tilespmem:$0x1C400] =	vst v63  }
0x8b: {  	_ =	swait.ge [sflag:s23], $0x4000  }
0x8c: {  	[sflag:s23] =	ssyncset.done $0x0  }
0x8d: {  	s25 =	sadd.s32 $0x5000, s25;
	[sflag:s23] =	ssyncadd.s32 $0xFFFFC000  }
0x8e: {  	[spmem:s2] =	stream.indirect.scatter.add.f32 [tilespmem:s22], [sflag:$0x2], $0x80, s25, s21, $0xb8;
	[tilespmem:$0x1C400] =	vst v63  }
0x8f: {  	_ =	swait.ge [sflag:s19], $0x4000  }
0x90: {  	[sflag:s19] =	ssyncset.done $0x0  }
0x91: {  	[sflag:s19] =	ssyncadd.s32 $0xFFFFC000  }
0x92: {  	[bflag:$0x0] =	sbarrier.arrive $0xFFFF  }
0x93: {  	[tilespmem:s22], [sflag:$0x2] =	stream.linear.gather [spmem:s5], $0x4000, $0x38;
	[tilespmem:$0x1C400] =	vst v63  }
0x94: {  	_ =	swait.ge [sflag:s19], $0x4000  }
0x95: {  	[sflag:s19] =	ssyncset.done $0x0  }
0x96: {  	[sflag:s19] =	ssyncadd.s32 $0xFFFFC000  }
0x97: {  	[hbm4b:s14+s3] =	stream.linear.scatter [tilespmem:s22], [sflag:$0x2], $0x4000, $0x38;
	[tilespmem:$0x1C400] =	vst v63  }
0x98: {  	_ =	swait.ge [sflag:s19], $0x4000  }
0x99: {  	[sflag:s19] =	ssyncset.done $0x0  }
0x9a: {  	[sflag:s19] =	ssyncadd.s32 $0xFFFFC000  }
0x9b: {  	[tilespmem:s22], [sflag:$0x2] =	stream.linear.gather [spmem:s6], $0x4000, $0x38;
	[tilespmem:$0x1C400] =	vst v63  }
0x9c: {  	_ =	swait.ge [sflag:s19], $0x4000  }
0x9d: {  	[sflag:s19] =	ssyncset.done $0x0  }
0x9e: {  	[sflag:s19] =	ssyncadd.s32 $0xFFFFC000  }
0x9f: {  	[hbm4b:s15+s3] =	stream.linear.scatter [tilespmem:s22], [sflag:$0x2], $0x4000, $0x38;
	[tilespmem:$0x1C400] =	vst v63  }
0xa0: {  	_ =	swait.ge [sflag:s19], $0x4000  }
0xa1: {  	[sflag:s19] =	ssyncset.done $0x0  }
0xa2: {  	s26 =	simm.s32 @!p0 $0x2;
	s25 =	simm.s32 @!p0 $0xA000;
	[sflag:s19] =	ssyncadd.s32 $0xFFFFC000  }
0xa3: {  	[tilespmem:s25], [sflag:$0x2] =	stream.linear.gather @!p0 [spmem:s7], $0x4000, $0x38;
	[tilespmem:$0x1C400] =	vst v63  }
0xa4: {  	s24 =	sadd.s32 $0x1, s24;
	_ =	swait.ge @!p0 [sflag:s26], $0x4000  }
0xa5: {  	p1 =	sne.s32 s24, s17;
	[sflag:s26] =	ssyncset.done @!p0 $0x0  }
.Ltmp3:
0xa6: {  	s28 =	simm.s32 @!p0 $0x0;
	[sflag:s26] =	ssyncadd.s32 @!p0 $0xFFFFC000;
	(pc) =	sbr.rel @p1 .LBB2_1-.Ltmp3, $4  }
0xa7: {  	[hbm4b:s16+s28] =	stream.linear.scatter @!p0 [tilespmem:s25], [sflag:$0x2], $0x4000, $0x38;
	[tilespmem:$0x1C400] =	vst v63  }
0xa8: {  	_ =	swait.ge @!p0 [sflag:s26], $0x4000  }
0xa9: {  	[sflag:s26] =	ssyncset.done @!p0 $0x0  }
0xaa: {  	[sflag:s26] =	ssyncadd.s32 @!p0 $0xFFFFC000  }
0xab: {  	_ =	sfence.sel $0x180000  }
0xac: {  	[bflag:$0x0] =	sbarrier.arrive $0xFFFF  }
0xad: {  	p0 =	sne.s32 s0, $0x0;
	_ =	strace $0x9000004A  }
0xae: {  	s0 =	sadd.s32 @!p0 $0x100000, s1;
	[bflag:$0x2] =	sbarrier.arrive $0xFFFF  }
0xaf: {  	[sflag:s0] =	ssyncadd.tile.s32 @!p0 $0x1;
	_ =	shalt  }
.Lfunc_end2:
_tile_overlayer_lowered:
.L_overlay_start_2:
0xb0: {  	(tag) =	ssettag $0x2  }
0xb1: {  	s0 =	rddreg [dreg:$0x0];
	s2 =	stileid.u32  }
0xb2: {  	s1 =	rddreg [dreg:$0x1];
	p0 =	sne.s32 s2, $0x0  }
0xb3: {  	s3 =	rddreg [dreg:$0x2];
	[bflag:$0x3] =	sbarrier.arrive $0xFFFF;
	s2 =	simm.s32 @!p0 $0x1C02  }
0xb4: {  	[timem:s3], [sflag:s2] =	dma.local @!p0 [hbm:s0], s1  }
0xb5: {  	s0 =	simm.s32 @!p0 $0x2  }
0xb6: {  	_ =	swait.ge @!p0 [sflag:s0], s1  }
0xb7: {  	s1 =	ssub.s32 @!p0 $0x0, s1;
	[sflag:s0] =	ssyncset.done @!p0 $0x0  }
0xb8: {  	[sflag:s0] =	ssyncadd.s32 @!p0 s1  }
0xb9: {  	[bflag:$0x3] =	sbarrier.arrive $0xFFFF  }
0xba: {  	_ =	shalt  }

// kernel: kernel.14.cloned.1.call-start
scs
__scs_entry_jumppad:
0x0: {  	(pc) =	sbr.rel $0x88, $3  }
0x1: {  	(tag) =	ssettag $0x0;
	lr =	simm.s32 $0x1  }
0x2: {  	[smem:$0x3F94] =	sst lr;
	_ =	strace $0xD0000000  }
0x3: {  	_ = 	snop  }
0x4: {  	_ = 	snop  }
0x5: {  	_ = 	snop  }
0x6: {  	_ = 	snop  }
0x7: {  	_ = 	snop  }
__scs_overlays_trampoline_lowered:
0x8: {  	[smem:$0x3FA3] =	sst s0  }
0x9: {  	[smem:$0x3FA4] =	sst s1  }
0xa: {  	[smem:$0x3FA5] =	sst s2  }
0xb: {  	[smem:$0x3FA6] =	sst s3  }
0xc: {  	[smem:$0x3FA7] =	sst s4  }
0xd: {  	[smem:$0x3FA8] =	sst s5  }
0xe: {  	[smem:$0x3FA9] =	sst s6  }
0xf: {  	[smem:$0x3FAA] =	sst s7  }
0x10: {  	[smem:$0x3FAB] =	sst s8  }
0x11: {  	[smem:$0x3FAC] =	sst s9;
	s0 =	simm.s32 @!p0 $0x0  }
0x12: {  	s1 =	sld [smem:$0x3F92];
	s0 =	simm.s32 @p0 $0x1  }
0x13: {  	[smem:$0x3FAD] =	sst s0;
	s0 =	simm.s32 @!p1 $0x0  }
0x14: {  	s2 =	sld [smem:$0x3F91];
	s0 =	simm.s32 @p1 $0x1  }
0x15: {  	[smem:$0x3FAE] =	sst s0;
	s0 =	simm.s32 @!p2 $0x0  }
0x16: {  	s3 =	sld [smem:$0x3FDB];
	s0 =	simm.s32 @p2 $0x1  }
0x17: {  	s4 =	simm.s32 $0x1BF5;
	[smem:$0x3FB0] =	sst s0  }
0x18: {  	s0 =	sld [smem:$0x3F93];
	_ =	swait.ge [sflag:s4], $0x0  }
0x19: {  	s7 =	sld [smem:$0x3F94]  }
0x1a: {  	s8 =	sadd.s32 $0xFFFFE003, lr  }
0x1b: {  	s9 =	sadd.s32 $0xFFFFFEF7, lr;
	s5 =	simm.s32 $0xFFFFFFFF;
	p2 =	slt.u32 s8, $0xFFFFF086  }
0x1c: {  	p1 =	slt.u32 s9, $0xF7A;
	s5 =	simm.s32 @!p2 $0x0  }
0x1d: {  	s5 =	simm.s32 @p1 $0x1;
	p0 =	seq.s32 s7, s2  }
0x1e: {  	s7 =	smul.u32 @!p0 $0xF7A, s2;
	p2 =	seq.s32 @!p0 s5, $0x0  }
0x1f: {  	s9 =	smul.u32 $0xF7A, s1;
	s8 =	simm.s32 @!p0 $0x1BF5;
	p2 =	por !p2, p0  }
0x20: {  	[sflag:s8] =	ssyncset.s32 @!p0 $0xFFFFF086;
	s6 =	sadd.s32 @!p0 s3, s7;
	s7 =	simm.s32 @!p0 $0x108  }
0x21: {  	s3 =	sadd.s32 s3, s9;
	s6 =	sadd.s32 @!p0 $0x88, s6;
	s7 =	simm.s32 @p2 $0x1082  }
0x22: {  	[simem:s7], [sflag:s8] =	dma.local @!p0 [hbm:s6], $0xF7A  }
0x23: {  	s9 =	sor.u32 $0xD0000000, s2;
	s6 =	simm.s32 $0x108;
	_ =	swait.ge @!p0 [sflag:s8], $0x0  }
0x24: {  	s3 =	sadd.s32 $0x88, s3;
	s6 =	simm.s32 @!p1 $0x1082;
	[sflag:s4] =	ssyncset.s32 $0xFFFFF086  }
0x25: {  	[simem:s6], [sflag:s4] =	dma.local [hbm:s3], $0xF7A  }
0x26: {  	[smem:$0x3F94] =	sst s1;
	(tag) =	ssettag s2;
	_ =	strace s9  }
0x27: {  	s1 =	sld [smem:$0x3FA4]  }
0x28: {  	s2 =	sld [smem:$0x3FA5]  }
0x29: {  	s4 =	sld [smem:$0x3FA7]  }
0x2a: {  	p0 =	seq.s32 s5, $0x0;
	s5 =	sld [smem:$0x3FA8]  }
0x2b: {  	s6 =	sld [smem:$0x3FA9]  }
0x2c: {  	s7 =	sld [smem:$0x3FAA]  }
0x2d: {  	s3 =	simm.s32 $0x108;
	s8 =	sld [smem:$0x3FAB]  }
0x2e: {  	s3 =	simm.s32 @!p0 $0x1082;
	s9 =	sld [smem:$0x3FAC]  }
0x2f: {  	lr =	sadd.s32 s0, s3;
	s0 =	sld [smem:$0x3FA3]  }
0x30: {  	s3 =	sld [smem:$0x3FA6]  }
0x31: {  	[smem:$0x3FAF] =	sst s10  }
0x32: {  	s10 =	sld [smem:$0x3FAD];
	_ =	sdelay $0x3  }
0x33: {  	p0 =	seq.s32 s10, $0x1;
	s10 =	sld [smem:$0x3FAF];
	_ =	sdelay $0x3  }
0x34: {  	[smem:$0x3FAF] =	sst s10  }
0x35: {  	s10 =	sld [smem:$0x3FAE];
	_ =	sdelay $0x3  }
0x36: {  	p1 =	seq.s32 s10, $0x1;
	s10 =	sld [smem:$0x3FAF];
	_ =	sdelay $0x3  }
0x37: {  	[smem:$0x3FAF] =	sst s10  }
0x38: {  	s10 =	sld [smem:$0x3FB0]  }
0x39: {  	_ = 	snop;
	(pc) =	sbr.ind lr, $3  }
0x3a: {  	_ = 	snop  }
0x3b: {  	_ = 	snop  }
0x3c: {  	p2 =	seq.s32 s10, $0x1;
	s10 =	sld [smem:$0x3FAF]  }
0x3d: {  	_ =	shalt  }
0x3e: {  	_ =	shalt  }
0x3f: {  	_ =	shalt  }
0x40: {  	_ =	shalt  }
0x41: {  	_ =	shalt  }
0x42: {  	_ =	shalt  }
0x43: {  	_ =	shalt  }
0x44: {  	_ =	shalt  }
0x45: {  	_ =	shalt  }
0x46: {  	_ =	shalt  }
0x47: {  	_ =	shalt  }
0x48: {  	_ =	shalt  }
0x49: {  	_ =	shalt  }
0x4a: {  	_ =	shalt  }
0x4b: {  	_ =	shalt  }
0x4c: {  	_ =	shalt  }
0x4d: {  	_ =	shalt  }
0x4e: {  	_ =	shalt  }
0x4f: {  	_ =	shalt  }
0x50: {  	_ =	shalt  }
0x51: {  	_ =	shalt  }
0x52: {  	_ =	shalt  }
0x53: {  	_ =	shalt  }
0x54: {  	_ =	shalt  }
0x55: {  	_ =	shalt  }
0x56: {  	_ =	shalt  }
0x57: {  	_ =	shalt  }
0x58: {  	_ =	shalt  }
0x59: {  	_ =	shalt  }
0x5a: {  	_ =	shalt  }
0x5b: {  	_ =	shalt  }
0x5c: {  	_ =	shalt  }
0x5d: {  	_ =	shalt  }
0x5e: {  	_ =	shalt  }
0x5f: {  	_ =	shalt  }
0x60: {  	_ =	shalt  }
0x61: {  	_ =	shalt  }
0x62: {  	_ =	shalt  }
0x63: {  	_ =	shalt  }
0x64: {  	_ =	shalt  }
0x65: {  	_ =	shalt  }
0x66: {  	_ =	shalt  }
0x67: {  	_ =	shalt  }
0x68: {  	_ =	shalt  }
0x69: {  	_ =	shalt  }
0x6a: {  	_ =	shalt  }
0x6b: {  	_ =	shalt  }
0x6c: {  	_ =	shalt  }
0x6d: {  	_ =	shalt  }
0x6e: {  	_ =	shalt  }
0x6f: {  	_ =	shalt  }
0x70: {  	_ =	shalt  }
0x71: {  	_ =	shalt  }
0x72: {  	_ =	shalt  }
0x73: {  	_ =	shalt  }
0x74: {  	_ =	shalt  }
0x75: {  	_ =	shalt  }
0x76: {  	_ =	shalt  }
0x77: {  	_ =	shalt  }
0x78: {  	_ =	shalt  }
0x79: {  	_ =	shalt  }
0x7a: {  	_ =	shalt  }
0x7b: {  	_ =	shalt  }
0x7c: {  	_ =	shalt  }
0x7d: {  	_ =	shalt  }
0x7e: {  	_ =	shalt  }
0x7f: {  	_ =	shalt  }
0x80: {  	_ =	shalt  }
0x81: {  	_ =	shalt  }
0x82: {  	_ =	shalt  }
0x83: {  	_ =	shalt  }
0x84: {  	_ =	shalt  }
0x85: {  	_ =	shalt  }
0x86: {  	_ =	shalt  }
0x87: {  	_ =	shalt  }
.Lfunc_end0:
.L_simem_size_0:
called_computation.2_lowered:
.L_overlay_start_0:
0x88: {  	s2 =	sld [smem:$0x3FD9]  }
0x89: {  	s3 =	sld [smem:$0x3FFE];
	_ =	sdelay $0x1  }
0x8a: {  	s1 =	srdreg.scid  }
0x8b: {  	s0 =	sand.u32 $0x1, s1  }
0x8c: {  	s17 =	sshll.u32 s0, $0xA;
	s2 =	sadd.s32 s3, s2  }
0x8d: {  	s2 =	sadd.s32 s2, s17  }
0x8e: {  	[smem:$0x3FBB] =	sst s2  }
0x8f: {  	_ = 	snop  }
0x90: {  	s2 =	sld [smem:$0x3FD0];
	(tm) =	ssettm $0x1  }
0x91: {  	s18 =	sld [smem:$0x3FFB];
	_ =	sdelay $0x3  }
0x92: {  	_ =	strace s18  }
0x93: {  	s3 =	sld [smem:$0x3FFC];
	_ =	sdelay $0x3  }
0x94: {  	_ =	strace s3  }
0x95: {  	s3 =	sld [smem:$0x3FFD];
	_ =	sdelay $0x3  }
0x96: {  	_ =	strace s3  }
0x97: {  	_ =	strace $0x8FFFFFFF  }
0x98: {  	s19 =	sld [smem:$0x3FDB];
	_ =	sdelay $0x1  }
0x99: {  	s4 =	simm.s32 $_scs_section_size  }
0x9a: {  	s5 =	simm.s32 $_size__tile_overlayer_lowered;
	s6 =	simm.s32 $_tile_overlayer_lowered  }
0x9b: {  	s22 =	simm.s32 $0x1BFF;
	s21 =	sshll.u32 s6, $0x1;
	s3 =	sadd.s32 s4, s19  }
0x9c: {  	s7 =	simm.s32 $0x0;
	s20 =	sshll.u32 s5, $0x1;
	s5 =	sadd.s32 s21, s3  }
0x9d: {  	[timem:s7], [sflag:s22] =	dma.local [hbm:s5], s20  }
0x9e: {  	_ =	swait.ge [sflag:s22], s20  }
0x9f: {  	s4 =	ssub.s32 $0x0, s20;
	[sflag:s22] =	ssyncset.done $0x0  }
0xa0: {  	[sflag:s22] =	ssyncadd.s32 s4;
	_ =	sdelay $0x1  }
0xa1: {  	s23 =	simm.s32 $0x1B8B  }
0xa2: {  	_ =	swait.ge [sflag:s23], $0x1  }
0xa3: {  	[sflag:s23] =	ssyncset.done $0x0  }
0xa4: {  	s25 =	simm.s32 $0x1B8E;
	s24 =	sld [smem:$0x3FFE];
	[sflag:s23] =	ssyncadd.s32 $0xFFFFFFFF  }
0xa5: {  	s26 =	simm.s32 $execute0_lowered;
	[smem:$0x3FD2] =	sst s25  }
0xa6: {  	s5 =	sshll.u32 s26, $0x1;
	_ =	strace $0x8000004C;
	[dreg:$0x1] =	wrdreg $0xFFFFFFFF  }
0xa7: {  	s28 =	simm.s32 $_size_execute0_lowered;
	s3 =	sadd.s32 s3, s5;
	[dreg:$0x0] =	wrdreg $0x0  }
0xa8: {  	s5 =	sshll.u32 s28, $0x1;
	[dreg:$0x2] =	wrdreg s3  }
0xa9: {  	[dreg:$0x3] =	wrdreg s5  }
0xaa: {  	[dreg:$0x4] =	wrdreg $0xC0  }
0xab: {  	_ =	task [dreg:s7], $0x5FFFF  }
0xac: {  	[dreg:$0x1] =	wrdreg $0xFFFFFFFF  }
0xad: {  	[dreg:$0x0] =	wrdreg $0x60  }
0xae: {  	[dreg:$0x2] =	wrdreg s24  }
0xaf: {  	[dreg:$0x3] =	wrdreg s2  }
0xb0: {  	[dreg:$0x4] =	wrdreg $0x9  }
0xb1: {  	_ =	task.clear_ibuf [dreg:s7], $0x5FFFF;
	_ =	strace $0x9000004C  }
0xb2: {  	s29 =	simm.s32 $0x9;
	_ =	strace $0x8000004E  }
0xb3: {  	_ =	swait.ge [sflag:s29], $0x1  }
0xb4: {  	[sflag:s29] =	ssyncadd.s32 $0xFFFFFFFF  }
0xb5: {  	_ =	strace $0x9000004E  }
0xb6: {  	_ =	sfence  }
0xb7: {  	s30 =	sld [smem:$0x0];
	_ =	sdelay $0x2  }
0xb8: {  	s31 =	sshll.u32 s1, $0xD;
	s1 =	sshrl.u32 s1, $0x2  }
0xb9: {  	s3 =	sand.u32 $0x4000, s31;
	s1 =	sadd.s32 s1, s30  }
0xba: {  	s0 =	sor.u32 s3, s0;
	s1 =	sshll.u32 s1, $0x11  }
0xbb: {  	s0 =	sor.u32 s1, s0  }
0xbc: {  	s0 =	sadd.s32 $0x8F2B, s0  }
0xbd: {  	[sflag:s0] =	ssyncadd.remote.s32 $0x1  }
0xbe: {  	_ =	sfence.sel $0xFFFF  }
0xbf: {  	[dreg:$0x0] =	wrdreg $0xFFFFFFFF;
	(pc) =	sbr.abs _section_cstart, $3  }
0xc0: {  	[dreg:$0x1] =	wrdreg $0xFFFFFFFF  }
0xc1: {  	_ =	task.clear_ibuf [dreg:s7], $0x2FFFF;
	_ =	strace $0x9FFFFFFF  }
0xc2: {  	(tm) =	ssettm $0x7FFFFFFF  }
0xc3: {  	_ =	shalt  }
tec
execute0_lowered:
.L_overlay_start_1:
0x0: {  	(tag) =	ssettag $0x1  }
0x1: {  	s9 =	rddreg [dreg:$0x0]  }
0x2: {  	s3 =	rddreg [dreg:$0x1]  }
0x3: {  	s0 =	rddreg [dreg:$0x2]  }
0x4: {  	s4 =	srdreg.scid;
	s1 =	stileid.u32  }
0x5: {  	s2 =	simm.s32 $0x0;
	s21 =	sand.u32 $0x1, s4;
	s31 =	sshll.u32 s1, $0x7  }
0x6: {  	[smem:$0x7FF] =	sst s2;
	s5 =	sshll.u32 s21, $0xB;
	s3 =	sadd.s32 s3, s31  }
0x7: {  	_ =	strace $0x8000004D;
	s4 =	sadd.s32 s5, s3;
	s3 =	simm.s32 $0x2  }
0x8: {  	[tilespmem:s2], [sflag:$0x2] =	stream.linear.gather [hbm4b:s4+s2], $0x400, $0x38;
	[tilespmem:$0x4400] =	vst v63  }
0x9: {  	s6 =	simm.s32 $0x80;
	s7 =	simm.s32 $0x400;
	_ =	swait.ge [sflag:s3], $0x400  }
0xa: {  	s8 =	simm.s32 $0x1;
	s11 =	sshll.u32 s1, $0xE;
	[sflag:s3] =	ssyncset.done $0x0  }
0xb: {  	s10 =	sshll.u32 s21, $0x12;
	s5 =	sadd.s32 $0x3400, s9;
	[sflag:s3] =	ssyncadd.s32 $0xFFFFFC00  }
0xc: {  	[tilespmem:s7], [sflag:$0x1] =	stream.indirect.gather [hbm4b:s5+s6], $0x80, s2, s6, $0xb8;
	[tilespmem:$0x4400] =	vst v63  }
0xd: {  	s10 =	sor.u32 s11, s10;
	_ =	swait.ge [sflag:s8], $0x4000  }
0xe: {  	s22 =	sadd.s32 s10, s9;
	[sflag:s8] =	ssyncset.done $0x0  }
0xf: {  	s9 =	sadd.s32 $0x2A600, s22;
	[sflag:s8] =	ssyncadd.s32 $0xFFFFC000  }
0x10: {  	[hbm4b:s9+s2] =	stream.linear.scatter [tilespmem:s7], [sflag:$0x2], $0x4000, $0x38;
	[tilespmem:$0x4400] =	vst v63  }
0x11: {  	_ =	swait.ge [sflag:s3], $0x4000  }
0x12: {  	[sflag:s3] =	ssyncset.done $0x0  }
0x13: {  	[sflag:s3] =	ssyncadd.s32 $0xFFFFC000  }
0x14: {  	[tilespmem:s7], [sflag:$0x1] =	stream.indirect.gather [hbm4b:s5+s6], $0x80, s6, s6, $0xb8;
	[tilespmem:$0x4400] =	vst v63  }
0x15: {  	_ =	swait.ge [sflag:s8], $0x4000  }
0x16: {  	[sflag:s8] =	ssyncset.done $0x0  }
0x17: {  	s10 =	sadd.s32 $0x2AE00, s22;
	[sflag:s8] =	ssyncadd.s32 $0xFFFFC000  }
0x18: {  	[hbm4b:s10+s2] =	stream.linear.scatter [tilespmem:s7], [sflag:$0x2], $0x4000, $0x38;
	[tilespmem:$0x4400] =	vst v63  }
0x19: {  	_ =	swait.ge [sflag:s3], $0x4000  }
0x1a: {  	[sflag:s3] =	ssyncset.done $0x0  }
0x1b: {  	s11 =	simm.s32 $0x100;
	[sflag:s3] =	ssyncadd.s32 $0xFFFFC000  }
0x1c: {  	[tilespmem:s7], [sflag:$0x1] =	stream.indirect.gather [hbm4b:s5+s6], $0x80, s11, s6, $0xb8;
	[tilespmem:$0x4400] =	vst v63  }
0x1d: {  	_ =	swait.ge [sflag:s8], $0x4000  }
0x1e: {  	[sflag:s8] =	ssyncset.done $0x0  }
0x1f: {  	s12 =	sadd.s32 $0x2B600, s22;
	[sflag:s8] =	ssyncadd.s32 $0xFFFFC000  }
0x20: {  	[hbm4b:s12+s2] =	stream.linear.scatter [tilespmem:s7], [sflag:$0x2], $0x4000, $0x38;
	[tilespmem:$0x4400] =	vst v63  }
0x21: {  	_ =	swait.ge [sflag:s3], $0x4000  }
0x22: {  	[sflag:s3] =	ssyncset.done $0x0  }
0x23: {  	s13 =	simm.s32 $0x180;
	[sflag:s3] =	ssyncadd.s32 $0xFFFFC000  }
0x24: {  	[tilespmem:s7], [sflag:$0x1] =	stream.indirect.gather [hbm4b:s5+s6], $0x80, s13, s6, $0xb8;
	[tilespmem:$0x4400] =	vst v63  }
0x25: {  	_ =	swait.ge [sflag:s8], $0x4000  }
0x26: {  	[sflag:s8] =	ssyncset.done $0x0  }
0x27: {  	s14 =	sadd.s32 $0x2BE00, s22;
	[sflag:s8] =	ssyncadd.s32 $0xFFFFC000  }
0x28: {  	[hbm4b:s14+s2] =	stream.linear.scatter [tilespmem:s7], [sflag:$0x2], $0x4000, $0x38;
	[tilespmem:$0x4400] =	vst v63  }
0x29: {  	_ =	swait.ge [sflag:s3], $0x4000  }
0x2a: {  	[sflag:s3] =	ssyncset.done $0x0  }
0x2b: {  	s15 =	simm.s32 $0x200;
	[sflag:s3] =	ssyncadd.s32 $0xFFFFC000  }
0x2c: {  	[tilespmem:s7], [sflag:$0x1] =	stream.indirect.gather [hbm4b:s5+s6], $0x80, s15, s6, $0xb8;
	[tilespmem:$0x4400] =	vst v63  }
0x2d: {  	_ =	swait.ge [sflag:s8], $0x4000  }
0x2e: {  	[sflag:s8] =	ssyncset.done $0x0  }
0x2f: {  	s16 =	sadd.s32 $0x2C600, s22;
	[sflag:s8] =	ssyncadd.s32 $0xFFFFC000  }
0x30: {  	[hbm4b:s16+s2] =	stream.linear.scatter [tilespmem:s7], [sflag:$0x2], $0x4000, $0x38;
	[tilespmem:$0x4400] =	vst v63  }
0x31: {  	_ =	swait.ge [sflag:s3], $0x4000  }
0x32: {  	[sflag:s3] =	ssyncset.done $0x0  }
0x33: {  	s17 =	simm.s32 $0x280;
	[sflag:s3] =	ssyncadd.s32 $0xFFFFC000  }
0x34: {  	[tilespmem:s7], [sflag:$0x1] =	stream.indirect.gather [hbm4b:s5+s6], $0x80, s17, s6, $0xb8;
	[tilespmem:$0x4400] =	vst v63  }
0x35: {  	_ =	swait.ge [sflag:s8], $0x4000  }
0x36: {  	[sflag:s8] =	ssyncset.done $0x0  }
0x37: {  	s18 =	sadd.s32 $0x2CE00, s22;
	[sflag:s8] =	ssyncadd.s32 $0xFFFFC000  }
0x38: {  	[hbm4b:s18+s2] =	stream.linear.scatter [tilespmem:s7], [sflag:$0x2], $0x4000, $0x38;
	[tilespmem:$0x4400] =	vst v63  }
0x39: {  	_ =	swait.ge [sflag:s3], $0x4000  }
0x3a: {  	[sflag:s3] =	ssyncset.done $0x0  }
0x3b: {  	s19 =	simm.s32 $0x300;
	[sflag:s3] =	ssyncadd.s32 $0xFFFFC000  }
0x3c: {  	[tilespmem:s7], [sflag:$0x1] =	stream.indirect.gather [hbm4b:s5+s6], $0x80, s19, s6, $0xb8;
	[tilespmem:$0x4400] =	vst v63  }
0x3d: {  	_ =	swait.ge [sflag:s8], $0x4000  }
0x3e: {  	[sflag:s8] =	ssyncset.done $0x0  }
0x3f: {  	s23 =	ssub.s32 $0x2, s21;
	s20 =	sadd.s32 $0x2D600, s22;
	[sflag:s8] =	ssyncadd.s32 $0xFFFFC000  }
0x40: {  	[hbm4b:s20+s2] =	stream.linear.scatter [tilespmem:s7], [sflag:$0x2], $0x4000, $0x38;
	[tilespmem:$0x4400] =	vst v63  }
0x41: {  	s24 =	sshrl.u32 s23, $0x1;
	_ =	swait.ge [sflag:s3], $0x4000  }
0x42: {  	s23 =	ssub.s32 s23, s24;
	[sflag:s3] =	ssyncset.done $0x0  }
0x43: {  	s21 =	simm.s32 $0x380;
	s23 =	smax.u32 s23, $0x1;
	[sflag:s3] =	ssyncadd.s32 $0xFFFFC000  }
0x44: {  	[tilespmem:s7], [sflag:$0x1] =	stream.indirect.gather [hbm4b:s5+s6], $0x80, s21, s6, $0xb8;
	[tilespmem:$0x4400] =	vst v63  }
0x45: {  	p0 =	sne.s32 s23, $0x1;
	_ =	swait.ge [sflag:s8], $0x4000  }
.Ltmp0:
0x46: {  	[sflag:s8] =	ssyncset.done $0x0;
	(pc) =	sbr.rel @!p0 .LBB2_2-.Ltmp0, $4  }
0x47: {  	s22 =	sadd.s32 $0x2DE00, s22;
	[sflag:s8] =	ssyncadd.s32 $0xFFFFC000  }
0x48: {  	[hbm4b:s22+s2] =	stream.linear.scatter [tilespmem:s7], [sflag:$0x2], $0x4000, $0x38;
	[tilespmem:$0x4400] =	vst v63  }
0x49: {  	_ =	swait.ge [sflag:s3], $0x4000  }
0x4a: {  	s23 =	sadd.s32 $0xFFFFFFFF, s23;
	[sflag:s3] =	ssyncset.done $0x0  }
.LBB2_1:
0x4b: {  	p0 =	sne.s32 s23, $0x1;
	s23 =	sadd.s32 $0xFFFFFFFF, s23;
	[sflag:s3] =	ssyncadd.s32 $0xFFFFC000  }
0x4c: {  	[tilespmem:s2], [sflag:$0x2] =	stream.linear.gather [hbm4b:s4+s2], $0x400, $0x38;
	[tilespmem:$0x4400] =	vst v63  }
0x4d: {  	_ =	swait.ge [sflag:s3], $0x400  }
0x4e: {  	[sflag:s3] =	ssyncset.done $0x0  }
0x4f: {  	[sflag:s3] =	ssyncadd.s32 $0xFFFFFC00  }
0x50: {  	[tilespmem:s7], [sflag:$0x1] =	stream.indirect.gather [hbm4b:s5+s6], $0x80, s2, s6, $0xb8;
	[tilespmem:$0x4400] =	vst v63  }
0x51: {  	_ =	swait.ge [sflag:s8], $0x4000  }
0x52: {  	[sflag:s8] =	ssyncset.done $0x0  }
0x53: {  	[sflag:s8] =	ssyncadd.s32 $0xFFFFC000  }
0x54: {  	[hbm4b:s9+s2] =	stream.linear.scatter [tilespmem:s7], [sflag:$0x2], $0x4000, $0x38;
	[tilespmem:$0x4400] =	vst v63  }
0x55: {  	_ =	swait.ge [sflag:s3], $0x4000  }
0x56: {  	[sflag:s3] =	ssyncset.done $0x0  }
0x57: {  	[sflag:s3] =	ssyncadd.s32 $0xFFFFC000  }
0x58: {  	[tilespmem:s7], [sflag:$0x1] =	stream.indirect.gather [hbm4b:s5+s6], $0x80, s6, s6, $0xb8;
	[tilespmem:$0x4400] =	vst v63  }
0x59: {  	_ =	swait.ge [sflag:s8], $0x4000  }
0x5a: {  	[sflag:s8] =	ssyncset.done $0x0  }
0x5b: {  	[sflag:s8] =	ssyncadd.s32 $0xFFFFC000  }
0x5c: {  	[hbm4b:s10+s2] =	stream.linear.scatter [tilespmem:s7], [sflag:$0x2], $0x4000, $0x38;
	[tilespmem:$0x4400] =	vst v63  }
0x5d: {  	_ =	swait.ge [sflag:s3], $0x4000  }
0x5e: {  	[sflag:s3] =	ssyncset.done $0x0  }
0x5f: {  	[sflag:s3] =	ssyncadd.s32 $0xFFFFC000  }
0x60: {  	[tilespmem:s7], [sflag:$0x1] =	stream.indirect.gather [hbm4b:s5+s6], $0x80, s11, s6, $0xb8;
	[tilespmem:$0x4400] =	vst v63  }
0x61: {  	_ =	swait.ge [sflag:s8], $0x4000  }
0x62: {  	[sflag:s8] =	ssyncset.done $0x0  }
0x63: {  	[sflag:s8] =	ssyncadd.s32 $0xFFFFC000  }
0x64: {  	[hbm4b:s12+s2] =	stream.linear.scatter [tilespmem:s7], [sflag:$0x2], $0x4000, $0x38;
	[tilespmem:$0x4400] =	vst v63  }
0x65: {  	_ =	swait.ge [sflag:s3], $0x4000  }
0x66: {  	[sflag:s3] =	ssyncset.done $0x0  }
0x67: {  	[sflag:s3] =	ssyncadd.s32 $0xFFFFC000  }
0x68: {  	[tilespmem:s7], [sflag:$0x1] =	stream.indirect.gather [hbm4b:s5+s6], $0x80, s13, s6, $0xb8;
	[tilespmem:$0x4400] =	vst v63  }
0x69: {  	_ =	swait.ge [sflag:s8], $0x4000  }
0x6a: {  	[sflag:s8] =	ssyncset.done $0x0  }
0x6b: {  	[sflag:s8] =	ssyncadd.s32 $0xFFFFC000  }
0x6c: {  	[hbm4b:s14+s2] =	stream.linear.scatter [tilespmem:s7], [sflag:$0x2], $0x4000, $0x38;
	[tilespmem:$0x4400] =	vst v63  }
0x6d: {  	_ =	swait.ge [sflag:s3], $0x4000  }
0x6e: {  	[sflag:s3] =	ssyncset.done $0x0  }
0x6f: {  	[sflag:s3] =	ssyncadd.s32 $0xFFFFC000  }
0x70: {  	[tilespmem:s7], [sflag:$0x1] =	stream.indirect.gather [hbm4b:s5+s6], $0x80, s15, s6, $0xb8;
	[tilespmem:$0x4400] =	vst v63  }
0x71: {  	_ =	swait.ge [sflag:s8], $0x4000  }
0x72: {  	[sflag:s8] =	ssyncset.done $0x0  }
0x73: {  	[sflag:s8] =	ssyncadd.s32 $0xFFFFC000  }
0x74: {  	[hbm4b:s16+s2] =	stream.linear.scatter [tilespmem:s7], [sflag:$0x2], $0x4000, $0x38;
	[tilespmem:$0x4400] =	vst v63  }
0x75: {  	_ =	swait.ge [sflag:s3], $0x4000  }
0x76: {  	[sflag:s3] =	ssyncset.done $0x0  }
0x77: {  	[sflag:s3] =	ssyncadd.s32 $0xFFFFC000  }
0x78: {  	[tilespmem:s7], [sflag:$0x1] =	stream.indirect.gather [hbm4b:s5+s6], $0x80, s17, s6, $0xb8;
	[tilespmem:$0x4400] =	vst v63  }
0x79: {  	_ =	swait.ge [sflag:s8], $0x4000  }
0x7a: {  	[sflag:s8] =	ssyncset.done $0x0  }
0x7b: {  	[sflag:s8] =	ssyncadd.s32 $0xFFFFC000  }
0x7c: {  	[hbm4b:s18+s2] =	stream.linear.scatter [tilespmem:s7], [sflag:$0x2], $0x4000, $0x38;
	[tilespmem:$0x4400] =	vst v63  }
0x7d: {  	_ =	swait.ge [sflag:s3], $0x4000  }
0x7e: {  	[sflag:s3] =	ssyncset.done $0x0  }
0x7f: {  	[sflag:s3] =	ssyncadd.s32 $0xFFFFC000  }
0x80: {  	[tilespmem:s7], [sflag:$0x1] =	stream.indirect.gather [hbm4b:s5+s6], $0x80, s19, s6, $0xb8;
	[tilespmem:$0x4400] =	vst v63  }
0x81: {  	_ =	swait.ge [sflag:s8], $0x4000  }
0x82: {  	[sflag:s8] =	ssyncset.done $0x0  }
0x83: {  	[sflag:s8] =	ssyncadd.s32 $0xFFFFC000  }
0x84: {  	[hbm4b:s20+s2] =	stream.linear.scatter [tilespmem:s7], [sflag:$0x2], $0x4000, $0x38;
	[tilespmem:$0x4400] =	vst v63  }
0x85: {  	_ =	swait.ge [sflag:s3], $0x4000  }
0x86: {  	[sflag:s3] =	ssyncset.done $0x0  }
0x87: {  	[sflag:s3] =	ssyncadd.s32 $0xFFFFC000  }
0x88: {  	[tilespmem:s7], [sflag:$0x1] =	stream.indirect.gather [hbm4b:s5+s6], $0x80, s21, s6, $0xb8;
	[tilespmem:$0x4400] =	vst v63  }
0x89: {  	_ =	swait.ge [sflag:s8], $0x4000  }
.Ltmp1:
0x8a: {  	[sflag:s8] =	ssyncset.done $0x0;
	(pc) =	sbr.rel @p0 .LBB2_1-.Ltmp1, $4  }
0x8b: {  	[sflag:s8] =	ssyncadd.s32 $0xFFFFC000  }
0x8c: {  	[hbm4b:s22+s2] =	stream.linear.scatter [tilespmem:s7], [sflag:$0x2], $0x4000, $0x38;
	[tilespmem:$0x4400] =	vst v63  }
0x8d: {  	_ =	swait.ge [sflag:s3], $0x4000  }
0x8e: {  	[sflag:s3] =	ssyncset.done $0x0  }
.LBB2_2:
0x8f: {  	[sflag:s3] =	ssyncadd.s32 $0xFFFFC000  }
0x90: {  	_ =	sfence.sel $0x180000  }
0x91: {  	[bflag:$0x0] =	sbarrier.arrive $0xFFFF  }
0x92: {  	p0 =	sne.s32 s1, $0x0;
	_ =	strace $0x9000004D  }
0x93: {  	s0 =	sadd.s32 @!p0 $0x100000, s0;
	[bflag:$0x2] =	sbarrier.arrive $0xFFFF  }
0x94: {  	[sflag:s0] =	ssyncadd.tile.s32 @!p0 $0x1;
	_ =	shalt  }
.Lfunc_end2:
_tile_overlayer_lowered:
.L_overlay_start_2:
0x95: {  	(tag) =	ssettag $0x2  }
0x96: {  	s0 =	rddreg [dreg:$0x0];
	s2 =	stileid.u32  }
0x97: {  	s1 =	rddreg [dreg:$0x1];
	p0 =	sne.s32 s2, $0x0  }
0x98: {  	s3 =	rddreg [dreg:$0x2];
	[bflag:$0x3] =	sbarrier.arrive $0xFFFF;
	s2 =	simm.s32 @!p0 $0x1C02  }
0x99: {  	[timem:s3], [sflag:s2] =	dma.local @!p0 [hbm:s0], s1  }
0x9a: {  	s0 =	simm.s32 @!p0 $0x2  }
0x9b: {  	_ =	swait.ge @!p0 [sflag:s0], s1  }
0x9c: {  	s1 =	ssub.s32 @!p0 $0x0, s1;
	[sflag:s0] =	ssyncset.done @!p0 $0x0  }
0x9d: {  	[sflag:s0] =	ssyncadd.s32 @!p0 s1  }
0x9e: {  	[bflag:$0x3] =	sbarrier.arrive $0xFFFF  }
0x9f: {  	_ =	shalt  }

// kernel: kernel.8.cloned.1.call-start
scs
__scs_entry_jumppad:
0x0: {  	(pc) =	sbr.rel $0x88, $3  }
0x1: {  	(tag) =	ssettag $0x0;
	lr =	simm.s32 $0x1  }
0x2: {  	[smem:$0x3F94] =	sst lr;
	_ =	strace $0xD0000000  }
0x3: {  	_ = 	snop  }
0x4: {  	_ = 	snop  }
0x5: {  	_ = 	snop  }
0x6: {  	_ = 	snop  }
0x7: {  	_ = 	snop  }
__scs_overlays_trampoline_lowered:
0x8: {  	[smem:$0x3FA3] =	sst s0  }
0x9: {  	[smem:$0x3FA4] =	sst s1  }
0xa: {  	[smem:$0x3FA5] =	sst s2  }
0xb: {  	[smem:$0x3FA6] =	sst s3  }
0xc: {  	[smem:$0x3FA7] =	sst s4  }
0xd: {  	[smem:$0x3FA8] =	sst s5  }
0xe: {  	[smem:$0x3FA9] =	sst s6  }
0xf: {  	[smem:$0x3FAA] =	sst s7  }
0x10: {  	[smem:$0x3FAB] =	sst s8  }
0x11: {  	[smem:$0x3FAC] =	sst s9;
	s0 =	simm.s32 @!p0 $0x0  }
0x12: {  	s1 =	sld [smem:$0x3F92];
	s0 =	simm.s32 @p0 $0x1  }
0x13: {  	[smem:$0x3FAD] =	sst s0;
	s0 =	simm.s32 @!p1 $0x0  }
0x14: {  	s2 =	sld [smem:$0x3F91];
	s0 =	simm.s32 @p1 $0x1  }
0x15: {  	[smem:$0x3FAE] =	sst s0;
	s0 =	simm.s32 @!p2 $0x0  }
0x16: {  	s3 =	sld [smem:$0x3FDB];
	s0 =	simm.s32 @p2 $0x1  }
0x17: {  	s4 =	simm.s32 $0x1BF5;
	[smem:$0x3FB0] =	sst s0  }
0x18: {  	s0 =	sld [smem:$0x3F93];
	_ =	swait.ge [sflag:s4], $0x0  }
0x19: {  	s7 =	sld [smem:$0x3F94]  }
0x1a: {  	s8 =	sadd.s32 $0xFFFFE003, lr  }
0x1b: {  	s9 =	sadd.s32 $0xFFFFFEF7, lr;
	s5 =	simm.s32 $0xFFFFFFFF;
	p2 =	slt.u32 s8, $0xFFFFF086  }
0x1c: {  	p1 =	slt.u32 s9, $0xF7A;
	s5 =	simm.s32 @!p2 $0x0  }
0x1d: {  	s5 =	simm.s32 @p1 $0x1;
	p0 =	seq.s32 s7, s2  }
0x1e: {  	s7 =	smul.u32 @!p0 $0xF7A, s2;
	p2 =	seq.s32 @!p0 s5, $0x0  }
0x1f: {  	s9 =	smul.u32 $0xF7A, s1;
	s8 =	simm.s32 @!p0 $0x1BF5;
	p2 =	por !p2, p0  }
0x20: {  	[sflag:s8] =	ssyncset.s32 @!p0 $0xFFFFF086;
	s6 =	sadd.s32 @!p0 s3, s7;
	s7 =	simm.s32 @!p0 $0x108  }
0x21: {  	s3 =	sadd.s32 s3, s9;
	s6 =	sadd.s32 @!p0 $0x88, s6;
	s7 =	simm.s32 @p2 $0x1082  }
0x22: {  	[simem:s7], [sflag:s8] =	dma.local @!p0 [hbm:s6], $0xF7A  }
0x23: {  	s9 =	sor.u32 $0xD0000000, s2;
	s6 =	simm.s32 $0x108;
	_ =	swait.ge @!p0 [sflag:s8], $0x0  }
0x24: {  	s3 =	sadd.s32 $0x88, s3;
	s6 =	simm.s32 @!p1 $0x1082;
	[sflag:s4] =	ssyncset.s32 $0xFFFFF086  }
0x25: {  	[simem:s6], [sflag:s4] =	dma.local [hbm:s3], $0xF7A  }
0x26: {  	[smem:$0x3F94] =	sst s1;
	(tag) =	ssettag s2;
	_ =	strace s9  }
0x27: {  	s1 =	sld [smem:$0x3FA4]  }
0x28: {  	s2 =	sld [smem:$0x3FA5]  }
0x29: {  	s4 =	sld [smem:$0x3FA7]  }
0x2a: {  	p0 =	seq.s32 s5, $0x0;
	s5 =	sld [smem:$0x3FA8]  }
0x2b: {  	s6 =	sld [smem:$0x3FA9]  }
0x2c: {  	s7 =	sld [smem:$0x3FAA]  }
0x2d: {  	s3 =	simm.s32 $0x108;
	s8 =	sld [smem:$0x3FAB]  }
0x2e: {  	s3 =	simm.s32 @!p0 $0x1082;
	s9 =	sld [smem:$0x3FAC]  }
0x2f: {  	lr =	sadd.s32 s0, s3;
	s0 =	sld [smem:$0x3FA3]  }
0x30: {  	s3 =	sld [smem:$0x3FA6]  }
0x31: {  	[smem:$0x3FAF] =	sst s10  }
0x32: {  	s10 =	sld [smem:$0x3FAD];
	_ =	sdelay $0x3  }
0x33: {  	p0 =	seq.s32 s10, $0x1;
	s10 =	sld [smem:$0x3FAF];
	_ =	sdelay $0x3  }
0x34: {  	[smem:$0x3FAF] =	sst s10  }
0x35: {  	s10 =	sld [smem:$0x3FAE];
	_ =	sdelay $0x3  }
0x36: {  	p1 =	seq.s32 s10, $0x1;
	s10 =	sld [smem:$0x3FAF];
	_ =	sdelay $0x3  }
0x37: {  	[smem:$0x3FAF] =	sst s10  }
0x38: {  	s10 =	sld [smem:$0x3FB0]  }
0x39: {  	_ = 	snop;
	(pc) =	sbr.ind lr, $3  }
0x3a: {  	_ = 	snop  }
0x3b: {  	_ = 	snop  }
0x3c: {  	p2 =	seq.s32 s10, $0x1;
	s10 =	sld [smem:$0x3FAF]  }
0x3d: {  	_ =	shalt  }
0x3e: {  	_ =	shalt  }
0x3f: {  	_ =	shalt  }
0x40: {  	_ =	shalt  }
0x41: {  	_ =	shalt  }
0x42: {  	_ =	shalt  }
0x43: {  	_ =	shalt  }
0x44: {  	_ =	shalt  }
0x45: {  	_ =	shalt  }
0x46: {  	_ =	shalt  }
0x47: {  	_ =	shalt  }
0x48: {  	_ =	shalt  }
0x49: {  	_ =	shalt  }
0x4a: {  	_ =	shalt  }
0x4b: {  	_ =	shalt  }
0x4c: {  	_ =	shalt  }
0x4d: {  	_ =	shalt  }
0x4e: {  	_ =	shalt  }
0x4f: {  	_ =	shalt  }
0x50: {  	_ =	shalt  }
0x51: {  	_ =	shalt  }
0x52: {  	_ =	shalt  }
0x53: {  	_ =	shalt  }
0x54: {  	_ =	shalt  }
0x55: {  	_ =	shalt  }
0x56: {  	_ =	shalt  }
0x57: {  	_ =	shalt  }
0x58: {  	_ =	shalt  }
0x59: {  	_ =	shalt  }
0x5a: {  	_ =	shalt  }
0x5b: {  	_ =	shalt  }
0x5c: {  	_ =	shalt  }
0x5d: {  	_ =	shalt  }
0x5e: {  	_ =	shalt  }
0x5f: {  	_ =	shalt  }
0x60: {  	_ =	shalt  }
0x61: {  	_ =	shalt  }
0x62: {  	_ =	shalt  }
0x63: {  	_ =	shalt  }
0x64: {  	_ =	shalt  }
0x65: {  	_ =	shalt  }
0x66: {  	_ =	shalt  }
0x67: {  	_ =	shalt  }
0x68: {  	_ =	shalt  }
0x69: {  	_ =	shalt  }
0x6a: {  	_ =	shalt  }
0x6b: {  	_ =	shalt  }
0x6c: {  	_ =	shalt  }
0x6d: {  	_ =	shalt  }
0x6e: {  	_ =	shalt  }
0x6f: {  	_ =	shalt  }
0x70: {  	_ =	shalt  }
0x71: {  	_ =	shalt  }
0x72: {  	_ =	shalt  }
0x73: {  	_ =	shalt  }
0x74: {  	_ =	shalt  }
0x75: {  	_ =	shalt  }
0x76: {  	_ =	shalt  }
0x77: {  	_ =	shalt  }
0x78: {  	_ =	shalt  }
0x79: {  	_ =	shalt  }
0x7a: {  	_ =	shalt  }
0x7b: {  	_ =	shalt  }
0x7c: {  	_ =	shalt  }
0x7d: {  	_ =	shalt  }
0x7e: {  	_ =	shalt  }
0x7f: {  	_ =	shalt  }
0x80: {  	_ =	shalt  }
0x81: {  	_ =	shalt  }
0x82: {  	_ =	shalt  }
0x83: {  	_ =	shalt  }
0x84: {  	_ =	shalt  }
0x85: {  	_ =	shalt  }
0x86: {  	_ =	shalt  }
0x87: {  	_ =	shalt  }
.Lfunc_end0:
.L_simem_size_0:
called_computation_lowered:
.L_overlay_start_0:
0x88: {  	s2 =	sld [smem:$0x3FD9]  }
0x89: {  	s3 =	sld [smem:$0x3FFE];
	_ =	sdelay $0x1  }
0x8a: {  	s1 =	srdreg.scid  }
0x8b: {  	s0 =	sand.u32 $0x1, s1  }
0x8c: {  	s17 =	sshll.u32 s0, $0xA;
	s2 =	sadd.s32 s3, s2  }
0x8d: {  	s2 =	sadd.s32 s2, s17  }
0x8e: {  	[smem:$0x3FBB] =	sst s2  }
0x8f: {  	_ = 	snop  }
0x90: {  	s2 =	sld [smem:$0x3FD0];
	(tm) =	ssettm $0x1  }
0x91: {  	s18 =	sld [smem:$0x3FFB];
	_ =	sdelay $0x3  }
0x92: {  	_ =	strace s18  }
0x93: {  	s3 =	sld [smem:$0x3FFC];
	_ =	sdelay $0x3  }
0x94: {  	_ =	strace s3  }
0x95: {  	s3 =	sld [smem:$0x3FFD];
	_ =	sdelay $0x3  }
0x96: {  	_ =	strace s3  }
0x97: {  	_ =	strace $0x8FFFFFFF  }
0x98: {  	s19 =	sld [smem:$0x3FDB];
	_ =	sdelay $0x1  }
0x99: {  	s4 =	simm.s32 $_scs_section_size  }
0x9a: {  	s5 =	simm.s32 $_size__tile_overlayer_lowered;
	s6 =	simm.s32 $_tile_overlayer_lowered  }
0x9b: {  	s22 =	simm.s32 $0x1BFF;
	s21 =	sshll.u32 s6, $0x1;
	s3 =	sadd.s32 s4, s19  }
0x9c: {  	s7 =	simm.s32 $0x0;
	s20 =	sshll.u32 s5, $0x1;
	s5 =	sadd.s32 s21, s3  }
0x9d: {  	[timem:s7], [sflag:s22] =	dma.local [hbm:s5], s20  }
0x9e: {  	_ =	swait.ge [sflag:s22], s20  }
0x9f: {  	s4 =	ssub.s32 $0x0, s20;
	[sflag:s22] =	ssyncset.done $0x0  }
0xa0: {  	[sflag:s22] =	ssyncadd.s32 s4;
	_ =	sdelay $0x1  }
0xa1: {  	s23 =	simm.s32 $0x1B8B  }
0xa2: {  	_ =	swait.ge [sflag:s23], $0x1  }
0xa3: {  	[sflag:s23] =	ssyncset.done $0x0  }
0xa4: {  	s25 =	simm.s32 $0x1B8E;
	s24 =	sld [smem:$0x3FFE];
	[sflag:s23] =	ssyncadd.s32 $0xFFFFFFFF  }
0xa5: {  	s26 =	simm.s32 $execute0_lowered;
	[smem:$0x3FD2] =	sst s25  }
0xa6: {  	s5 =	sshll.u32 s26, $0x1;
	_ =	strace $0x80000046;
	[dreg:$0x1] =	wrdreg $0xFFFFFFFF  }
0xa7: {  	s28 =	simm.s32 $_size_execute0_lowered;
	s3 =	sadd.s32 s3, s5;
	[dreg:$0x0] =	wrdreg $0x0  }
0xa8: {  	s5 =	sshll.u32 s28, $0x1;
	[dreg:$0x2] =	wrdreg s3  }
0xa9: {  	[dreg:$0x3] =	wrdreg s5  }
0xaa: {  	[dreg:$0x4] =	wrdreg $0xC0  }
0xab: {  	_ =	task [dreg:s7], $0x5FFFF  }
0xac: {  	[dreg:$0x1] =	wrdreg $0xFFFFFFFF  }
0xad: {  	[dreg:$0x0] =	wrdreg $0x60  }
0xae: {  	[dreg:$0x2] =	wrdreg s24  }
0xaf: {  	[dreg:$0x3] =	wrdreg s2  }
0xb0: {  	[dreg:$0x4] =	wrdreg $0x9E800  }
0xb1: {  	[dreg:$0x5] =	wrdreg $0x9  }
0xb2: {  	_ =	task.clear_ibuf [dreg:s7], $0x6FFFF;
	_ =	strace $0x90000046  }
0xb3: {  	s29 =	simm.s32 $0x9;
	_ =	strace $0x80000048  }
0xb4: {  	_ =	swait.ge [sflag:s29], $0x1  }
0xb5: {  	[sflag:s29] =	ssyncadd.s32 $0xFFFFFFFF  }
0xb6: {  	_ =	strace $0x90000048  }
0xb7: {  	_ =	sfence  }
0xb8: {  	s30 =	sld [smem:$0x0];
	_ =	sdelay $0x2  }
0xb9: {  	s31 =	sshll.u32 s1, $0xD;
	s1 =	sshrl.u32 s1, $0x2  }
0xba: {  	s3 =	sand.u32 $0x4000, s31;
	s1 =	sadd.s32 s1, s30  }
0xbb: {  	s0 =	sor.u32 s3, s0;
	s1 =	sshll.u32 s1, $0x11  }
0xbc: {  	s0 =	sor.u32 s1, s0  }
0xbd: {  	s0 =	sadd.s32 $0x8F2B, s0  }
0xbe: {  	[sflag:s0] =	ssyncadd.remote.s32 $0x1  }
0xbf: {  	_ =	sfence.sel $0xFFFF  }
0xc0: {  	[dreg:$0x0] =	wrdreg $0xFFFFFFFF;
	(pc) =	sbr.abs _section_cstart, $3  }
0xc1: {  	[dreg:$0x1] =	wrdreg $0xFFFFFFFF  }
0xc2: {  	_ =	task.clear_ibuf [dreg:s7], $0x2FFFF;
	_ =	strace $0x9FFFFFFF  }
0xc3: {  	(tm) =	ssettm $0x7FFFFFFF  }
tec
execute0_lowered:
.L_overlay_start_1:
0x0: {  	(tag) =	ssettag $0x1  }
0x1: {  	s0 =	rddreg [dreg:$0x0]  }
0x2: {  	s2 =	srdreg.scid;
	s9 =	stileid.u32  }
0x3: {  	s1 =	rddreg [dreg:$0x1];
	s5 =	sand.u32 $0x1, s2;
	s6 =	smul.u32 $0x4E20, s9  }
0x4: {  	s3 =	rddreg [dreg:$0x2];
	s4 =	smul.u32 $0x4E200, s5  }
0x5: {  	s2 =	simm.s32 $0x0;
	s7 =	smul.u32 $0xA000, s9;
	s11 =	ssub.s32 $0x2, s5  }
0x6: {  	s9 =	smul.u32 $0x280, s9;
	s8 =	sshrl.u32 s11, $0x1;
	s4 =	sadd.s32 s6, s4  }
0x7: {  	[smem:$0x7FF] =	sst s2;
	s6 =	ssub.s32 s11, s8;
	s4 =	sshrl.u32 s4, $0x3  }
0x8: {  	_ =	strace $0x80000047;
	s8 =	smax.u32 s6, $0x1;
	s0 =	sadd.s32 s4, s0  }
0x9: {  	s4 =	sadd.s32 s9, s3;
	[dreg:$0x16] =	wrdreg s8;
	s0 =	sadd.s32 $0x3400, s0  }
0xa: {  	s13 =	sadd.s32 $0x2800, s4;
	[dreg:$0x4] =	wrdreg s0  }
0xb: {  	s14 =	sadd.s32 $0x5000, s4;
	[dreg:$0x6] =	wrdreg s13  }
0xc: {  	s15 =	sadd.s32 $0x7800, s4;
	[dreg:$0x7] =	wrdreg s14  }
0xd: {  	s16 =	sadd.s32 $0xA000, s4;
	[dreg:$0x8] =	wrdreg s15  }
0xe: {  	s17 =	sadd.s32 $0xC800, s4;
	[dreg:$0x9] =	wrdreg s16  }
0xf: {  	s18 =	sadd.s32 $0xF000, s4;
	[dreg:$0xa] =	wrdreg s17  }
0x10: {  	s19 =	sadd.s32 $0x11800, s4;
	[dreg:$0xb] =	wrdreg s18  }
0x11: {  	s21 =	sadd.s32 $0x14000, s4;
	[dreg:$0xc] =	wrdreg s19  }
0x12: {  	s22 =	sadd.s32 $0x16800, s4;
	[dreg:$0xd] =	wrdreg s21  }
0x13: {  	s23 =	sadd.s32 $0x19000, s4;
	[dreg:$0xe] =	wrdreg s22  }
0x14: {  	s24 =	sadd.s32 $0x1B800, s4;
	[dreg:$0xf] =	wrdreg s23  }
0x15: {  	s25 =	sadd.s32 $0x1E000, s4;
	[dreg:$0x10] =	wrdreg s24  }
0x16: {  	s26 =	sadd.s32 $0x20800, s4;
	[dreg:$0x11] =	wrdreg s25  }
0x17: {  	s20 =	smul.u32 $0x2800, s5;
	s5 =	sadd.s32 $0x23000, s4;
	[dreg:$0x12] =	wrdreg s26  }
0x18: {  	s12 =	sshrl.u32 s7, $0x2;
	s7 =	sadd.s32 $0x25800, s4;
	[dreg:$0x13] =	wrdreg s5  }
0x19: {  	s10 =	sadd.s32 $0x100, s4;
	[dreg:$0x14] =	wrdreg s7  }
0x1a: {  	s11 =	sadd.s32 $0x180, s4;
	[dreg:$0x18] =	wrdreg s10  }
0x1b: {  	s6 =	sadd.s32 $0xC900, s4;
	[dreg:$0x19] =	wrdreg s11  }
0x1c: {  	s8 =	sadd.s32 $0xCA00, s4;
	[smem:$0x7E9] =	sst s6  }
0x1d: {  	s0 =	sadd.s32 s12, s3;
	[smem:$0x7EB] =	sst s8  }
0x1e: {  	s12 =	sadd.s32 $0x200, s4;
	[dreg:$0x5] =	wrdreg s0  }
0x1f: {  	s13 =	sadd.s32 $0x2880, s4;
	[dreg:$0x1a] =	wrdreg s12  }
0x20: {  	s14 =	sadd.s32 $0x2900, s4;
	[dreg:$0x1b] =	wrdreg s13  }
0x21: {  	s15 =	sadd.s32 $0x2980, s4;
	[dreg:$0x1c] =	wrdreg s14  }
0x22: {  	s16 =	sadd.s32 $0x2A00, s4;
	[dreg:$0x1d] =	wrdreg s15  }
0x23: {  	s17 =	sadd.s32 $0x5080, s4;
	[dreg:$0x1e] =	wrdreg s16  }
0x24: {  	s18 =	sadd.s32 $0x5100, s4;
	[dreg:$0x1f] =	wrdreg s17  }
0x25: {  	s19 =	sadd.s32 $0x5180, s4;
	[smem:$0x7DD] =	sst s18  }
0x26: {  	s21 =	sadd.s32 $0x7880, s4;
	[smem:$0x7DE] =	sst s19  }
0x27: {  	s22 =	sadd.s32 $0x7900, s4;
	[smem:$0x7E0] =	sst s21  }
0x28: {  	s23 =	sadd.s32 $0x7980, s4;
	[smem:$0x7E1] =	sst s22  }
0x29: {  	s24 =	sadd.s32 $0x7A00, s4;
	[smem:$0x7E2] =	sst s23  }
0x2a: {  	s25 =	sadd.s32 $0xA080, s4;
	[smem:$0x7E3] =	sst s24  }
0x2b: {  	s26 =	sadd.s32 $0xA100, s4;
	[smem:$0x7E4] =	sst s25  }
0x2c: {  	s3 =	sadd.s32 $0xA200, s4;
	[smem:$0x7E5] =	sst s26  }
0x2d: {  	s5 =	sadd.s32 $0xC880, s4;
	[smem:$0x7E7] =	sst s3  }
0x2e: {  	s7 =	sadd.s32 $0xC980, s4;
	[smem:$0x7E8] =	sst s5  }
0x2f: {  	s10 =	sadd.s32 $0xF100, s4;
	[smem:$0x7EA] =	sst s7  }
0x30: {  	s11 =	sadd.s32 $0xF180, s4;
	[smem:$0x7ED] =	sst s10  }
0x31: {  	s0 =	sadd.s32 s9, s20;
	s9 =	sadd.s32 $0x80, s4;
	[smem:$0x7EE] =	sst s11  }
0x32: {  	s20 =	sadd.s32 $0x5200, s4;
	[dreg:$0x17] =	wrdreg s9  }
0x33: {  	s12 =	sadd.s32 $0xF200, s4;
	[smem:$0x7DF] =	sst s20  }
0x34: {  	s13 =	sadd.s32 $0x11880, s4;
	[smem:$0x7EF] =	sst s12  }
0x35: {  	s14 =	sadd.s32 $0x11900, s4;
	[smem:$0x7F0] =	sst s13  }
0x36: {  	s15 =	sadd.s32 $0x11980, s4;
	[smem:$0x7F1] =	sst s14  }
0x37: {  	s30 =	simm.s32 $0x1;
	s16 =	sadd.s32 $0x11A00, s4;
	[smem:$0x7F2] =	sst s15  }
0x38: {  	s31 =	simm.s32 $0x0;
	s17 =	sadd.s32 $0x14080, s4;
	[smem:$0x7F3] =	sst s16  }
0x39: {  	s28 =	sadd.s32 $0x25980, s4;
	s18 =	sadd.s32 $0x14100, s4;
	[smem:$0x7F4] =	sst s17  }
0x3a: {  	s29 =	sadd.s32 $0x25A00, s4;
	s19 =	sadd.s32 $0x14180, s4;
	[smem:$0x7F5] =	sst s18  }
0x3b: {  	s8 =	sadd.s32 $0x19200, s4;
	s21 =	sadd.s32 $0x16880, s4;
	[smem:$0x7F6] =	sst s19  }
0x3c: {  	s22 =	sadd.s32 $0x16900, s4;
	s23 =	sadd.s32 $0x16980, s4;
	[smem:$0x7F8] =	sst s21  }
0x3d: {  	s24 =	sadd.s32 $0x16A00, s4;
	s25 =	sadd.s32 $0x19080, s4;
	[smem:$0x7F9] =	sst s22  }
0x3e: {  	s26 =	sadd.s32 $0x19100, s4;
	s7 =	sadd.s32 $0x19180, s4;
	[smem:$0x7FA] =	sst s23  }
0x3f: {  	s10 =	sadd.s32 $0x1B900, s4;
	s11 =	sadd.s32 $0x1B980, s4;
	[smem:$0x7FB] =	sst s24  }
0x40: {  	s0 =	sshrl.u32 s0, $0x3;
	s9 =	sadd.s32 $0xF080, s4;
	[smem:$0x7FC] =	sst s25  }
0x41: {  	s20 =	sadd.s32 $0x14200, s4;
	[smem:$0x7FD] =	sst s26;
	s12 =	sadd.s32 $0x1BA00, s4  }
0x42: {  	s13 =	sadd.s32 $0x1E080, s4;
	s14 =	sadd.s32 $0x1E100, s4;
	s15 =	sadd.s32 $0x1E180, s4  }
0x43: {  	s16 =	sadd.s32 $0x1E200, s4;
	s17 =	sadd.s32 $0x20880, s4;
	s18 =	sadd.s32 $0x20900, s4  }
0x44: {  	s19 =	sadd.s32 $0x20980, s4;
	s21 =	sadd.s32 $0x23080, s4;
	s22 =	sadd.s32 $0x23100, s4  }
0x45: {  	s23 =	sadd.s32 $0x23180, s4;
	s24 =	sadd.s32 $0x23200, s4;
	[smem:$0x7EC] =	sst s9  }
0x46: {  	s25 =	sadd.s32 $0x25880, s4;
	s0 =	sadd.s32 s1, s0;
	[smem:$0x7F7] =	sst s20  }
0x47: {  	s26 =	sadd.s32 $0x25900, s4;
	s1 =	sadd.s32 $0xA180, s4;
	[dreg:$0x15] =	wrdreg s0  }
0x48: {  	v0 =	vimm.f32 $0.0e+00;
	v1 =	vimm.f32 $1.000000000e+00;
	s9 =	sadd.s32 $0x1B880, s4;
	s20 =	sadd.s32 $0x20A00, s4;
	[smem:$0x7E6] =	sst s1  }
.LBB2_1:
0x49: {  	s0 =	simm.s32 $0x40;
	s1 =	simm.s32 $0x0  }
.LBB2_2:
0x4a: {  	p0 =	sne.s32 s0, $0x9FC0;
	[tilespmem:s1+$0x0] =	vst v0;
	s1 =	smov.u32 s0;
	s0 =	sadd.s32 $0x40, s0  }
.Ltmp0:
0x4b: {  	(pc) =	sbr.rel @p0 .LBB2_2-.Ltmp0, $2  }
0x4c: {  	_ =	sdelay $0x2  }
0x4d: {  	s1 =	sshra.s32 s1, $0x2  }
0x4e: {  	[tilespmem:s1+$0x0] =	vst v0;
	s0 =	simm.s32 $0x0;
	s6 =	rddreg [dreg:$0x4];
	s3 =	simm.s32 $0x2800  }
0x4f: {  	[tilespmem:s3], [sflag:$0x1] =	stream.linear.gather [hbm4b:s6+s0], $0x4E20, $0x38;
	[tilespmem:$0xC680] =	vst v63  }
0x50: {  	_ =	swait.ge [sflag:s30], $0x4E20  }
0x51: {  	[sflag:s30] =	ssyncset.done $0x0  }
0x52: {  	s1 =	simm.s32 $0x0;
	s0 =	simm.s32 $0x40;
	[sflag:s30] =	ssyncadd.s32 $0xFFFFB1E0  }
.LBB2_4:
0x53: {  	p0 =	sne.s32 s0, $0x13840;
	v2 =	vld [tilespmem:s1+$0x2800];
	_ =	sdelay $0x3  }
.Ltmp1:
0x54: {  	(pc) =	sbr.rel @p0 .LBB2_4-.Ltmp1, $2  }
0x55: {  	_ =	sdelay $0x2  }
0x56: {  	s1 =	sshra.s32 s0, $0x2;
	s0 =	sadd.s32 $0x40, s0;
	[tilespmem:v2+s2+$0x0] =	vst.idx.add.f32.msk $0xffff, v1  }
0x57: {  	v2 =	vld [tilespmem:s1+$0x2800];
	_ =	sdelay $0x7  }
0x58: {  	s0 =	simm.s32 $0x0;
	s3 =	rddreg [dreg:$0x5];
	[tilespmem:v2+s2+$0x0] =	vst.idx.add.f32.msk $0xffff, v1  }
0x59: {  	[spmem:s3] =	stream.linear.scatter [tilespmem:s0], [sflag:$0x1], $0x2800, $0x38;
	[tilespmem:$0xC680] =	vst v63  }
0x5a: {  	_ =	swait.ge [sflag:s30], $0x2800  }
0x5b: {  	[sflag:s30] =	ssyncset.done $0x0  }
0x5c: {  	[sflag:s30] =	ssyncadd.s32 $0xFFFFD800  }
0x5d: {  	s5 =	simm.s32 $0x7680;
	[bflag:$0x0] =	sbarrier.arrive $0xFFFF  }
0x5e: {  	[tilespmem:s5], [sflag:$0x1] =	stream.linear.gather [spmem:s4], $0x80, $0x38;
	[tilespmem:$0xC680] =	vst v63  }
0x5f: {  	s3 =	simm.s32 $0x7A80;
	s6 =	rddreg [dreg:$0x17]  }
0x60: {  	[tilespmem:s3], [sflag:$0x1] =	stream.linear.gather [spmem:s6], $0x80, $0x38;
	[tilespmem:$0xC680] =	vst v63  }
0x61: {  	s5 =	rddreg [dreg:$0x18];
	s6 =	simm.s32 $0x7E80  }
0x62: {  	[tilespmem:s6], [sflag:$0x1] =	stream.linear.gather [spmem:s5], $0x80, $0x38;
	[tilespmem:$0xC680] =	vst v63  }
0x63: {  	s5 =	rddreg [dreg:$0x19];
	s6 =	simm.s32 $0x8280  }
0x64: {  	[tilespmem:s6], [sflag:$0x1] =	stream.linear.gather [spmem:s5], $0x80, $0x38;
	[tilespmem:$0xC680] =	vst v63  }
0x65: {  	s5 =	rddreg [dreg:$0x1a];
	s6 =	simm.s32 $0x8680  }
0x66: {  	[tilespmem:s6], [sflag:$0x1] =	stream.linear.gather [spmem:s5], $0x80, $0x38;
	[tilespmem:$0xC680] =	vst v63  }
0x67: {  	_ =	swait.ge [sflag:s30], $0x280  }
0x68: {  	[sflag:s30] =	ssyncset.done $0x0  }
0x69: {  	s6 =	simm.s32 $0x7700;
	s5 =	rddreg [dreg:$0x6];
	[sflag:s30] =	ssyncadd.s32 $0xFFFFFD80  }
0x6a: {  	[tilespmem:s6], [sflag:$0x1] =	stream.linear.gather [spmem:s5], $0x80, $0x38;
	[tilespmem:$0xC680] =	vst v63  }
0x6b: {  	s5 =	rddreg [dreg:$0x1b];
	s6 =	simm.s32 $0x7B00  }
0x6c: {  	[tilespmem:s6], [sflag:$0x1] =	stream.linear.gather [spmem:s5], $0x80, $0x38;
	[tilespmem:$0xC680] =	vst v63  }
0x6d: {  	s5 =	rddreg [dreg:$0x1c];
	s6 =	simm.s32 $0x7F00  }
0x6e: {  	[tilespmem:s6], [sflag:$0x1] =	stream.linear.gather [spmem:s5], $0x80, $0x38;
	[tilespmem:$0xC680] =	vst v63  }
0x6f: {  	s5 =	rddreg [dreg:$0x1d];
	s6 =	simm.s32 $0x8300  }
0x70: {  	[tilespmem:s6], [sflag:$0x1] =	stream.linear.gather [spmem:s5], $0x80, $0x38;
	[tilespmem:$0xC680] =	vst v63  }
0x71: {  	s5 =	rddreg [dreg:$0x1e];
	s6 =	simm.s32 $0x8700  }
0x72: {  	[tilespmem:s6], [sflag:$0x1] =	stream.linear.gather [spmem:s5], $0x80, $0x38;
	[tilespmem:$0xC680] =	vst v63  }
0x73: {  	_ =	swait.ge [sflag:s30], $0x280  }
0x74: {  	[sflag:s30] =	ssyncset.done $0x0  }
0x75: {  	s6 =	simm.s32 $0x7780;
	s5 =	rddreg [dreg:$0x7];
	[sflag:s30] =	ssyncadd.s32 $0xFFFFFD80  }
0x76: {  	[tilespmem:s6], [sflag:$0x1] =	stream.linear.gather [spmem:s5], $0x80, $0x38;
	[tilespmem:$0xC680] =	vst v63  }
0x77: {  	s5 =	rddreg [dreg:$0x1f];
	s6 =	simm.s32 $0x7B80  }
0x78: {  	[tilespmem:s6], [sflag:$0x1] =	stream.linear.gather [spmem:s5], $0x80, $0x38;
	[tilespmem:$0xC680] =	vst v63  }
0x79: {  	s5 =	sld [smem:$0x7DD];
	_ =	sdelay $0x1  }
0x7a: {  	s6 =	simm.s32 $0x7F80  }
0x7b: {  	[tilespmem:s6], [sflag:$0x1] =	stream.linear.gather [spmem:s5], $0x80, $0x38;
	[tilespmem:$0xC680] =	vst v63  }
0x7c: {  	s5 =	sld [smem:$0x7DE];
	_ =	sdelay $0x1  }
0x7d: {  	s6 =	simm.s32 $0x8380  }
0x7e: {  	[tilespmem:s6], [sflag:$0x1] =	stream.linear.gather [spmem:s5], $0x80, $0x38;
	[tilespmem:$0xC680] =	vst v63  }
0x7f: {  	s5 =	sld [smem:$0x7DF];
	_ =	sdelay $0x1  }
0x80: {  	s6 =	simm.s32 $0x8780  }
0x81: {  	[tilespmem:s6], [sflag:$0x1] =	stream.linear.gather [spmem:s5], $0x80, $0x38;
	[tilespmem:$0xC680] =	vst v63  }
0x82: {  	_ =	swait.ge [sflag:s30], $0x280  }
0x83: {  	[sflag:s30] =	ssyncset.done $0x0  }
0x84: {  	s6 =	simm.s32 $0x7800;
	s5 =	rddreg [dreg:$0x8];
	[sflag:s30] =	ssyncadd.s32 $0xFFFFFD80  }
0x85: {  	[tilespmem:s6], [sflag:$0x1] =	stream.linear.gather [spmem:s5], $0x80, $0x38;
	[tilespmem:$0xC680] =	vst v63  }
0x86: {  	s5 =	sld [smem:$0x7E0];
	_ =	sdelay $0x1  }
0x87: {  	s6 =	simm.s32 $0x7C00  }
0x88: {  	[tilespmem:s6], [sflag:$0x1] =	stream.linear.gather [spmem:s5], $0x80, $0x38;
	[tilespmem:$0xC680] =	vst v63  }
0x89: {  	s5 =	sld [smem:$0x7E1];
	_ =	sdelay $0x1  }
0x8a: {  	s6 =	simm.s32 $0x8000  }
0x8b: {  	[tilespmem:s6], [sflag:$0x1] =	stream.linear.gather [spmem:s5], $0x80, $0x38;
	[tilespmem:$0xC680] =	vst v63  }
0x8c: {  	s5 =	sld [smem:$0x7E2];
	_ =	sdelay $0x1  }
0x8d: {  	s6 =	simm.s32 $0x8400  }
0x8e: {  	[tilespmem:s6], [sflag:$0x1] =	stream.linear.gather [spmem:s5], $0x80, $0x38;
	[tilespmem:$0xC680] =	vst v63  }
0x8f: {  	s5 =	sld [smem:$0x7E3];
	_ =	sdelay $0x1  }
0x90: {  	s6 =	simm.s32 $0x8800  }
0x91: {  	[tilespmem:s6], [sflag:$0x1] =	stream.linear.gather [spmem:s5], $0x80, $0x38;
	[tilespmem:$0xC680] =	vst v63  }
0x92: {  	_ =	swait.ge [sflag:s30], $0x280  }
0x93: {  	[sflag:s30] =	ssyncset.done $0x0  }
0x94: {  	s6 =	simm.s32 $0x7880;
	s5 =	rddreg [dreg:$0x9];
	[sflag:s30] =	ssyncadd.s32 $0xFFFFFD80  }
0x95: {  	[tilespmem:s6], [sflag:$0x1] =	stream.linear.gather [spmem:s5], $0x80, $0x38;
	[tilespmem:$0xC680] =	vst v63  }
0x96: {  	s5 =	sld [smem:$0x7E4];
	_ =	sdelay $0x1  }
0x97: {  	s6 =	simm.s32 $0x7C80  }
0x98: {  	[tilespmem:s6], [sflag:$0x1] =	stream.linear.gather [spmem:s5], $0x80, $0x38;
	[tilespmem:$0xC680] =	vst v63  }
0x99: {  	s5 =	sld [smem:$0x7E5];
	_ =	sdelay $0x1  }
0x9a: {  	s6 =	simm.s32 $0x8080  }
0x9b: {  	[tilespmem:s6], [sflag:$0x1] =	stream.linear.gather [spmem:s5], $0x80, $0x38;
	[tilespmem:$0xC680] =	vst v63  }
0x9c: {  	s5 =	sld [smem:$0x7E6];
	_ =	sdelay $0x1  }
0x9d: {  	s6 =	simm.s32 $0x8480  }
0x9e: {  	[tilespmem:s6], [sflag:$0x1] =	stream.linear.gather [spmem:s5], $0x80, $0x38;
	[tilespmem:$0xC680] =	vst v63  }
0x9f: {  	s5 =	sld [smem:$0x7E7];
	_ =	sdelay $0x1  }
0xa0: {  	s6 =	simm.s32 $0x8880  }
0xa1: {  	[tilespmem:s6], [sflag:$0x1] =	stream.linear.gather [spmem:s5], $0x80, $0x38;
	[tilespmem:$0xC680] =	vst v63  }
0xa2: {  	_ =	swait.ge [sflag:s30], $0x280  }
0xa3: {  	[sflag:s30] =	ssyncset.done $0x0  }
0xa4: {  	s6 =	simm.s32 $0x7900;
	s5 =	rddreg [dreg:$0xa];
	[sflag:s30] =	ssyncadd.s32 $0xFFFFFD80  }
0xa5: {  	[tilespmem:s6], [sflag:$0x1] =	stream.linear.gather [spmem:s5], $0x80, $0x38;
	[tilespmem:$0xC680] =	vst v63  }
0xa6: {  	s5 =	sld [smem:$0x7E8];
	_ =	sdelay $0x1  }
0xa7: {  	s6 =	simm.s32 $0x7D00  }
0xa8: {  	[tilespmem:s6], [sflag:$0x1] =	stream.linear.gather [spmem:s5], $0x80, $0x38;
	[tilespmem:$0xC680] =	vst v63  }
0xa9: {  	s5 =	sld [smem:$0x7E9];
	_ =	sdelay $0x1  }
0xaa: {  	s6 =	simm.s32 $0x8100  }
0xab: {  	[tilespmem:s6], [sflag:$0x1] =	stream.linear.gather [spmem:s5], $0x80, $0x38;
	[tilespmem:$0xC680] =	vst v63  }
0xac: {  	s5 =	sld [smem:$0x7EA];
	_ =	sdelay $0x1  }
0xad: {  	s6 =	simm.s32 $0x8500  }
0xae: {  	[tilespmem:s6], [sflag:$0x1] =	stream.linear.gather [spmem:s5], $0x80, $0x38;
	[tilespmem:$0xC680] =	vst v63  }
0xaf: {  	s5 =	sld [smem:$0x7EB];
	_ =	sdelay $0x1  }
0xb0: {  	s6 =	simm.s32 $0x8900  }
0xb1: {  	[tilespmem:s6], [sflag:$0x1] =	stream.linear.gather [spmem:s5], $0x80, $0x38;
	[tilespmem:$0xC680] =	vst v63  }
0xb2: {  	_ =	swait.ge [sflag:s30], $0x280  }
0xb3: {  	[sflag:s30] =	ssyncset.done $0x0  }
0xb4: {  	s6 =	simm.s32 $0x7980;
	s5 =	rddreg [dreg:$0xb];
	[sflag:s30] =	ssyncadd.s32 $0xFFFFFD80  }
0xb5: {  	[tilespmem:s6], [sflag:$0x1] =	stream.linear.gather [spmem:s5], $0x80, $0x38;
	[tilespmem:$0xC680] =	vst v63  }
0xb6: {  	s5 =	sld [smem:$0x7EC];
	_ =	sdelay $0x1  }
0xb7: {  	s6 =	simm.s32 $0x7D80  }
0xb8: {  	[tilespmem:s6], [sflag:$0x1] =	stream.linear.gather [spmem:s5], $0x80, $0x38;
	[tilespmem:$0xC680] =	vst v63  }
0xb9: {  	s5 =	sld [smem:$0x7ED];
	_ =	sdelay $0x1  }
0xba: {  	s6 =	simm.s32 $0x8180  }
0xbb: {  	[tilespmem:s6], [sflag:$0x1] =	stream.linear.gather [spmem:s5], $0x80, $0x38;
	[tilespmem:$0xC680] =	vst v63  }
0xbc: {  	s5 =	sld [smem:$0x7EE];
	_ =	sdelay $0x1  }
0xbd: {  	s6 =	simm.s32 $0x8580  }
0xbe: {  	[tilespmem:s6], [sflag:$0x1] =	stream.linear.gather [spmem:s5], $0x80, $0x38;
	[tilespmem:$0xC680] =	vst v63  }
0xbf: {  	s5 =	sld [smem:$0x7EF];
	_ =	sdelay $0x1  }
0xc0: {  	s6 =	simm.s32 $0x8980  }
0xc1: {  	[tilespmem:s6], [sflag:$0x1] =	stream.linear.gather [spmem:s5], $0x80, $0x38;
	[tilespmem:$0xC680] =	vst v63  }
0xc2: {  	_ =	swait.ge [sflag:s30], $0x280  }
0xc3: {  	[sflag:s30] =	ssyncset.done $0x0  }
0xc4: {  	s6 =	simm.s32 $0x7A00;
	s5 =	rddreg [dreg:$0xc];
	[sflag:s30] =	ssyncadd.s32 $0xFFFFFD80  }
0xc5: {  	[tilespmem:s6], [sflag:$0x1] =	stream.linear.gather [spmem:s5], $0x80, $0x38;
	[tilespmem:$0xC680] =	vst v63  }
0xc6: {  	s5 =	sld [smem:$0x7F0];
	_ =	sdelay $0x1  }
0xc7: {  	s6 =	simm.s32 $0x7E00  }
0xc8: {  	[tilespmem:s6], [sflag:$0x1] =	stream.linear.gather [spmem:s5], $0x80, $0x38;
	[tilespmem:$0xC680] =	vst v63  }
0xc9: {  	s5 =	sld [smem:$0x7F1];
	_ =	sdelay $0x1  }
0xca: {  	s6 =	simm.s32 $0x8200  }
0xcb: {  	[tilespmem:s6], [sflag:$0x1] =	stream.linear.gather [spmem:s5], $0x80, $0x38;
	[tilespmem:$0xC680] =	vst v63  }
0xcc: {  	s5 =	sld [smem:$0x7F2];
	_ =	sdelay $0x1  }
0xcd: {  	s6 =	simm.s32 $0x8600  }
0xce: {  	[tilespmem:s6], [sflag:$0x1] =	stream.linear.gather [spmem:s5], $0x80, $0x38;
	[tilespmem:$0xC680] =	vst v63  }
0xcf: {  	s5 =	sld [smem:$0x7F3];
	_ =	sdelay $0x1  }
0xd0: {  	s6 =	simm.s32 $0x8A00  }
0xd1: {  	[tilespmem:s6], [sflag:$0x1] =	stream.linear.gather [spmem:s5], $0x80, $0x38;
	[tilespmem:$0xC680] =	vst v63  }
0xd2: {  	_ =	swait.ge [sflag:s30], $0x280  }
0xd3: {  	[sflag:s30] =	ssyncset.done $0x0  }
0xd4: {  	s6 =	simm.s32 $0x8A80;
	s5 =	rddreg [dreg:$0xd];
	[sflag:s30] =	ssyncadd.s32 $0xFFFFFD80  }
0xd5: {  	[tilespmem:s6], [sflag:$0x1] =	stream.linear.gather [spmem:s5], $0x80, $0x38;
	[tilespmem:$0xC680] =	vst v63  }
0xd6: {  	s5 =	sld [smem:$0x7F4];
	_ =	sdelay $0x1  }
0xd7: {  	s6 =	simm.s32 $0x8E80  }
0xd8: {  	[tilespmem:s6], [sflag:$0x1] =	stream.linear.gather [spmem:s5], $0x80, $0x38;
	[tilespmem:$0xC680] =	vst v63  }
0xd9: {  	s5 =	sld [smem:$0x7F5];
	_ =	sdelay $0x1  }
0xda: {  	s6 =	simm.s32 $0x9280  }
0xdb: {  	[tilespmem:s6], [sflag:$0x1] =	stream.linear.gather [spmem:s5], $0x80, $0x38;
	[tilespmem:$0xC680] =	vst v63  }
0xdc: {  	s5 =	sld [smem:$0x7F6];
	_ =	sdelay $0x1  }
0xdd: {  	s6 =	simm.s32 $0x9680  }
0xde: {  	[tilespmem:s6], [sflag:$0x1] =	stream.linear.gather [spmem:s5], $0x80, $0x38;
	[tilespmem:$0xC680] =	vst v63  }
0xdf: {  	s5 =	sld [smem:$0x7F7];
	_ =	sdelay $0x1  }
0xe0: {  	s6 =	simm.s32 $0x9A80  }
0xe1: {  	[tilespmem:s6], [sflag:$0x1] =	stream.linear.gather [spmem:s5], $0x80, $0x38;
	[tilespmem:$0xC680] =	vst v63  }
0xe2: {  	_ =	swait.ge [sflag:s30], $0x280  }
0xe3: {  	[sflag:s30] =	ssyncset.done $0x0  }
0xe4: {  	s6 =	simm.s32 $0x8B00;
	s5 =	rddreg [dreg:$0xe];
	[sflag:s30] =	ssyncadd.s32 $0xFFFFFD80  }
0xe5: {  	[tilespmem:s6], [sflag:$0x1] =	stream.linear.gather [spmem:s5], $0x80, $0x38;
	[tilespmem:$0xC680] =	vst v63  }
0xe6: {  	s5 =	sld [smem:$0x7F8];
	_ =	sdelay $0x1  }
0xe7: {  	s6 =	simm.s32 $0x8F00  }
0xe8: {  	[tilespmem:s6], [sflag:$0x1] =	stream.linear.gather [spmem:s5], $0x80, $0x38;
	[tilespmem:$0xC680] =	vst v63  }
0xe9: {  	s5 =	sld [smem:$0x7F9];
	_ =	sdelay $0x1  }
0xea: {  	s6 =	simm.s32 $0x9300  }
0xeb: {  	[tilespmem:s6], [sflag:$0x1] =	stream.linear.gather [spmem:s5], $0x80, $0x38;
	[tilespmem:$0xC680] =	vst v63  }
0xec: {  	s5 =	sld [smem:$0x7FA];
	_ =	sdelay $0x1  }
0xed: {  	s6 =	simm.s32 $0x9700  }
0xee: {  	[tilespmem:s6], [sflag:$0x1] =	stream.linear.gather [spmem:s5], $0x80, $0x38;
	[tilespmem:$0xC680] =	vst v63  }
0xef: {  	s5 =	sld [smem:$0x7FB];
	_ =	sdelay $0x1  }
0xf0: {  	s6 =	simm.s32 $0x9B00  }
0xf1: {  	[tilespmem:s6], [sflag:$0x1] =	stream.linear.gather [spmem:s5], $0x80, $0x38;
	[tilespmem:$0xC680] =	vst v63  }
0xf2: {  	_ =	swait.ge [sflag:s30], $0x280  }
0xf3: {  	[sflag:s30] =	ssyncset.done $0x0  }
0xf4: {  	s6 =	simm.s32 $0x8B80;
	s5 =	rddreg [dreg:$0xf];
	[sflag:s30] =	ssyncadd.s32 $0xFFFFFD80  }
0xf5: {  	[tilespmem:s6], [sflag:$0x1] =	stream.linear.gather [spmem:s5], $0x80, $0x38;
	[tilespmem:$0xC680] =	vst v63  }
0xf6: {  	s5 =	sld [smem:$0x7FC];
	_ =	sdelay $0x1  }
0xf7: {  	s6 =	simm.s32 $0x8F80  }
0xf8: {  	[tilespmem:s6], [sflag:$0x1] =	stream.linear.gather [spmem:s5], $0x80, $0x38;
	[tilespmem:$0xC680] =	vst v63  }
0xf9: {  	s5 =	sld [smem:$0x7FD];
	_ =	sdelay $0x1  }
0xfa: {  	s6 =	simm.s32 $0x9380  }
0xfb: {  	[tilespmem:s6], [sflag:$0x1] =	stream.linear.gather [spmem:s5], $0x80, $0x38;
	[tilespmem:$0xC680] =	vst v63  }
0xfc: {  	s5 =	simm.s32 $0x9780  }
0xfd: {  	[tilespmem:s5], [sflag:$0x1] =	stream.linear.gather [spmem:s7], $0x80, $0x38;
	[tilespmem:$0xC680] =	vst v63  }
0xfe: {  	s6 =	simm.s32 $0x9B80  }
0xff: {  	[tilespmem:s6], [sflag:$0x1] =	stream.linear.gather [spmem:s8], $0x80, $0x38;
	[tilespmem:$0xC680] =	vst v63  }
0x100: {  	_ =	swait.ge [sflag:s30], $0x280  }
0x101: {  	[sflag:s30] =	ssyncset.done $0x0  }
0x102: {  	s5 =	simm.s32 $0x8C00;
	s3 =	rddreg [dreg:$0x10];
	[sflag:s30] =	ssyncadd.s32 $0xFFFFFD80  }
0x103: {  	[tilespmem:s5], [sflag:$0x1] =	stream.linear.gather [spmem:s3], $0x80, $0x38;
	[tilespmem:$0xC680] =	vst v63  }
0x104: {  	s6 =	simm.s32 $0x9000  }
0x105: {  	[tilespmem:s6], [sflag:$0x1] =	stream.linear.gather [spmem:s9], $0x80, $0x38;
	[tilespmem:$0xC680] =	vst v63  }
0x106: {  	s3 =	simm.s32 $0x9400  }
0x107: {  	[tilespmem:s3], [sflag:$0x1] =	stream.linear.gather [spmem:s10], $0x80, $0x38;
	[tilespmem:$0xC680] =	vst v63  }
0x108: {  	s5 =	simm.s32 $0x9800  }
0x109: {  	[tilespmem:s5], [sflag:$0x1] =	stream.linear.gather [spmem:s11], $0x80, $0x38;
	[tilespmem:$0xC680] =	vst v63  }
0x10a: {  	s6 =	simm.s32 $0x9C00  }
0x10b: {  	[tilespmem:s6], [sflag:$0x1] =	stream.linear.gather [spmem:s12], $0x80, $0x38;
	[tilespmem:$0xC680] =	vst v63  }
0x10c: {  	_ =	swait.ge [sflag:s30], $0x280  }
0x10d: {  	[sflag:s30] =	ssyncset.done $0x0  }
0x10e: {  	s5 =	simm.s32 $0x8C80;
	s3 =	rddreg [dreg:$0x11];
	[sflag:s30] =	ssyncadd.s32 $0xFFFFFD80  }
0x10f: {  	[tilespmem:s5], [sflag:$0x1] =	stream.linear.gather [spmem:s3], $0x80, $0x38;
	[tilespmem:$0xC680] =	vst v63  }
0x110: {  	s6 =	simm.s32 $0x9080  }
0x111: {  	[tilespmem:s6], [sflag:$0x1] =	stream.linear.gather [spmem:s13], $0x80, $0x38;
	[tilespmem:$0xC680] =	vst v63  }
0x112: {  	s3 =	simm.s32 $0x9480  }
0x113: {  	[tilespmem:s3], [sflag:$0x1] =	stream.linear.gather [spmem:s14], $0x80, $0x38;
	[tilespmem:$0xC680] =	vst v63  }
0x114: {  	s5 =	simm.s32 $0x9880  }
0x115: {  	[tilespmem:s5], [sflag:$0x1] =	stream.linear.gather [spmem:s15], $0x80, $0x38;
	[tilespmem:$0xC680] =	vst v63  }
0x116: {  	s6 =	simm.s32 $0x9C80  }
0x117: {  	[tilespmem:s6], [sflag:$0x1] =	stream.linear.gather [spmem:s16], $0x80, $0x38;
	[tilespmem:$0xC680] =	vst v63  }
0x118: {  	_ =	swait.ge [sflag:s30], $0x280  }
0x119: {  	[sflag:s30] =	ssyncset.done $0x0  }
0x11a: {  	s5 =	simm.s32 $0x8D00;
	s3 =	rddreg [dreg:$0x12];
	[sflag:s30] =	ssyncadd.s32 $0xFFFFFD80  }
0x11b: {  	[tilespmem:s5], [sflag:$0x1] =	stream.linear.gather [spmem:s3], $0x80, $0x38;
	[tilespmem:$0xC680] =	vst v63  }
0x11c: {  	s6 =	simm.s32 $0x9100  }
0x11d: {  	[tilespmem:s6], [sflag:$0x1] =	stream.linear.gather [spmem:s17], $0x80, $0x38;
	[tilespmem:$0xC680] =	vst v63  }
0x11e: {  	s3 =	simm.s32 $0x9500  }
0x11f: {  	[tilespmem:s3], [sflag:$0x1] =	stream.linear.gather [spmem:s18], $0x80, $0x38;
	[tilespmem:$0xC680] =	vst v63  }
0x120: {  	s5 =	simm.s32 $0x9900  }
0x121: {  	[tilespmem:s5], [sflag:$0x1] =	stream.linear.gather [spmem:s19], $0x80, $0x38;
	[tilespmem:$0xC680] =	vst v63  }
0x122: {  	s6 =	simm.s32 $0x9D00  }
0x123: {  	[tilespmem:s6], [sflag:$0x1] =	stream.linear.gather [spmem:s20], $0x80, $0x38;
	[tilespmem:$0xC680] =	vst v63  }
0x124: {  	_ =	swait.ge [sflag:s30], $0x280  }
0x125: {  	[sflag:s30] =	ssyncset.done $0x0  }
0x126: {  	s5 =	simm.s32 $0x8D80;
	s3 =	rddreg [dreg:$0x13];
	[sflag:s30] =	ssyncadd.s32 $0xFFFFFD80  }
0x127: {  	[tilespmem:s5], [sflag:$0x1] =	stream.linear.gather [spmem:s3], $0x80, $0x38;
	[tilespmem:$0xC680] =	vst v63  }
0x128: {  	s6 =	simm.s32 $0x9180  }
0x129: {  	[tilespmem:s6], [sflag:$0x1] =	stream.linear.gather [spmem:s21], $0x80, $0x38;
	[tilespmem:$0xC680] =	vst v63  }
0x12a: {  	s3 =	simm.s32 $0x9580  }
0x12b: {  	[tilespmem:s3], [sflag:$0x1] =	stream.linear.gather [spmem:s22], $0x80, $0x38;
	[tilespmem:$0xC680] =	vst v63  }
0x12c: {  	s5 =	simm.s32 $0x9980  }
0x12d: {  	[tilespmem:s5], [sflag:$0x1] =	stream.linear.gather [spmem:s23], $0x80, $0x38;
	[tilespmem:$0xC680] =	vst v63  }
0x12e: {  	s6 =	simm.s32 $0x9D80  }
0x12f: {  	[tilespmem:s6], [sflag:$0x1] =	stream.linear.gather [spmem:s24], $0x80, $0x38;
	[tilespmem:$0xC680] =	vst v63  }
0x130: {  	_ =	swait.ge [sflag:s30], $0x280  }
0x131: {  	[sflag:s30] =	ssyncset.done $0x0  }
0x132: {  	s5 =	simm.s32 $0x8E00;
	s3 =	rddreg [dreg:$0x14];
	[sflag:s30] =	ssyncadd.s32 $0xFFFFFD80  }
0x133: {  	[tilespmem:s5], [sflag:$0x1] =	stream.linear.gather [spmem:s3], $0x80, $0x38;
	[tilespmem:$0xC680] =	vst v63  }
0x134: {  	s6 =	simm.s32 $0x9200  }
0x135: {  	[tilespmem:s6], [sflag:$0x1] =	stream.linear.gather [spmem:s25], $0x80, $0x38;
	[tilespmem:$0xC680] =	vst v63  }
0x136: {  	s3 =	simm.s32 $0x9600  }
0x137: {  	[tilespmem:s3], [sflag:$0x1] =	stream.linear.gather [spmem:s26], $0x80, $0x38;
	[tilespmem:$0xC680] =	vst v63  }
0x138: {  	s5 =	simm.s32 $0x9A00  }
0x139: {  	[tilespmem:s5], [sflag:$0x1] =	stream.linear.gather [spmem:s28], $0x80, $0x38;
	[tilespmem:$0xC680] =	vst v63  }
0x13a: {  	s6 =	simm.s32 $0x9E00  }
0x13b: {  	[tilespmem:s6], [sflag:$0x1] =	stream.linear.gather [spmem:s29], $0x80, $0x38;
	[tilespmem:$0xC680] =	vst v63  }
0x13c: {  	_ =	swait.ge [sflag:s30], $0x280  }
0x13d: {  	s3 =	sand.u32 $0x70, s0;
	s5 =	sand.u32 $0x1C00, s0;
	[sflag:s30] =	ssyncset.done $0x0  }
0x13e: {  	s1 =	sor.u32 s3, s5;
	[sflag:s30] =	ssyncadd.s32 $0xFFFFFD80  }
0x13f: {  	v2 =	vld [tilespmem:s1+$0x7680];
	_ =	sdelay $0x1  }
0x140: {  	v3 =	vld [tilespmem:s1+$0x7700];
	_ =	sdelay $0x1  }
0x141: {  	v4 =	vld [tilespmem:s1+$0x7780]  }
0x142: {  	v2 =	vadd.f32 $0.0e+00, v2  }
0x143: {  	v5 =	vld [tilespmem:s1+$0x7800]  }
0x144: {  	v2 =	vadd.f32 v3, v2  }
0x145: {  	v3 =	vld [tilespmem:s1+$0x7880]  }
0x146: {  	v2 =	vadd.f32 v4, v2  }
0x147: {  	v56 =	vld [tilespmem:s1+$0x7900]  }
0x148: {  	v2 =	vadd.f32 v5, v2  }
0x149: {  	v57 =	vld [tilespmem:s1+$0x7980]  }
0x14a: {  	v2 =	vadd.f32 v3, v2  }
0x14b: {  	v3 =	vld [tilespmem:s1+$0x7A00]  }
0x14c: {  	v2 =	vadd.f32 v56, v2  }
0x14d: {  	v58 =	vld [tilespmem:s1+$0x8A80]  }
0x14e: {  	v2 =	vadd.f32 v57, v2  }
0x14f: {  	v59 =	vld [tilespmem:s1+$0x8B00]  }
0x150: {  	v2 =	vadd.f32 v3, v2  }
0x151: {  	v3 =	vld [tilespmem:s1+$0x8B80]  }
0x152: {  	v2 =	vadd.f32 v58, v2  }
0x153: {  	v60 =	vld [tilespmem:s1+$0x8C00]  }
0x154: {  	v2 =	vadd.f32 v59, v2  }
0x155: {  	v61 =	vld [tilespmem:s1+$0x8C80]  }
0x156: {  	v2 =	vadd.f32 v3, v2  }
0x157: {  	v3 =	vld [tilespmem:s1+$0x8D00]  }
0x158: {  	v2 =	vadd.f32 v60, v2  }
0x159: {  	v62 =	vld [tilespmem:s1+$0x8D80]  }
0x15a: {  	v2 =	vadd.f32 v61, v2  }
0x15b: {  	v63 =	vld [tilespmem:s1+$0x8E00]  }
0x15c: {  	v2 =	vadd.f32 v3, v2;
	_ =	sdelay $0x1  }
0x15d: {  	v2 =	vadd.f32 v62, v2;
	_ =	sdelay $0x1  }
0x15e: {  	s6 =	simm.s32 $0x10;
	s1 =	simm.s32 $0x80;
	v2 =	vadd.f32 v63, v2  }
0x15f: {  	s3 =	simm.s32 $0x20;
	s5 =	sand.u32 $0x70, s6;
	s6 =	sand.u32 $0x1C00, s1  }
.LBB2_6:
0x160: {  	p0 =	sne.s32 s3, $0x270;
	s5 =	sor.u32 s5, s6;
	[tilespmem:s0+$0x0] =	vst v2  }
0x161: {  	v2 =	vld [tilespmem:s5+$0x7680];
	_ =	sdelay $0x1  }
0x162: {  	v3 =	vld [tilespmem:s5+$0x7700];
	_ =	sdelay $0x1  }
0x163: {  	v4 =	vld [tilespmem:s5+$0x7780]  }
0x164: {  	v2 =	vadd.f32 $0.0e+00, v2  }
0x165: {  	v5 =	vld [tilespmem:s5+$0x7800]  }
0x166: {  	v2 =	vadd.f32 v3, v2  }
0x167: {  	v3 =	vld [tilespmem:s5+$0x7880]  }
0x168: {  	v2 =	vadd.f32 v4, v2  }
0x169: {  	v4 =	vld [tilespmem:s5+$0x7900]  }
0x16a: {  	v2 =	vadd.f32 v5, v2  }
0x16b: {  	v5 =	vld [tilespmem:s5+$0x7980]  }
0x16c: {  	v2 =	vadd.f32 v3, v2  }
0x16d: {  	v3 =	vld [tilespmem:s5+$0x7A00]  }
0x16e: {  	v2 =	vadd.f32 v4, v2  }
0x16f: {  	v4 =	vld [tilespmem:s5+$0x8A80]  }
0x170: {  	v2 =	vadd.f32 v5, v2  }
0x171: {  	v5 =	vld [tilespmem:s5+$0x8B00]  }
0x172: {  	v2 =	vadd.f32 v3, v2  }
0x173: {  	v3 =	vld [tilespmem:s5+$0x8B80]  }
0x174: {  	v2 =	vadd.f32 v4, v2  }
0x175: {  	v4 =	vld [tilespmem:s5+$0x8C00]  }
0x176: {  	v2 =	vadd.f32 v5, v2  }
0x177: {  	v5 =	vld [tilespmem:s5+$0x8C80]  }
0x178: {  	v2 =	vadd.f32 v3, v2  }
0x179: {  	v3 =	vld [tilespmem:s5+$0x8D00]  }
0x17a: {  	v2 =	vadd.f32 v4, v2  }
0x17b: {  	v4 =	vld [tilespmem:s5+$0x8D80]  }
0x17c: {  	v2 =	vadd.f32 v5, v2  }
0x17d: {  	v5 =	vld [tilespmem:s5+$0x8E00]  }
0x17e: {  	v2 =	vadd.f32 v3, v2  }
.Ltmp2:
0x17f: {  	(pc) =	sbr.rel @p0 .LBB2_6-.Ltmp2, $3  }
0x180: {  	v2 =	vadd.f32 v4, v2;
	_ =	sdelay $0x1  }
0x181: {  	s1 =	sadd.s32 $0x80, s1;
	s0 =	sadd.s32 $0x10, s0;
	v2 =	vadd.f32 v5, v2  }
0x182: {  	s6 =	sand.u32 $0x1C00, s1;
	s5 =	sand.u32 $0x70, s3;
	s3 =	sadd.s32 $0x10, s3  }
0x183: {  	s1 =	sor.u32 s5, s6;
	[tilespmem:s0+$0x0] =	vst v2  }
0x184: {  	v2 =	vld [tilespmem:s1+$0x7680];
	_ =	sdelay $0x1  }
0x185: {  	v3 =	vld [tilespmem:s1+$0x7700];
	_ =	sdelay $0x1  }
0x186: {  	v4 =	vld [tilespmem:s1+$0x7780]  }
0x187: {  	v2 =	vadd.f32 $0.0e+00, v2  }
0x188: {  	v5 =	vld [tilespmem:s1+$0x7800]  }
0x189: {  	v2 =	vadd.f32 v3, v2  }
0x18a: {  	v3 =	vld [tilespmem:s1+$0x7880]  }
0x18b: {  	v2 =	vadd.f32 v4, v2  }
0x18c: {  	v56 =	vld [tilespmem:s1+$0x7900]  }
0x18d: {  	v2 =	vadd.f32 v5, v2  }
0x18e: {  	v57 =	vld [tilespmem:s1+$0x7980]  }
0x18f: {  	v2 =	vadd.f32 v3, v2  }
0x190: {  	v3 =	vld [tilespmem:s1+$0x7A00]  }
0x191: {  	v2 =	vadd.f32 v56, v2  }
0x192: {  	v58 =	vld [tilespmem:s1+$0x8A80]  }
0x193: {  	v2 =	vadd.f32 v57, v2  }
0x194: {  	v59 =	vld [tilespmem:s1+$0x8B00]  }
0x195: {  	v2 =	vadd.f32 v3, v2  }
0x196: {  	v3 =	vld [tilespmem:s1+$0x8B80]  }
0x197: {  	v2 =	vadd.f32 v58, v2  }
0x198: {  	v60 =	vld [tilespmem:s1+$0x8C00]  }
0x199: {  	v2 =	vadd.f32 v59, v2  }
0x19a: {  	v61 =	vld [tilespmem:s1+$0x8C80]  }
0x19b: {  	v2 =	vadd.f32 v3, v2  }
0x19c: {  	v3 =	vld [tilespmem:s1+$0x8D00]  }
0x19d: {  	v2 =	vadd.f32 v60, v2  }
0x19e: {  	v62 =	vld [tilespmem:s1+$0x8D80]  }
0x19f: {  	v2 =	vadd.f32 v61, v2  }
0x1a0: {  	v63 =	vld [tilespmem:s1+$0x8E00]  }
0x1a1: {  	v2 =	vadd.f32 v3, v2;
	_ =	sdelay $0x1  }
0x1a2: {  	v2 =	vadd.f32 v62, v2;
	_ =	sdelay $0x1  }
0x1a3: {  	v2 =	vadd.f32 v63, v2  }
0x1a4: {  	s3 =	sadd.s32 $0x10, s0  }
0x1a5: {  	s5 =	rddreg [dreg:$0x15];
	[tilespmem:s3+$0x0] =	vst v2  }
0x1a6: {  	[hbm4b:s5+s2] =	stream.linear.scatter [tilespmem:s2], [sflag:$0x1], $0x280, $0x38;
	[tilespmem:$0xC680] =	vst v63  }
0x1a7: {  	_ =	swait.ge [sflag:s30], $0x280  }
0x1a8: {  	s31 =	sadd.s32 $0x1, s31;
	s6 =	rddreg [dreg:$0x16]  }
0x1a9: {  	p0 =	sne.s32 s31, s6  }
.Ltmp3:
0x1aa: {  	_ = 	snop;
	(pc) =	sbr.rel @p0 .LBB2_1-.Ltmp3, $3  }
0x1ab: {  	_ =	sdelay $0x1  }
0x1ac: {  	[sflag:s30] =	ssyncset.done $0x0  }
0x1ad: {  	[sflag:s30] =	ssyncadd.s32 $0xFFFFFD80  }
0x1ae: {  	_ =	sfence.sel $0x180000  }
0x1af: {  	[bflag:$0x0] =	sbarrier.arrive $0xFFFF  }
0x1b0: {  	_ =	strace $0x90000047  }
0x1b1: {  	s0 =	stileid.u32;
	[bflag:$0x2] =	sbarrier.arrive $0xFFFF  }
0x1b2: {  	p0 =	sne.s32 s0, $0x0;
	s0 =	rddreg [dreg:$0x3]  }
0x1b3: {  	s0 =	sadd.s32 @!p0 $0x100000, s0  }
0x1b4: {  	[sflag:s0] =	ssyncadd.tile.s32 @!p0 $0x1;
	_ =	shalt  }
.Lfunc_end2:
_tile_overlayer_lowered:
.L_overlay_start_2:
0x1b5: {  	(tag) =	ssettag $0x2  }
0x1b6: {  	s0 =	rddreg [dreg:$0x0];
	s2 =	stileid.u32  }
0x1b7: {  	s1 =	rddreg [dreg:$0x1];
	p0 =	sne.s32 s2, $0x0  }
0x1b8: {  	s3 =	rddreg [dreg:$0x2];
	[bflag:$0x3] =	sbarrier.arrive $0xFFFF;
	s2 =	simm.s32 @!p0 $0x1C01  }
0x1b9: {  	[timem:s3], [sflag:s2] =	dma.local @!p0 [hbm:s0], s1  }
0x1ba: {  	s0 =	simm.s32 @!p0 $0x1  }
0x1bb: {  	_ =	swait.ge @!p0 [sflag:s0], s1  }
0x1bc: {  	s1 =	ssub.s32 @!p0 $0x0, s1;
	[sflag:s0] =	ssyncset.done @!p0 $0x0  }
0x1bd: {  	[sflag:s0] =	ssyncadd.s32 @!p0 s1  }
0x1be: {  	[bflag:$0x3] =	sbarrier.arrive $0xFFFF  }
0x1bf: {  	_ =	shalt  }

</sc_bundles>
